<compile_context>
chip_gen: v7x
topology: tpu7x:2x2x1
jax: 0.10.2.dev20260603
libtpu: 0.0.44.dev20260713+nightly
codegen_flags: <defaults>
</compile_context>

<pallas_src>
import jax
import jax.numpy as jnp
from jax import lax
from jax.experimental import pallas as pl
from jax.experimental.pallas import tpu as pltpu
from jax.experimental.pallas import tpu_sc as plsc

N_NODE = 10000
D_FEAT = 128
D_OUT = 16
N_EDGES = 320000

NC, NS = 2, 16
CHUNK = 2000
EDGES_PER_TILE = N_EDGES // NS
N_CHUNKS = EDGES_PER_TILE // CHUNK
ROWS_PER_TILE = 624
LAST_ROWS = N_NODE - ROWS_PER_TILE * (NS - 1)
BLK = 10000


def _stage1_body(xa_ref, xt_ref, wl1_ref, bl1_ref, wr1_ref, wl2_ref, bl2_ref,
                 wr2_ref, h1_ref, h2_ref, r1_ref, r2_ref):
    xa = xa_ref[...]
    xt = xt_ref[...]
    h1_ref[...] = jnp.dot(xa, wl1_ref[...], preferred_element_type=jnp.float32)
    h2_ref[...] = jnp.dot(xt, wl2_ref[...], preferred_element_type=jnp.float32)
    r1_ref[...] = jnp.dot(xt, wr1_ref[...],
                          preferred_element_type=jnp.float32) + bl1_ref[...]
    r2_ref[...] = jnp.dot(xa, wr2_ref[...],
                          preferred_element_type=jnp.float32) + bl2_ref[...]


def _segment_kernel(h1_hbm, e1_hbm, h2_hbm, e2_hbm, r1_hbm, r2_hbm,
                    out1_hbm, out2_hbm,
                    acc, cnt, h_sp, src_all, dst_all, rows_v0, rows_v1, ones_v,
                    cnt_v, g_sem0, g_sem1, s_sem0, s_sem1, c_sem0, c_sem1):
    cid = lax.axis_index("c")
    sid = lax.axis_index("s")

    def zero_init():
        z16 = jnp.zeros((16,), jnp.float32)
        o16 = jnp.ones((16,), jnp.float32)

        def zbody(i, _):
            rows_v0[i, pl.ds(0, 16)] = z16
            return 0
        lax.fori_loop(0, LAST_ROWS, zbody, 0)

        def zcbody(i, _):
            cnt_v[pl.ds(i * 16, 16)] = z16
            return 0
        lax.fori_loop(0, LAST_ROWS // 16, zcbody, 0)

        def obody(i, _):
            ones_v[pl.ds(i * 16, 16)] = o16
            return 0
        lax.fori_loop(0, CHUNK // 16, obody, 0)

        def zero_acc(rbase, rws):
            pltpu.sync_copy(rows_v0.at[pl.ds(0, rws)], acc.at[pl.ds(rbase, rws)])
            pltpu.sync_copy(cnt_v.at[pl.ds(0, rws)], cnt.at[pl.ds(rbase, rws)])

        @pl.when(sid < NS - 1)
        def _():
            zero_acc(sid * ROWS_PER_TILE, ROWS_PER_TILE)

        @pl.when(sid == NS - 1)
        def _():
            zero_acc((NS - 1) * ROWS_PER_TILE, LAST_ROWS)

    def process(h_hbm, e_hbm, r_hbm, out_hbm):
        base = sid * EDGES_PER_TILE
        pltpu.async_copy(e_hbm.at[0, pl.ds(base, EDGES_PER_TILE)], src_all,
                         s_sem0)
        pltpu.async_copy(e_hbm.at[1, pl.ds(base, EDGES_PER_TILE)], dst_all,
                         s_sem1)

        @pl.when(sid < NS - 1)
        def _():
            pltpu.async_copy(h_hbm.at[pl.ds(sid * ROWS_PER_TILE, ROWS_PER_TILE)],
                             h_sp.at[pl.ds(sid * ROWS_PER_TILE, ROWS_PER_TILE)],
                             c_sem0)

        @pl.when(sid == NS - 1)
        def _():
            pltpu.async_copy(h_hbm.at[pl.ds((NS - 1) * ROWS_PER_TILE, LAST_ROWS)],
                             h_sp.at[pl.ds((NS - 1) * ROWS_PER_TILE, LAST_ROWS)],
                             c_sem0)

        zero_init()
        pltpu.make_async_copy(e_hbm.at[0, pl.ds(base, EDGES_PER_TILE)],
                              src_all, s_sem0).wait()
        pltpu.make_async_copy(e_hbm.at[1, pl.ds(base, EDGES_PER_TILE)],
                              dst_all, s_sem1).wait()

        @pl.when(sid < NS - 1)
        def _():
            pltpu.make_async_copy(
                h_hbm.at[pl.ds(sid * ROWS_PER_TILE, ROWS_PER_TILE)],
                h_sp.at[pl.ds(sid * ROWS_PER_TILE, ROWS_PER_TILE)],
                c_sem0).wait()

        @pl.when(sid == NS - 1)
        def _():
            pltpu.make_async_copy(
                h_hbm.at[pl.ds((NS - 1) * ROWS_PER_TILE, LAST_ROWS)],
                h_sp.at[pl.ds((NS - 1) * ROWS_PER_TILE, LAST_ROWS)],
                c_sem0).wait()
        plsc.subcore_barrier()

        rows = (rows_v0, rows_v1)
        g_sem = (g_sem0, g_sem1)
        s_sem = (s_sem0, s_sem1)
        c_sem = (c_sem0, c_sem1)

        def gather_start(g, b):
            pltpu.async_copy(h_sp.at[src_all.at[pl.ds(g * CHUNK, CHUNK)]],
                             rows[b], g_sem[b])

        def gather_wait(g, b):
            pltpu.make_async_copy(
                h_sp.at[src_all.at[pl.ds(g * CHUNK, CHUNK)]],
                rows[b], g_sem[b]).wait()

        def scatter_start(g, b):
            di = dst_all.at[pl.ds(g * CHUNK, CHUNK)]
            pltpu.async_copy(rows[b], acc.at[di], s_sem[b], add=True)
            pltpu.async_copy(ones_v, cnt.at[di], c_sem[b], add=True)

        def scatter_wait(g, b):
            di = dst_all.at[pl.ds(g * CHUNK, CHUNK)]
            pltpu.make_async_copy(rows[b], acc.at[di], s_sem[b]).wait()
            pltpu.make_async_copy(ones_v, cnt.at[di], c_sem[b]).wait()

        gather_start(0, 0)
        gather_wait(0, 0)
        scatter_start(0, 0)
        gather_start(1, 1)

        def pair_body(p, _):
            g = 2 * p + 1
            gather_wait(g, 1)
            scatter_start(g, 1)
            scatter_wait(g - 1, 0)
            gather_start(g + 1, 0)
            gather_wait(g + 1, 0)
            scatter_start(g + 1, 0)
            scatter_wait(g, 1)
            gather_start(g + 2, 1)
            return 0
        lax.fori_loop(0, (N_CHUNKS - 2) // 2, pair_body, 0)

        gather_wait(N_CHUNKS - 1, 1)
        scatter_start(N_CHUNKS - 1, 1)
        scatter_wait(N_CHUNKS - 2, 0)
        scatter_wait(N_CHUNKS - 1, 1)
        plsc.subcore_barrier()

        def finish(rbase, rws):
            pltpu.sync_copy(acc.at[pl.ds(rbase, rws)],
                            rows_v0.at[pl.ds(0, rws)])
            pltpu.sync_copy(cnt.at[pl.ds(rbase, rws)],
                            cnt_v.at[pl.ds(0, rws)])
            pltpu.sync_copy(r_hbm.at[pl.ds(rbase, rws)],
                            rows_v1.at[pl.ds(0, rws)])

            def grp(j, _):
                c16 = cnt_v[pl.ds(j * 16, 16)]
                ones_v[pl.ds(j * 16, 16)] = 1.0 / jnp.maximum(c16, 1.0)
                return 0
            lax.fori_loop(0, rws // 16, grp, 0)

            def rowb(i, _):
                s = ones_v[pl.ds(i, 16)][0]
                rows_v0[i, pl.ds(0, 16)] = (rows_v0[i, pl.ds(0, 16)] * s
                                            + rows_v1[i, pl.ds(0, 16)])
                return 0
            lax.fori_loop(0, rws, rowb, 0)
            pltpu.sync_copy(rows_v0.at[pl.ds(0, rws)],
                            out_hbm.at[pl.ds(rbase, rws)])

        @pl.when(sid < NS - 1)
        def _():
            finish(sid * ROWS_PER_TILE, ROWS_PER_TILE)

        @pl.when(sid == NS - 1)
        def _():
            finish((NS - 1) * ROWS_PER_TILE, LAST_ROWS)

    @pl.when(cid == 0)
    def _():
        process(h1_hbm, e1_hbm, r1_hbm, out1_hbm)

    @pl.when(cid == 1)
    def _():
        process(h2_hbm, e2_hbm, r2_hbm, out2_hbm)


def kernel(x_account, x_transaction, edge_index_initiates, edge_index_receives,
           W_l1, b_l1, W_r1, W_l2, b_l2, W_r2):
    e1 = (edge_index_initiates if edge_index_initiates.dtype == jnp.int32
          else edge_index_initiates.astype(jnp.int32))
    e2 = (edge_index_receives if edge_index_receives.dtype == jnp.int32
          else edge_index_receives.astype(jnp.int32))

    stage1 = pl.pallas_call(
        _stage1_body,
        grid=(N_NODE // BLK,),
        in_specs=[
            pl.BlockSpec((BLK, D_FEAT), lambda i: (i, 0)),
            pl.BlockSpec((BLK, D_FEAT), lambda i: (i, 0)),
            pl.BlockSpec((D_FEAT, D_OUT), lambda i: (0, 0)),
            pl.BlockSpec((1, D_OUT), lambda i: (0, 0)),
            pl.BlockSpec((D_FEAT, D_OUT), lambda i: (0, 0)),
            pl.BlockSpec((D_FEAT, D_OUT), lambda i: (0, 0)),
            pl.BlockSpec((1, D_OUT), lambda i: (0, 0)),
            pl.BlockSpec((D_FEAT, D_OUT), lambda i: (0, 0)),
        ],
        out_specs=[
            pl.BlockSpec((BLK, D_OUT), lambda i: (i, 0)),
            pl.BlockSpec((BLK, D_OUT), lambda i: (i, 0)),
            pl.BlockSpec((BLK, D_OUT), lambda i: (i, 0)),
            pl.BlockSpec((BLK, D_OUT), lambda i: (i, 0)),
        ],
        out_shape=[
            jax.ShapeDtypeStruct((N_NODE, D_OUT), jnp.float32),
            jax.ShapeDtypeStruct((N_NODE, D_OUT), jnp.float32),
            jax.ShapeDtypeStruct((N_NODE, D_OUT), jnp.float32),
            jax.ShapeDtypeStruct((N_NODE, D_OUT), jnp.float32),
        ],
    )
    h1, h2, r1, r2 = stage1(x_account, x_transaction,
                            W_l1, b_l1.reshape(1, D_OUT), W_r1,
                            W_l2, b_l2.reshape(1, D_OUT), W_r2)

    seg = pl.kernel(
        _segment_kernel,
        out_type=[
            jax.ShapeDtypeStruct((N_NODE, D_OUT), jnp.float32),
            jax.ShapeDtypeStruct((N_NODE, D_OUT), jnp.float32),
        ],
        mesh=plsc.VectorSubcoreMesh(core_axis_name="c", subcore_axis_name="s",
                                    num_cores=NC, num_subcores=NS),
        compiler_params=pltpu.CompilerParams(use_tc_tiling_on_sc=False,
                                             skip_device_barrier=True),
        scratch_types=[
            pltpu.VMEM_SHARED((N_NODE, D_OUT), jnp.float32),
            pltpu.VMEM_SHARED((N_NODE,), jnp.float32),
            pltpu.VMEM_SHARED((N_NODE, D_OUT), jnp.float32),
            pltpu.VMEM((EDGES_PER_TILE,), jnp.int32),
            pltpu.VMEM((EDGES_PER_TILE,), jnp.int32),
            pltpu.VMEM((CHUNK, D_OUT), jnp.float32),
            pltpu.VMEM((CHUNK, D_OUT), jnp.float32),
            pltpu.VMEM((CHUNK,), jnp.float32),
            pltpu.VMEM((LAST_ROWS,), jnp.float32),
            pltpu.SemaphoreType.DMA,
            pltpu.SemaphoreType.DMA,
            pltpu.SemaphoreType.DMA,
            pltpu.SemaphoreType.DMA,
            pltpu.SemaphoreType.DMA,
            pltpu.SemaphoreType.DMA,
        ],
    )
    out_transaction, out_account = seg(h1, e1, h2, e2, r1, r2)
    return (out_transaction, out_account)

# --- scband reference (transcript-rebuilt; emitter-appended) ---
"""Pipeline reference for scband-hetero-graph-encoder-65429531787293 (READ-ONLY COPY).

The authoritative reference and input builder live on the scoring server;
editing this copy changes nothing except your own understanding.
"""

import jax, jax.numpy as jnp
import numpy as np

N_ACCOUNT = 10000
N_TRANSACTION = 10000
D_FEAT = 128
D_OUT = 16
N_EDGES = 320000


def setup_inputs(seed: int = 0) -> dict:
    key = jax.random.key(seed)
    ks = jax.random.split(key, 12)
    x_account = jax.random.normal(ks[0], (N_ACCOUNT, D_FEAT), dtype=jnp.float32)
    x_transaction = jax.random.normal(ks[1], (N_TRANSACTION, D_FEAT), dtype=jnp.float32)
    edge_index_initiates = jax.random.randint(ks[2], (2, N_EDGES), 0, N_ACCOUNT, dtype=jnp.int64 if jax.config.jax_enable_x64 else jnp.int32)
    edge_index_receives = jax.random.randint(ks[3], (2, N_EDGES), 0, N_ACCOUNT, dtype=jnp.int64 if jax.config.jax_enable_x64 else jnp.int32)
    s = 1.0 / np.sqrt(D_FEAT)
    # SAGEConv for ('account','initiates','transaction'): lin_l (with bias), lin_r (no bias)
    W_l1 = jax.random.uniform(ks[4], (D_FEAT, D_OUT), jnp.float32, -s, s)
    b_l1 = jax.random.uniform(ks[5], (D_OUT,), jnp.float32, -s, s)
    W_r1 = jax.random.uniform(ks[6], (D_FEAT, D_OUT), jnp.float32, -s, s)
    # SAGEConv for ('transaction','receives','account')
    W_l2 = jax.random.uniform(ks[7], (D_FEAT, D_OUT), jnp.float32, -s, s)
    b_l2 = jax.random.uniform(ks[8], (D_OUT,), jnp.float32, -s, s)
    W_r2 = jax.random.uniform(ks[9], (D_FEAT, D_OUT), jnp.float32, -s, s)
    return {
        "x_account": x_account,
        "x_transaction": x_transaction,
        "edge_index_initiates": edge_index_initiates,
        "edge_index_receives": edge_index_receives,
        "W_l1": W_l1, "b_l1": b_l1, "W_r1": W_r1,
        "W_l2": W_l2, "b_l2": b_l2, "W_r2": W_r2,
    }


def _sage_conv(x_src, x_dst, edge_index, W_l, b_l, W_r, num_dst):
    # PyG SAGEConv with mean aggregation:
    # out = lin_l(mean_{j in N(i)} x_j) + lin_r(x_i)
    src = edge_index[0]
    dst = edge_index[1]
    msgs = jnp.take(x_src, src, axis=0)                       # gather  [E, d]
    summed = jax.ops.segment_sum(msgs, dst, num_segments=num_dst)
    cnt = jax.ops.segment_sum(jnp.ones((edge_index.shape[1], 1), dtype=x_src.dtype), dst, num_segments=num_dst)
    mean = summed / jnp.clip(cnt, 1.0, None)
    return mean @ W_l + b_l + x_dst @ W_r


def reference(x_account, x_transaction, edge_index_initiates, edge_index_receives,
              W_l1, b_l1, W_r1, W_l2, b_l2, W_r2):
    # HeteroConv with aggr='mean'; each dst type has exactly one relation,
    # so the group-mean is the identity over a single entry.
    out_transaction = _sage_conv(x_account, x_transaction, edge_index_initiates,
                                 W_l1, b_l1, W_r1, N_TRANSACTION)
    out_account = _sage_conv(x_transaction, x_account, edge_index_receives,
                             W_l2, b_l2, W_r2, N_ACCOUNT)
    # x_dict = {'transaction': out_transaction, 'account': out_account}
    return (out_transaction, out_account)

if __name__ == "__main__":
    import jax
    _d = setup_inputs()
    print(jax.jit(kernel)(*tuple(_d.values())))

</pallas_src>

<mosaic_0001>
#map = affine_map<(d0, d1) -> (0, 0)>
module attributes {stable_mosaic.version = 14 : i64} {
  func.func @_segment_kernel(%arg0: i32, %arg1: i32, %arg2: memref<10000x16xf32, #tpu.memory_space<hbm>>, %arg3: memref<2x320000xi32, #tpu.memory_space<hbm>>, %arg4: memref<10000x16xf32, #tpu.memory_space<hbm>>, %arg5: memref<2x320000xi32, #tpu.memory_space<hbm>>, %arg6: memref<10000x16xf32, #tpu.memory_space<hbm>>, %arg7: memref<10000x16xf32, #tpu.memory_space<hbm>>, %arg8: memref<10000x16xf32, #tpu.memory_space<hbm>>, %arg9: memref<10000x16xf32, #tpu.memory_space<hbm>>, %arg10: memref<10000x16xf32, #tpu.memory_space<vmem_shared>>, %arg11: memref<10000xf32, #tpu.memory_space<vmem_shared>>, %arg12: memref<10000x16xf32, #tpu.memory_space<vmem_shared>>, %arg13: memref<20000xi32, #tpu.memory_space<vmem>>, %arg14: memref<20000xi32, #tpu.memory_space<vmem>>, %arg15: memref<2000x16xf32, #tpu.memory_space<vmem>>, %arg16: memref<2000x16xf32, #tpu.memory_space<vmem>>, %arg17: memref<2000xf32, #tpu.memory_space<vmem>>, %arg18: memref<640xf32, #tpu.memory_space<vmem>>, %arg19: memref<!tpu.dma_semaphore, #tpu.memory_space<semaphore_mem>>, %arg20: memref<!tpu.dma_semaphore, #tpu.memory_space<semaphore_mem>>, %arg21: memref<!tpu.dma_semaphore, #tpu.memory_space<semaphore_mem>>, %arg22: memref<!tpu.dma_semaphore, #tpu.memory_space<semaphore_mem>>, %arg23: memref<!tpu.dma_semaphore, #tpu.memory_space<semaphore_mem>>, %arg24: memref<!tpu.dma_semaphore, #tpu.memory_space<semaphore_mem>>) attributes {dimension_semantics = [#tpu.dimension_semantics<core_parallel>, #tpu.dimension_semantics<subcore_parallel>], iteration_bounds = array<i64: 2, 16>, scalar_prefetch = 0 : i64, scratch_operands = 15 : i64, tpu.core_type = #tpu.core_type<sc_vector_subcore>, window_params = [{transform_indices = #map}, {transform_indices = #map}, {transform_indices = #map}, {transform_indices = #map}, {transform_indices = #map}, {transform_indices = #map}, {transform_indices = #map}, {transform_indices = #map}]} {
    %eq3A = arith.constant 0 : i32
    %eq3A_0 = arith.cmpi eq, %arg0, %eq3A : i32
    %convert_element_type3A = arith.extui %eq3A_0 : i1 to i32
    %cond3A = arith.constant 0 : i32
    %cond3A_1 = arith.cmpi ne, %convert_element_type3A, %cond3A : i32
    scf.if %cond3A_1 {
      %mul3A = arith.constant 20000 : i32
      %mul3A_7 = arith.muli %arg1, %mul3A : i32
      %dma_start3A = arith.constant 0 : i32
      %dma_start3A_8 = tpu.memref_slice %arg3[%dma_start3A, %mul3A_7] : memref<2x320000xi32, #tpu.memory_space<hbm>> -> memref<1x20000xi32, #tpu.memory_space<hbm>>
      %dma_start3A_9 = tpu.memref_squeeze %dma_start3A_8 : memref<1x20000xi32, #tpu.memory_space<hbm>> -> memref<20000xi32, #tpu.memory_space<hbm>>
      %dma_start3A_10 = tpu.memref_slice %arg3[%dma_start3A, %mul3A_7] : memref<2x320000xi32, #tpu.memory_space<hbm>> -> memref<1x20000xi32, #tpu.memory_space<hbm>>
      %dma_start3A_11 = tpu.memref_squeeze %dma_start3A_10 : memref<1x20000xi32, #tpu.memory_space<hbm>> -> memref<20000xi32, #tpu.memory_space<hbm>>
      tpu.enqueue_dma source(%dma_start3A_11 : memref<20000xi32, #tpu.memory_space<hbm>>) target(%arg13 : memref<20000xi32, #tpu.memory_space<vmem>>) target_semaphore(%arg21 : memref<!tpu.dma_semaphore, #tpu.memory_space<semaphore_mem>>)
      %dma_start3A_12 = arith.constant 1 : i32
      %dma_start3A_13 = tpu.memref_slice %arg3[%dma_start3A_12, %mul3A_7] : memref<2x320000xi32, #tpu.memory_space<hbm>> -> memref<1x20000xi32, #tpu.memory_space<hbm>>
      %dma_start3A_14 = tpu.memref_squeeze %dma_start3A_13 : memref<1x20000xi32, #tpu.memory_space<hbm>> -> memref<20000xi32, #tpu.memory_space<hbm>>
      %dma_start3A_15 = tpu.memref_slice %arg3[%dma_start3A_12, %mul3A_7] : memref<2x320000xi32, #tpu.memory_space<hbm>> -> memref<1x20000xi32, #tpu.memory_space<hbm>>
      %dma_start3A_16 = tpu.memref_squeeze %dma_start3A_15 : memref<1x20000xi32, #tpu.memory_space<hbm>> -> memref<20000xi32, #tpu.memory_space<hbm>>
      tpu.enqueue_dma source(%dma_start3A_16 : memref<20000xi32, #tpu.memory_space<hbm>>) target(%arg14 : memref<20000xi32, #tpu.memory_space<vmem>>) target_semaphore(%arg22 : memref<!tpu.dma_semaphore, #tpu.memory_space<semaphore_mem>>)
      %lt3A = arith.constant 15 : i32
      %lt3A_17 = arith.cmpi slt, %arg1, %lt3A : i32
      %convert_element_type3A_18 = arith.extui %lt3A_17 : i1 to i32
      %cond3A_19 = arith.constant 0 : i32
      %cond3A_20 = arith.cmpi ne, %convert_element_type3A_18, %cond3A_19 : i32
      scf.if %cond3A_20 {
        %mul3A_152 = arith.constant 624 : i32
        %mul3A_153 = arith.muli %arg1, %mul3A_152 : i32
        %mul3A_154 = arith.constant 624 : i32
        %mul3A_155 = arith.muli %arg1, %mul3A_154 : i32
        %dma_start3A_156 = arith.constant 0 : i32
        %dma_start3A_157 = tpu.memref_slice %arg12[%mul3A_155, %dma_start3A_156] : memref<10000x16xf32, #tpu.memory_space<vmem_shared>> -> memref<624x16xf32, #tpu.memory_space<vmem_shared>>
        %dma_start3A_158 = arith.constant 0 : i32
        %dma_start3A_159 = tpu.memref_slice %arg2[%mul3A_153, %dma_start3A_158] : memref<10000x16xf32, #tpu.memory_space<hbm>> -> memref<624x16xf32, #tpu.memory_space<hbm>>
        tpu.enqueue_dma source(%dma_start3A_159 : memref<624x16xf32, #tpu.memory_space<hbm>>) target(%dma_start3A_157 : memref<624x16xf32, #tpu.memory_space<vmem_shared>>) target_semaphore(%arg23 : memref<!tpu.dma_semaphore, #tpu.memory_space<semaphore_mem>>)
      } else {
      }
      %eq3A_21 = arith.constant 15 : i32
      %eq3A_22 = arith.cmpi eq, %arg1, %eq3A_21 : i32
      %convert_element_type3A_23 = arith.extui %eq3A_22 : i1 to i32
      %cond3A_24 = arith.constant 0 : i32
      %cond3A_25 = arith.cmpi ne, %convert_element_type3A_23, %cond3A_24 : i32
      scf.if %cond3A_25 {
        %dma_start3A_152 = arith.constant 9360 : i32
        %dma_start3A_153 = arith.constant 0 : i32
        %dma_start3A_154 = tpu.memref_slice %arg12[%dma_start3A_152, %dma_start3A_153] : memref<10000x16xf32, #tpu.memory_space<vmem_shared>> -> memref<640x16xf32, #tpu.memory_space<vmem_shared>>
        %dma_start3A_155 = arith.constant 9360 : i32
        %dma_start3A_156 = arith.constant 0 : i32
        %dma_start3A_157 = tpu.memref_slice %arg2[%dma_start3A_155, %dma_start3A_156] : memref<10000x16xf32, #tpu.memory_space<hbm>> -> memref<640x16xf32, #tpu.memory_space<hbm>>
        tpu.enqueue_dma source(%dma_start3A_157 : memref<640x16xf32, #tpu.memory_space<hbm>>) target(%dma_start3A_154 : memref<640x16xf32, #tpu.memory_space<vmem_shared>>) target_semaphore(%arg23 : memref<!tpu.dma_semaphore, #tpu.memory_space<semaphore_mem>>)
      } else {
      }
      %broadcast_in_dim3A = arith.constant 0.000000e+00 : f32
      %broadcast_in_dim3A_26 = vector.broadcast %broadcast_in_dim3A : f32 to vector<16xf32>
      %broadcast_in_dim3A_27 = arith.constant 1.000000e+00 : f32
      %broadcast_in_dim3A_28 = vector.broadcast %broadcast_in_dim3A_27 : f32 to vector<16xf32>
      %scan3A = arith.constant 0 : i32
      %scan3A_29 = arith.constant 0 : i32
      %scan3A_30 = arith.constant 640 : i32
      %scan3A_31 = arith.addi %scan3A_29, %scan3A_30 : i32
      %scan3A_32 = arith.constant 1 : i32
      %scan3A_33 = scf.for %scan3A_152 = %scan3A_29 to %scan3A_31 step %scan3A_32 iter_args(%scan3A_153 = %scan3A) -> (i32)  : i32 {
        %swap3A = arith.index_cast %scan3A_152 : i32 to index
        %swap3A_154 = arith.constant 0 : index
        %swap3A_155 = tpu.vector_load %arg15[%swap3A, %swap3A_154] {strides = array<i32>} : memref<2000x16xf32, #tpu.memory_space<vmem>>, vector<1x16xf32>,
        %swap3A_156 = vector.shape_cast %swap3A_155 : vector<1x16xf32> to vector<16xf32>
        %swap3A_157 = vector.shape_cast %broadcast_in_dim3A_26 : vector<16xf32> to vector<1x16xf32>
        tpu.vector_store %arg15[%swap3A, %swap3A_154], %swap3A_157 {strides = array<i32>} : memref<2000x16xf32, #tpu.memory_space<vmem>>, vector<1x16xf32>,
        %scan3A_158 = arith.constant 0 : i32
        scf.yield %scan3A_158 : i32
      }
      %scan3A_34 = arith.constant 640 : i32
      %scan3A_35 = arith.constant 0 : i32
      %scan3A_36 = arith.constant 0 : i32
      %scan3A_37 = arith.constant 40 : i32
      %scan3A_38 = arith.addi %scan3A_36, %scan3A_37 : i32
      %scan3A_39 = arith.constant 1 : i32
      %scan3A_40 = scf.for %scan3A_152 = %scan3A_36 to %scan3A_38 step %scan3A_39 iter_args(%scan3A_153 = %scan3A_35) -> (i32)  : i32 {
        %mul3A_154 = arith.constant 16 : i32
        %mul3A_155 = arith.muli %scan3A_152, %mul3A_154 : i32
        %swap3A = arith.index_cast %mul3A_155 : i32 to index
        %swap3A_156 = tpu.vector_load %arg18[%swap3A] {strides = array<i32>} : memref<640xf32, #tpu.memory_space<vmem>>, vector<16xf32>,
        %swap3A_157 = vector.shape_cast %swap3A_156 : vector<16xf32> to vector<16xf32>
        %swap3A_158 = vector.shape_cast %broadcast_in_dim3A_26 : vector<16xf32> to vector<16xf32>
        tpu.vector_store %arg18[%swap3A], %swap3A_158 {strides = array<i32>} : memref<640xf32, #tpu.memory_space<vmem>>, vector<16xf32>,
        %scan3A_159 = arith.constant 0 : i32
        scf.yield %scan3A_159 : i32
      }
      %scan3A_41 = arith.constant 40 : i32
      %scan3A_42 = arith.constant 0 : i32
      %scan3A_43 = arith.constant 0 : i32
      %scan3A_44 = arith.constant 125 : i32
      %scan3A_45 = arith.addi %scan3A_43, %scan3A_44 : i32
      %scan3A_46 = arith.constant 1 : i32
      %scan3A_47 = scf.for %scan3A_152 = %scan3A_43 to %scan3A_45 step %scan3A_46 iter_args(%scan3A_153 = %scan3A_42) -> (i32)  : i32 {
        %mul3A_154 = arith.constant 16 : i32
        %mul3A_155 = arith.muli %scan3A_152, %mul3A_154 : i32
        %swap3A = arith.index_cast %mul3A_155 : i32 to index
        %swap3A_156 = tpu.vector_load %arg17[%swap3A] {strides = array<i32>} : memref<2000xf32, #tpu.memory_space<vmem>>, vector<16xf32>,
        %swap3A_157 = vector.shape_cast %swap3A_156 : vector<16xf32> to vector<16xf32>
        %swap3A_158 = vector.shape_cast %broadcast_in_dim3A_28 : vector<16xf32> to vector<16xf32>
        tpu.vector_store %arg17[%swap3A], %swap3A_158 {strides = array<i32>} : memref<2000xf32, #tpu.memory_space<vmem>>, vector<16xf32>,
        %scan3A_159 = arith.constant 0 : i32
        scf.yield %scan3A_159 : i32
      }
      %scan3A_48 = arith.constant 125 : i32
      %lt3A_49 = arith.constant 15 : i32
      %lt3A_50 = arith.cmpi slt, %arg1, %lt3A_49 : i32
      %convert_element_type3A_51 = arith.extui %lt3A_50 : i1 to i32
      %cond3A_52 = arith.constant 0 : i32
      %cond3A_53 = arith.cmpi ne, %convert_element_type3A_51, %cond3A_52 : i32
      scf.if %cond3A_53 {
        %mul3A_152 = arith.constant 624 : i32
        %mul3A_153 = arith.muli %arg1, %mul3A_152 : i32
        "tpu.region"() ({
          %run_scoped3A = tpu.sem_alloc : memref<!tpu.dma_semaphore, #tpu.memory_space<semaphore_mem>>
          %dma_start3A_154 = arith.constant 0 : i32
          %dma_start3A_155 = arith.constant 0 : i32
          %dma_start3A_156 = tpu.memref_slice %arg15[%dma_start3A_154, %dma_start3A_155] : memref<2000x16xf32, #tpu.memory_space<vmem>> -> memref<624x16xf32, #tpu.memory_space<vmem>>
          %dma_start3A_157 = arith.constant 0 : i32
          %dma_start3A_158 = tpu.memref_slice %arg10[%mul3A_153, %dma_start3A_157] : memref<10000x16xf32, #tpu.memory_space<vmem_shared>> -> memref<624x16xf32, #tpu.memory_space<vmem_shared>>
          %dma_start3A_159 = arith.constant 0 : i32
          %dma_start3A_160 = tpu.memref_slice %arg10[%mul3A_153, %dma_start3A_159] : memref<10000x16xf32, #tpu.memory_space<vmem_shared>> -> memref<624x16xf32, #tpu.memory_space<vmem_shared>>
          %dma_start3A_161 = arith.constant 0 : i32
          %dma_start3A_162 = arith.constant 0 : i32
          %dma_start3A_163 = tpu.memref_slice %arg15[%dma_start3A_161, %dma_start3A_162] : memref<2000x16xf32, #tpu.memory_space<vmem>> -> memref<624x16xf32, #tpu.memory_space<vmem>>
          tpu.enqueue_dma source(%dma_start3A_163 : memref<624x16xf32, #tpu.memory_space<vmem>>) target(%dma_start3A_160 : memref<624x16xf32, #tpu.memory_space<vmem_shared>>) target_semaphore(%run_scoped3A : memref<!tpu.dma_semaphore, #tpu.memory_space<semaphore_mem>>)
          %dma_wait3A_164 = arith.constant 0 : i32
          %dma_wait3A_165 = arith.constant 0 : i32
          %dma_wait3A_166 = tpu.memref_slice %arg15[%dma_wait3A_164, %dma_wait3A_165] : memref<2000x16xf32, #tpu.memory_space<vmem>> -> memref<624x16xf32, #tpu.memory_space<vmem>>
          %dma_wait3A_167 = arith.constant 0 : i32
          %dma_wait3A_168 = tpu.memref_slice %arg10[%mul3A_153, %dma_wait3A_167] : memref<10000x16xf32, #tpu.memory_space<vmem_shared>> -> memref<624x16xf32, #tpu.memory_space<vmem_shared>>
          %dma_wait3A_169 = arith.constant 0 : i32
          %dma_wait3A_170 = tpu.memref_slice %arg10[%mul3A_153, %dma_wait3A_169] : memref<10000x16xf32, #tpu.memory_space<vmem_shared>> -> memref<624x16xf32, #tpu.memory_space<vmem_shared>>
          %dma_wait3A_171 = arith.constant 0 : i32
          %dma_wait3A_172 = arith.constant 0 : i32
          %dma_wait3A_173 = tpu.memref_slice %arg15[%dma_wait3A_171, %dma_wait3A_172] : memref<2000x16xf32, #tpu.memory_space<vmem>> -> memref<624x16xf32, #tpu.memory_space<vmem>>
          tpu.wait_dma2 semaphore(%run_scoped3A : memref<!tpu.dma_semaphore, #tpu.memory_space<semaphore_mem>>) src(%dma_wait3A_173 : memref<624x16xf32, #tpu.memory_space<vmem>>) dst(%dma_wait3A_170 : memref<624x16xf32, #tpu.memory_space<vmem_shared>>)
          tpu.yield
        }) : () -> ()
        "tpu.region"() ({
          %run_scoped3A = tpu.sem_alloc : memref<!tpu.dma_semaphore, #tpu.memory_space<semaphore_mem>>
          %dma_start3A_154 = arith.constant 0 : i32
          %dma_start3A_155 = tpu.memref_slice %arg18[%dma_start3A_154] : memref<640xf32, #tpu.memory_space<vmem>> -> memref<624xf32, #tpu.memory_space<vmem>>
          %dma_start3A_156 = tpu.memref_slice %arg11[%mul3A_153] : memref<10000xf32, #tpu.memory_space<vmem_shared>> -> memref<624xf32, #tpu.memory_space<vmem_shared>>
          %dma_start3A_157 = tpu.memref_slice %arg11[%mul3A_153] : memref<10000xf32, #tpu.memory_space<vmem_shared>> -> memref<624xf32, #tpu.memory_space<vmem_shared>>
          %dma_start3A_158 = arith.constant 0 : i32
          %dma_start3A_159 = tpu.memref_slice %arg18[%dma_start3A_158] : memref<640xf32, #tpu.memory_space<vmem>> -> memref<624xf32, #tpu.memory_space<vmem>>
          tpu.enqueue_dma source(%dma_start3A_159 : memref<624xf32, #tpu.memory_space<vmem>>) target(%dma_start3A_157 : memref<624xf32, #tpu.memory_space<vmem_shared>>) target_semaphore(%run_scoped3A : memref<!tpu.dma_semaphore, #tpu.memory_space<semaphore_mem>>)
          %dma_wait3A_160 = arith.constant 0 : i32
          %dma_wait3A_161 = tpu.memref_slice %arg18[%dma_wait3A_160] : memref<640xf32, #tpu.memory_space<vmem>> -> memref<624xf32, #tpu.memory_space<vmem>>
          %dma_wait3A_162 = tpu.memref_slice %arg11[%mul3A_153] : memref<10000xf32, #tpu.memory_space<vmem_shared>> -> memref<624xf32, #tpu.memory_space<vmem_shared>>
          %dma_wait3A_163 = tpu.memref_slice %arg11[%mul3A_153] : memref<10000xf32, #tpu.memory_space<vmem_shared>> -> memref<624xf32, #tpu.memory_space<vmem_shared>>
          %dma_wait3A_164 = arith.constant 0 : i32
          %dma_wait3A_165 = tpu.memref_slice %arg18[%dma_wait3A_164] : memref<640xf32, #tpu.memory_space<vmem>> -> memref<624xf32, #tpu.memory_space<vmem>>
          tpu.wait_dma2 semaphore(%run_scoped3A : memref<!tpu.dma_semaphore, #tpu.memory_space<semaphore_mem>>) src(%dma_wait3A_165 : memref<624xf32, #tpu.memory_space<vmem>>) dst(%dma_wait3A_163 : memref<624xf32, #tpu.memory_space<vmem_shared>>)
          tpu.yield
        }) : () -> ()
      } else {
      }
      %eq3A_54 = arith.constant 15 : i32
      %eq3A_55 = arith.cmpi eq, %arg1, %eq3A_54 : i32
      %convert_element_type3A_56 = arith.extui %eq3A_55 : i1 to i32
      %cond3A_57 = arith.constant 0 : i32
      %cond3A_58 = arith.cmpi ne, %convert_element_type3A_56, %cond3A_57 : i32
      scf.if %cond3A_58 {
        "tpu.region"() ({
          %run_scoped3A = tpu.sem_alloc : memref<!tpu.dma_semaphore, #tpu.memory_space<semaphore_mem>>
          %dma_start3A_152 = arith.constant 0 : i32
          %dma_start3A_153 = arith.constant 0 : i32
          %dma_start3A_154 = tpu.memref_slice %arg15[%dma_start3A_152, %dma_start3A_153] : memref<2000x16xf32, #tpu.memory_space<vmem>> -> memref<640x16xf32, #tpu.memory_space<vmem>>
          %dma_start3A_155 = arith.constant 9360 : i32
          %dma_start3A_156 = arith.constant 0 : i32
          %dma_start3A_157 = tpu.memref_slice %arg10[%dma_start3A_155, %dma_start3A_156] : memref<10000x16xf32, #tpu.memory_space<vmem_shared>> -> memref<640x16xf32, #tpu.memory_space<vmem_shared>>
          %dma_start3A_158 = arith.constant 9360 : i32
          %dma_start3A_159 = arith.constant 0 : i32
          %dma_start3A_160 = tpu.memref_slice %arg10[%dma_start3A_158, %dma_start3A_159] : memref<10000x16xf32, #tpu.memory_space<vmem_shared>> -> memref<640x16xf32, #tpu.memory_space<vmem_shared>>
          %dma_start3A_161 = arith.constant 0 : i32
          %dma_start3A_162 = arith.constant 0 : i32
          %dma_start3A_163 = tpu.memref_slice %arg15[%dma_start3A_161, %dma_start3A_162] : memref<2000x16xf32, #tpu.memory_space<vmem>> -> memref<640x16xf32, #tpu.memory_space<vmem>>
          tpu.enqueue_dma source(%dma_start3A_163 : memref<640x16xf32, #tpu.memory_space<vmem>>) target(%dma_start3A_160 : memref<640x16xf32, #tpu.memory_space<vmem_shared>>) target_semaphore(%run_scoped3A : memref<!tpu.dma_semaphore, #tpu.memory_space<semaphore_mem>>)
          %dma_wait3A_164 = arith.constant 0 : i32
          %dma_wait3A_165 = arith.constant 0 : i32
          %dma_wait3A_166 = tpu.memref_slice %arg15[%dma_wait3A_164, %dma_wait3A_165] : memref<2000x16xf32, #tpu.memory_space<vmem>> -> memref<640x16xf32, #tpu.memory_space<vmem>>
          %dma_wait3A_167 = arith.constant 9360 : i32
          %dma_wait3A_168 = arith.constant 0 : i32
          %dma_wait3A_169 = tpu.memref_slice %arg10[%dma_wait3A_167, %dma_wait3A_168] : memref<10000x16xf32, #tpu.memory_space<vmem_shared>> -> memref<640x16xf32, #tpu.memory_space<vmem_shared>>
          %dma_wait3A_170 = arith.constant 9360 : i32
          %dma_wait3A_171 = arith.constant 0 : i32
          %dma_wait3A_172 = tpu.memref_slice %arg10[%dma_wait3A_170, %dma_wait3A_171] : memref<10000x16xf32, #tpu.memory_space<vmem_shared>> -> memref<640x16xf32, #tpu.memory_space<vmem_shared>>
          %dma_wait3A_173 = arith.constant 0 : i32
          %dma_wait3A_174 = arith.constant 0 : i32
          %dma_wait3A_175 = tpu.memref_slice %arg15[%dma_wait3A_173, %dma_wait3A_174] : memref<2000x16xf32, #tpu.memory_space<vmem>> -> memref<640x16xf32, #tpu.memory_space<vmem>>
          tpu.wait_dma2 semaphore(%run_scoped3A : memref<!tpu.dma_semaphore, #tpu.memory_space<semaphore_mem>>) src(%dma_wait3A_175 : memref<640x16xf32, #tpu.memory_space<vmem>>) dst(%dma_wait3A_172 : memref<640x16xf32, #tpu.memory_space<vmem_shared>>)
          tpu.yield
        }) : () -> ()
        "tpu.region"() ({
          %run_scoped3A = tpu.sem_alloc : memref<!tpu.dma_semaphore, #tpu.memory_space<semaphore_mem>>
          %dma_start3A_152 = arith.constant 0 : i32
          %dma_start3A_153 = tpu.memref_slice %arg18[%dma_start3A_152] : memref<640xf32, #tpu.memory_space<vmem>> -> memref<640xf32, #tpu.memory_space<vmem>>
          %dma_start3A_154 = arith.constant 9360 : i32
          %dma_start3A_155 = tpu.memref_slice %arg11[%dma_start3A_154] : memref<10000xf32, #tpu.memory_space<vmem_shared>> -> memref<640xf32, #tpu.memory_space<vmem_shared>>
          %dma_start3A_156 = arith.constant 9360 : i32
          %dma_start3A_157 = tpu.memref_slice %arg11[%dma_start3A_156] : memref<10000xf32, #tpu.memory_space<vmem_shared>> -> memref<640xf32, #tpu.memory_space<vmem_shared>>
          %dma_start3A_158 = arith.constant 0 : i32
          %dma_start3A_159 = tpu.memref_slice %arg18[%dma_start3A_158] : memref<640xf32, #tpu.memory_space<vmem>> -> memref<640xf32, #tpu.memory_space<vmem>>
          tpu.enqueue_dma source(%dma_start3A_159 : memref<640xf32, #tpu.memory_space<vmem>>) target(%dma_start3A_157 : memref<640xf32, #tpu.memory_space<vmem_shared>>) target_semaphore(%run_scoped3A : memref<!tpu.dma_semaphore, #tpu.memory_space<semaphore_mem>>)
          %dma_wait3A_160 = arith.constant 0 : i32
          %dma_wait3A_161 = tpu.memref_slice %arg18[%dma_wait3A_160] : memref<640xf32, #tpu.memory_space<vmem>> -> memref<640xf32, #tpu.memory_space<vmem>>
          %dma_wait3A_162 = arith.constant 9360 : i32
          %dma_wait3A_163 = tpu.memref_slice %arg11[%dma_wait3A_162] : memref<10000xf32, #tpu.memory_space<vmem_shared>> -> memref<640xf32, #tpu.memory_space<vmem_shared>>
          %dma_wait3A_164 = arith.constant 9360 : i32
          %dma_wait3A_165 = tpu.memref_slice %arg11[%dma_wait3A_164] : memref<10000xf32, #tpu.memory_space<vmem_shared>> -> memref<640xf32, #tpu.memory_space<vmem_shared>>
          %dma_wait3A_166 = arith.constant 0 : i32
          %dma_wait3A_167 = tpu.memref_slice %arg18[%dma_wait3A_166] : memref<640xf32, #tpu.memory_space<vmem>> -> memref<640xf32, #tpu.memory_space<vmem>>
          tpu.wait_dma2 semaphore(%run_scoped3A : memref<!tpu.dma_semaphore, #tpu.memory_space<semaphore_mem>>) src(%dma_wait3A_167 : memref<640xf32, #tpu.memory_space<vmem>>) dst(%dma_wait3A_165 : memref<640xf32, #tpu.memory_space<vmem_shared>>)
          tpu.yield
        }) : () -> ()
      } else {
      }
      %dma_wait3A = arith.constant 0 : i32
      %dma_wait3A_59 = tpu.memref_slice %arg3[%dma_wait3A, %mul3A_7] : memref<2x320000xi32, #tpu.memory_space<hbm>> -> memref<1x20000xi32, #tpu.memory_space<hbm>>
      %dma_wait3A_60 = tpu.memref_squeeze %dma_wait3A_59 : memref<1x20000xi32, #tpu.memory_space<hbm>> -> memref<20000xi32, #tpu.memory_space<hbm>>
      %dma_wait3A_61 = tpu.memref_slice %arg3[%dma_wait3A, %mul3A_7] : memref<2x320000xi32, #tpu.memory_space<hbm>> -> memref<1x20000xi32, #tpu.memory_space<hbm>>
      %dma_wait3A_62 = tpu.memref_squeeze %dma_wait3A_61 : memref<1x20000xi32, #tpu.memory_space<hbm>> -> memref<20000xi32, #tpu.memory_space<hbm>>
      tpu.wait_dma2 semaphore(%arg21 : memref<!tpu.dma_semaphore, #tpu.memory_space<semaphore_mem>>) src(%dma_wait3A_62 : memref<20000xi32, #tpu.memory_space<hbm>>) dst(%arg13 : memref<20000xi32, #tpu.memory_space<vmem>>)
      %dma_wait3A_63 = arith.constant 1 : i32
      %dma_wait3A_64 = tpu.memref_slice %arg3[%dma_wait3A_63, %mul3A_7] : memref<2x320000xi32, #tpu.memory_space<hbm>> -> memref<1x20000xi32, #tpu.memory_space<hbm>>
      %dma_wait3A_65 = tpu.memref_squeeze %dma_wait3A_64 : memref<1x20000xi32, #tpu.memory_space<hbm>> -> memref<20000xi32, #tpu.memory_space<hbm>>
      %dma_wait3A_66 = tpu.memref_slice %arg3[%dma_wait3A_63, %mul3A_7] : memref<2x320000xi32, #tpu.memory_space<hbm>> -> memref<1x20000xi32, #tpu.memory_space<hbm>>
      %dma_wait3A_67 = tpu.memref_squeeze %dma_wait3A_66 : memref<1x20000xi32, #tpu.memory_space<hbm>> -> memref<20000xi32, #tpu.memory_space<hbm>>
      tpu.wait_dma2 semaphore(%arg22 : memref<!tpu.dma_semaphore, #tpu.memory_space<semaphore_mem>>) src(%dma_wait3A_67 : memref<20000xi32, #tpu.memory_space<hbm>>) dst(%arg14 : memref<20000xi32, #tpu.memory_space<vmem>>)
      %lt3A_68 = arith.constant 15 : i32
      %lt3A_69 = arith.cmpi slt, %arg1, %lt3A_68 : i32
      %convert_element_type3A_70 = arith.extui %lt3A_69 : i1 to i32
      %cond3A_71 = arith.constant 0 : i32
      %cond3A_72 = arith.cmpi ne, %convert_element_type3A_70, %cond3A_71 : i32
      scf.if %cond3A_72 {
        %mul3A_152 = arith.constant 624 : i32
        %mul3A_153 = arith.muli %arg1, %mul3A_152 : i32
        %mul3A_154 = arith.constant 624 : i32
        %mul3A_155 = arith.muli %arg1, %mul3A_154 : i32
        %dma_wait3A_156 = arith.constant 0 : i32
        %dma_wait3A_157 = tpu.memref_slice %arg12[%mul3A_155, %dma_wait3A_156] : memref<10000x16xf32, #tpu.memory_space<vmem_shared>> -> memref<624x16xf32, #tpu.memory_space<vmem_shared>>
        %dma_wait3A_158 = arith.constant 0 : i32
        %dma_wait3A_159 = tpu.memref_slice %arg2[%mul3A_153, %dma_wait3A_158] : memref<10000x16xf32, #tpu.memory_space<hbm>> -> memref<624x16xf32, #tpu.memory_space<hbm>>
        tpu.wait_dma2 semaphore(%arg23 : memref<!tpu.dma_semaphore, #tpu.memory_space<semaphore_mem>>) src(%dma_wait3A_159 : memref<624x16xf32, #tpu.memory_space<hbm>>) dst(%dma_wait3A_157 : memref<624x16xf32, #tpu.memory_space<vmem_shared>>)
      } else {
      }
      %eq3A_73 = arith.constant 15 : i32
      %eq3A_74 = arith.cmpi eq, %arg1, %eq3A_73 : i32
      %convert_element_type3A_75 = arith.extui %eq3A_74 : i1 to i32
      %cond3A_76 = arith.constant 0 : i32
      %cond3A_77 = arith.cmpi ne, %convert_element_type3A_75, %cond3A_76 : i32
      scf.if %cond3A_77 {
        %dma_wait3A_152 = arith.constant 9360 : i32
        %dma_wait3A_153 = arith.constant 0 : i32
        %dma_wait3A_154 = tpu.memref_slice %arg12[%dma_wait3A_152, %dma_wait3A_153] : memref<10000x16xf32, #tpu.memory_space<vmem_shared>> -> memref<640x16xf32, #tpu.memory_space<vmem_shared>>
        %dma_wait3A_155 = arith.constant 9360 : i32
        %dma_wait3A_156 = arith.constant 0 : i32
        %dma_wait3A_157 = tpu.memref_slice %arg2[%dma_wait3A_155, %dma_wait3A_156] : memref<10000x16xf32, #tpu.memory_space<hbm>> -> memref<640x16xf32, #tpu.memory_space<hbm>>
        tpu.wait_dma2 semaphore(%arg23 : memref<!tpu.dma_semaphore, #tpu.memory_space<semaphore_mem>>) src(%dma_wait3A_157 : memref<640x16xf32, #tpu.memory_space<hbm>>) dst(%dma_wait3A_154 : memref<640x16xf32, #tpu.memory_space<vmem_shared>>)
      } else {
      }
      %barrier3A = arith.constant 0 : index
      tpu.barrier barrier_id(%barrier3A)
      %dma_start3A_78 = arith.constant 0 : i32
      %dma_start3A_79 = tpu.memref_slice %arg13[%dma_start3A_78] : memref<20000xi32, #tpu.memory_space<vmem>> -> memref<2000xi32, #tpu.memory_space<vmem>>
      %dma_start3A_80 = arith.constant 0 : i32
      %dma_start3A_81 = arith.constant 0 : i32
      %dma_start3A_82 = tpu.memref_slice %arg12[%dma_start3A_80, %dma_start3A_81] : memref<10000x16xf32, #tpu.memory_space<vmem_shared>> -> memref<10000x16xf32, #tpu.memory_space<vmem_shared>>
      tpu.enqueue_indirect_dma source(%dma_start3A_82 : memref<10000x16xf32, #tpu.memory_space<vmem_shared>>) target(%arg15 : memref<2000x16xf32, #tpu.memory_space<vmem>>) offsets(%dma_start3A_79 : memref<2000xi32, #tpu.memory_space<vmem>>) semaphore(%arg19 : memref<!tpu.dma_semaphore, #tpu.memory_space<semaphore_mem>>)
      %dma_wait3A_83 = arith.constant 0 : i32
      %dma_wait3A_84 = tpu.memref_slice %arg13[%dma_wait3A_83] : memref<20000xi32, #tpu.memory_space<vmem>> -> memref<2000xi32, #tpu.memory_space<vmem>>
      %dma_wait3A_85 = arith.constant 0 : i32
      %dma_wait3A_86 = arith.constant 0 : i32
      %dma_wait3A_87 = tpu.memref_slice %arg12[%dma_wait3A_85, %dma_wait3A_86] : memref<10000x16xf32, #tpu.memory_space<vmem_shared>> -> memref<10000x16xf32, #tpu.memory_space<vmem_shared>>
      tpu.wait_indirect_dma semaphore(%arg19 : memref<!tpu.dma_semaphore, #tpu.memory_space<semaphore_mem>>) src(%dma_wait3A_87 : memref<10000x16xf32, #tpu.memory_space<vmem_shared>>) dst(%arg15 : memref<2000x16xf32, #tpu.memory_space<vmem>>)
      %dma_start3A_88 = arith.constant 0 : i32
      %dma_start3A_89 = tpu.memref_slice %arg14[%dma_start3A_88] : memref<20000xi32, #tpu.memory_space<vmem>> -> memref<2000xi32, #tpu.memory_space<vmem>>
      %dma_start3A_90 = arith.constant 0 : i32
      %dma_start3A_91 = arith.constant 0 : i32
      %dma_start3A_92 = tpu.memref_slice %arg10[%dma_start3A_90, %dma_start3A_91] : memref<10000x16xf32, #tpu.memory_space<vmem_shared>> -> memref<10000x16xf32, #tpu.memory_space<vmem_shared>>
      tpu.enqueue_indirect_dma source(%arg15 : memref<2000x16xf32, #tpu.memory_space<vmem>>) target(%dma_start3A_92 : memref<10000x16xf32, #tpu.memory_space<vmem_shared>>) offsets(%dma_start3A_89 : memref<2000xi32, #tpu.memory_space<vmem>>) semaphore(%arg21 : memref<!tpu.dma_semaphore, #tpu.memory_space<semaphore_mem>>) {add = true}
      %dma_start3A_93 = arith.constant 0 : i32
      %dma_start3A_94 = tpu.memref_slice %arg14[%dma_start3A_93] : memref<20000xi32, #tpu.memory_space<vmem>> -> memref<2000xi32, #tpu.memory_space<vmem>>
      %dma_start3A_95 = arith.constant 0 : i32
      %dma_start3A_96 = tpu.memref_slice %arg11[%dma_start3A_95] : memref<10000xf32, #tpu.memory_space<vmem_shared>> -> memref<10000xf32, #tpu.memory_space<vmem_shared>>
      tpu.enqueue_indirect_dma source(%arg17 : memref<2000xf32, #tpu.memory_space<vmem>>) target(%dma_start3A_96 : memref<10000xf32, #tpu.memory_space<vmem_shared>>) offsets(%dma_start3A_94 : memref<2000xi32, #tpu.memory_space<vmem>>) semaphore(%arg23 : memref<!tpu.dma_semaphore, #tpu.memory_space<semaphore_mem>>) {add = true}
      %dma_start3A_97 = arith.constant 2000 : i32
      %dma_start3A_98 = tpu.memref_slice %arg13[%dma_start3A_97] : memref<20000xi32, #tpu.memory_space<vmem>> -> memref<2000xi32, #tpu.memory_space<vmem>>
      %dma_start3A_99 = arith.constant 0 : i32
      %dma_start3A_100 = arith.constant 0 : i32
      %dma_start3A_101 = tpu.memref_slice %arg12[%dma_start3A_99, %dma_start3A_100] : memref<10000x16xf32, #tpu.memory_space<vmem_shared>> -> memref<10000x16xf32, #tpu.memory_space<vmem_shared>>
      tpu.enqueue_indirect_dma source(%dma_start3A_101 : memref<10000x16xf32, #tpu.memory_space<vmem_shared>>) target(%arg16 : memref<2000x16xf32, #tpu.memory_space<vmem>>) offsets(%dma_start3A_98 : memref<2000xi32, #tpu.memory_space<vmem>>) semaphore(%arg20 : memref<!tpu.dma_semaphore, #tpu.memory_space<semaphore_mem>>)
      %scan3A_102 = arith.constant 0 : i32
      %scan3A_103 = arith.constant 0 : i32
      %scan3A_104 = arith.constant 4 : i32
      %scan3A_105 = arith.addi %scan3A_103, %scan3A_104 : i32
      %scan3A_106 = arith.constant 1 : i32
      %scan3A_107 = scf.for %scan3A_152 = %scan3A_103 to %scan3A_105 step %scan3A_106 iter_args(%scan3A_153 = %scan3A_102) -> (i32)  : i32 {
        %mul3A_154 = arith.constant 2 : i32
        %mul3A_155 = arith.muli %mul3A_154, %scan3A_152 : i32
        %add3A = arith.constant 1 : i32
        %add3A_156 = arith.addi %mul3A_155, %add3A : i32
        %mul3A_157 = arith.constant 2000 : i32
        %mul3A_158 = arith.muli %add3A_156, %mul3A_157 : i32
        %dma_wait3A_159 = tpu.memref_slice %arg13[%mul3A_158] : memref<20000xi32, #tpu.memory_space<vmem>> -> memref<2000xi32, #tpu.memory_space<vmem>>
        %dma_wait3A_160 = arith.constant 0 : i32
        %dma_wait3A_161 = arith.constant 0 : i32
        %dma_wait3A_162 = tpu.memref_slice %arg12[%dma_wait3A_160, %dma_wait3A_161] : memref<10000x16xf32, #tpu.memory_space<vmem_shared>> -> memref<10000x16xf32, #tpu.memory_space<vmem_shared>>
        tpu.wait_indirect_dma semaphore(%arg20 : memref<!tpu.dma_semaphore, #tpu.memory_space<semaphore_mem>>) src(%dma_wait3A_162 : memref<10000x16xf32, #tpu.memory_space<vmem_shared>>) dst(%arg16 : memref<2000x16xf32, #tpu.memory_space<vmem>>)
        %mul3A_163 = arith.constant 2000 : i32
        %mul3A_164 = arith.muli %add3A_156, %mul3A_163 : i32
        %dma_start3A_165 = tpu.memref_slice %arg14[%mul3A_164] : memref<20000xi32, #tpu.memory_space<vmem>> -> memref<2000xi32, #tpu.memory_space<vmem>>
        %dma_start3A_166 = arith.constant 0 : i32
        %dma_start3A_167 = arith.constant 0 : i32
        %dma_start3A_168 = tpu.memref_slice %arg10[%dma_start3A_166, %dma_start3A_167] : memref<10000x16xf32, #tpu.memory_space<vmem_shared>> -> memref<10000x16xf32, #tpu.memory_space<vmem_shared>>
        tpu.enqueue_indirect_dma source(%arg16 : memref<2000x16xf32, #tpu.memory_space<vmem>>) target(%dma_start3A_168 : memref<10000x16xf32, #tpu.memory_space<vmem_shared>>) offsets(%dma_start3A_165 : memref<2000xi32, #tpu.memory_space<vmem>>) semaphore(%arg22 : memref<!tpu.dma_semaphore, #tpu.memory_space<semaphore_mem>>) {add = true}
        %dma_start3A_169 = tpu.memref_slice %arg14[%mul3A_164] : memref<20000xi32, #tpu.memory_space<vmem>> -> memref<2000xi32, #tpu.memory_space<vmem>>
        %dma_start3A_170 = arith.constant 0 : i32
        %dma_start3A_171 = tpu.memref_slice %arg11[%dma_start3A_170] : memref<10000xf32, #tpu.memory_space<vmem_shared>> -> memref<10000xf32, #tpu.memory_space<vmem_shared>>
        tpu.enqueue_indirect_dma source(%arg17 : memref<2000xf32, #tpu.memory_space<vmem>>) target(%dma_start3A_171 : memref<10000xf32, #tpu.memory_space<vmem_shared>>) offsets(%dma_start3A_169 : memref<2000xi32, #tpu.memory_space<vmem>>) semaphore(%arg24 : memref<!tpu.dma_semaphore, #tpu.memory_space<semaphore_mem>>) {add = true}
        %sub3A = arith.constant 1 : i32
        %sub3A_172 = arith.subi %add3A_156, %sub3A : i32
        %mul3A_173 = arith.constant 2000 : i32
        %mul3A_174 = arith.muli %sub3A_172, %mul3A_173 : i32
        %dma_wait3A_175 = tpu.memref_slice %arg14[%mul3A_174] : memref<20000xi32, #tpu.memory_space<vmem>> -> memref<2000xi32, #tpu.memory_space<vmem>>
        %dma_wait3A_176 = arith.constant 0 : i32
        %dma_wait3A_177 = arith.constant 0 : i32
        %dma_wait3A_178 = tpu.memref_slice %arg10[%dma_wait3A_176, %dma_wait3A_177] : memref<10000x16xf32, #tpu.memory_space<vmem_shared>> -> memref<10000x16xf32, #tpu.memory_space<vmem_shared>>
        tpu.wait_indirect_dma semaphore(%arg21 : memref<!tpu.dma_semaphore, #tpu.memory_space<semaphore_mem>>) src(%arg15 : memref<2000x16xf32, #tpu.memory_space<vmem>>) dst(%dma_wait3A_178 : memref<10000x16xf32, #tpu.memory_space<vmem_shared>>)
        %dma_wait3A_179 = tpu.memref_slice %arg14[%mul3A_174] : memref<20000xi32, #tpu.memory_space<vmem>> -> memref<2000xi32, #tpu.memory_space<vmem>>
        %dma_wait3A_180 = arith.constant 0 : i32
        %dma_wait3A_181 = tpu.memref_slice %arg11[%dma_wait3A_180] : memref<10000xf32, #tpu.memory_space<vmem_shared>> -> memref<10000xf32, #tpu.memory_space<vmem_shared>>
        tpu.wait_indirect_dma semaphore(%arg23 : memref<!tpu.dma_semaphore, #tpu.memory_space<semaphore_mem>>) src(%arg17 : memref<2000xf32, #tpu.memory_space<vmem>>) dst(%dma_wait3A_181 : memref<10000xf32, #tpu.memory_space<vmem_shared>>)
        %add3A_182 = arith.constant 1 : i32
        %add3A_183 = arith.addi %add3A_156, %add3A_182 : i32
        %mul3A_184 = arith.constant 2000 : i32
        %mul3A_185 = arith.muli %add3A_183, %mul3A_184 : i32
        %dma_start3A_186 = tpu.memref_slice %arg13[%mul3A_185] : memref<20000xi32, #tpu.memory_space<vmem>> -> memref<2000xi32, #tpu.memory_space<vmem>>
        %dma_start3A_187 = arith.constant 0 : i32
        %dma_start3A_188 = arith.constant 0 : i32
        %dma_start3A_189 = tpu.memref_slice %arg12[%dma_start3A_187, %dma_start3A_188] : memref<10000x16xf32, #tpu.memory_space<vmem_shared>> -> memref<10000x16xf32, #tpu.memory_space<vmem_shared>>
        tpu.enqueue_indirect_dma source(%dma_start3A_189 : memref<10000x16xf32, #tpu.memory_space<vmem_shared>>) target(%arg15 : memref<2000x16xf32, #tpu.memory_space<vmem>>) offsets(%dma_start3A_186 : memref<2000xi32, #tpu.memory_space<vmem>>) semaphore(%arg19 : memref<!tpu.dma_semaphore, #tpu.memory_space<semaphore_mem>>)
        %add3A_190 = arith.constant 1 : i32
        %add3A_191 = arith.addi %add3A_156, %add3A_190 : i32
        %mul3A_192 = arith.constant 2000 : i32
        %mul3A_193 = arith.muli %add3A_191, %mul3A_192 : i32
        %dma_wait3A_194 = tpu.memref_slice %arg13[%mul3A_193] : memref<20000xi32, #tpu.memory_space<vmem>> -> memref<2000xi32, #tpu.memory_space<vmem>>
        %dma_wait3A_195 = arith.constant 0 : i32
        %dma_wait3A_196 = arith.constant 0 : i32
        %dma_wait3A_197 = tpu.memref_slice %arg12[%dma_wait3A_195, %dma_wait3A_196] : memref<10000x16xf32, #tpu.memory_space<vmem_shared>> -> memref<10000x16xf32, #tpu.memory_space<vmem_shared>>
        tpu.wait_indirect_dma semaphore(%arg19 : memref<!tpu.dma_semaphore, #tpu.memory_space<semaphore_mem>>) src(%dma_wait3A_197 : memref<10000x16xf32, #tpu.memory_space<vmem_shared>>) dst(%arg15 : memref<2000x16xf32, #tpu.memory_space<vmem>>)
        %add3A_198 = arith.constant 1 : i32
        %add3A_199 = arith.addi %add3A_156, %add3A_198 : i32
        %mul3A_200 = arith.constant 2000 : i32
        %mul3A_201 = arith.muli %add3A_199, %mul3A_200 : i32
        %dma_start3A_202 = tpu.memref_slice %arg14[%mul3A_201] : memref<20000xi32, #tpu.memory_space<vmem>> -> memref<2000xi32, #tpu.memory_space<vmem>>
        %dma_start3A_203 = arith.constant 0 : i32
        %dma_start3A_204 = arith.constant 0 : i32
        %dma_start3A_205 = tpu.memref_slice %arg10[%dma_start3A_203, %dma_start3A_204] : memref<10000x16xf32, #tpu.memory_space<vmem_shared>> -> memref<10000x16xf32, #tpu.memory_space<vmem_shared>>
        tpu.enqueue_indirect_dma source(%arg15 : memref<2000x16xf32, #tpu.memory_space<vmem>>) target(%dma_start3A_205 : memref<10000x16xf32, #tpu.memory_space<vmem_shared>>) offsets(%dma_start3A_202 : memref<2000xi32, #tpu.memory_space<vmem>>) semaphore(%arg21 : memref<!tpu.dma_semaphore, #tpu.memory_space<semaphore_mem>>) {add = true}
        %dma_start3A_206 = tpu.memref_slice %arg14[%mul3A_201] : memref<20000xi32, #tpu.memory_space<vmem>> -> memref<2000xi32, #tpu.memory_space<vmem>>
        %dma_start3A_207 = arith.constant 0 : i32
        %dma_start3A_208 = tpu.memref_slice %arg11[%dma_start3A_207] : memref<10000xf32, #tpu.memory_space<vmem_shared>> -> memref<10000xf32, #tpu.memory_space<vmem_shared>>
        tpu.enqueue_indirect_dma source(%arg17 : memref<2000xf32, #tpu.memory_space<vmem>>) target(%dma_start3A_208 : memref<10000xf32, #tpu.memory_space<vmem_shared>>) offsets(%dma_start3A_206 : memref<2000xi32, #tpu.memory_space<vmem>>) semaphore(%arg23 : memref<!tpu.dma_semaphore, #tpu.memory_space<semaphore_mem>>) {add = true}
        %mul3A_209 = arith.constant 2000 : i32
        %mul3A_210 = arith.muli %add3A_156, %mul3A_209 : i32
        %dma_wait3A_211 = tpu.memref_slice %arg14[%mul3A_210] : memref<20000xi32, #tpu.memory_space<vmem>> -> memref<2000xi32, #tpu.memory_space<vmem>>
        %dma_wait3A_212 = arith.constant 0 : i32
        %dma_wait3A_213 = arith.constant 0 : i32
        %dma_wait3A_214 = tpu.memref_slice %arg10[%dma_wait3A_212, %dma_wait3A_213] : memref<10000x16xf32, #tpu.memory_space<vmem_shared>> -> memref<10000x16xf32, #tpu.memory_space<vmem_shared>>
        tpu.wait_indirect_dma semaphore(%arg22 : memref<!tpu.dma_semaphore, #tpu.memory_space<semaphore_mem>>) src(%arg16 : memref<2000x16xf32, #tpu.memory_space<vmem>>) dst(%dma_wait3A_214 : memref<10000x16xf32, #tpu.memory_space<vmem_shared>>)
        %dma_wait3A_215 = tpu.memref_slice %arg14[%mul3A_210] : memref<20000xi32, #tpu.memory_space<vmem>> -> memref<2000xi32, #tpu.memory_space<vmem>>
        %dma_wait3A_216 = arith.constant 0 : i32
        %dma_wait3A_217 = tpu.memref_slice %arg11[%dma_wait3A_216] : memref<10000xf32, #tpu.memory_space<vmem_shared>> -> memref<10000xf32, #tpu.memory_space<vmem_shared>>
        tpu.wait_indirect_dma semaphore(%arg24 : memref<!tpu.dma_semaphore, #tpu.memory_space<semaphore_mem>>) src(%arg17 : memref<2000xf32, #tpu.memory_space<vmem>>) dst(%dma_wait3A_217 : memref<10000xf32, #tpu.memory_space<vmem_shared>>)
        %add3A_218 = arith.constant 2 : i32
        %add3A_219 = arith.addi %add3A_156, %add3A_218 : i32
        %mul3A_220 = arith.constant 2000 : i32
        %mul3A_221 = arith.muli %add3A_219, %mul3A_220 : i32
        %dma_start3A_222 = tpu.memref_slice %arg13[%mul3A_221] : memref<20000xi32, #tpu.memory_space<vmem>> -> memref<2000xi32, #tpu.memory_space<vmem>>
        %dma_start3A_223 = arith.constant 0 : i32
        %dma_start3A_224 = arith.constant 0 : i32
        %dma_start3A_225 = tpu.memref_slice %arg12[%dma_start3A_223, %dma_start3A_224] : memref<10000x16xf32, #tpu.memory_space<vmem_shared>> -> memref<10000x16xf32, #tpu.memory_space<vmem_shared>>
        tpu.enqueue_indirect_dma source(%dma_start3A_225 : memref<10000x16xf32, #tpu.memory_space<vmem_shared>>) target(%arg16 : memref<2000x16xf32, #tpu.memory_space<vmem>>) offsets(%dma_start3A_222 : memref<2000xi32, #tpu.memory_space<vmem>>) semaphore(%arg20 : memref<!tpu.dma_semaphore, #tpu.memory_space<semaphore_mem>>)
        %scan3A_226 = arith.constant 0 : i32
        scf.yield %scan3A_226 : i32
      }
      %scan3A_108 = arith.constant 4 : i32
      %dma_wait3A_109 = arith.constant 18000 : i32
      %dma_wait3A_110 = tpu.memref_slice %arg13[%dma_wait3A_109] : memref<20000xi32, #tpu.memory_space<vmem>> -> memref<2000xi32, #tpu.memory_space<vmem>>
      %dma_wait3A_111 = arith.constant 0 : i32
      %dma_wait3A_112 = arith.constant 0 : i32
      %dma_wait3A_113 = tpu.memref_slice %arg12[%dma_wait3A_111, %dma_wait3A_112] : memref<10000x16xf32, #tpu.memory_space<vmem_shared>> -> memref<10000x16xf32, #tpu.memory_space<vmem_shared>>
      tpu.wait_indirect_dma semaphore(%arg20 : memref<!tpu.dma_semaphore, #tpu.memory_space<semaphore_mem>>) src(%dma_wait3A_113 : memref<10000x16xf32, #tpu.memory_space<vmem_shared>>) dst(%arg16 : memref<2000x16xf32, #tpu.memory_space<vmem>>)
      %dma_start3A_114 = arith.constant 18000 : i32
      %dma_start3A_115 = tpu.memref_slice %arg14[%dma_start3A_114] : memref<20000xi32, #tpu.memory_space<vmem>> -> memref<2000xi32, #tpu.memory_space<vmem>>
      %dma_start3A_116 = arith.constant 0 : i32
      %dma_start3A_117 = arith.constant 0 : i32
      %dma_start3A_118 = tpu.memref_slice %arg10[%dma_start3A_116, %dma_start3A_117] : memref<10000x16xf32, #tpu.memory_space<vmem_shared>> -> memref<10000x16xf32, #tpu.memory_space<vmem_shared>>
      tpu.enqueue_indirect_dma source(%arg16 : memref<2000x16xf32, #tpu.memory_space<vmem>>) target(%dma_start3A_118 : memref<10000x16xf32, #tpu.memory_space<vmem_shared>>) offsets(%dma_start3A_115 : memref<2000xi32, #tpu.memory_space<vmem>>) semaphore(%arg22 : memref<!tpu.dma_semaphore, #tpu.memory_space<semaphore_mem>>) {add = true}
      %dma_start3A_119 = arith.constant 18000 : i32
      %dma_start3A_120 = tpu.memref_slice %arg14[%dma_start3A_119] : memref<20000xi32, #tpu.memory_space<vmem>> -> memref<2000xi32, #tpu.memory_space<vmem>>
      %dma_start3A_121 = arith.constant 0 : i32
      %dma_start3A_122 = tpu.memref_slice %arg11[%dma_start3A_121] : memref<10000xf32, #tpu.memory_space<vmem_shared>> -> memref<10000xf32, #tpu.memory_space<vmem_shared>>
      tpu.enqueue_indirect_dma source(%arg17 : memref<2000xf32, #tpu.memory_space<vmem>>) target(%dma_start3A_122 : memref<10000xf32, #tpu.memory_space<vmem_shared>>) offsets(%dma_start3A_120 : memref<2000xi32, #tpu.memory_space<vmem>>) semaphore(%arg24 : memref<!tpu.dma_semaphore, #tpu.memory_space<semaphore_mem>>) {add = true}
      %dma_wait3A_123 = arith.constant 16000 : i32
      %dma_wait3A_124 = tpu.memref_slice %arg14[%dma_wait3A_123] : memref<20000xi32, #tpu.memory_space<vmem>> -> memref<2000xi32, #tpu.memory_space<vmem>>
      %dma_wait3A_125 = arith.constant 0 : i32
      %dma_wait3A_126 = arith.constant 0 : i32
      %dma_wait3A_127 = tpu.memref_slice %arg10[%dma_wait3A_125, %dma_wait3A_126] : memref<10000x16xf32, #tpu.memory_space<vmem_shared>> -> memref<10000x16xf32, #tpu.memory_space<vmem_shared>>
      tpu.wait_indirect_dma semaphore(%arg21 : memref<!tpu.dma_semaphore, #tpu.memory_space<semaphore_mem>>) src(%arg15 : memref<2000x16xf32, #tpu.memory_space<vmem>>) dst(%dma_wait3A_127 : memref<10000x16xf32, #tpu.memory_space<vmem_shared>>)
      %dma_wait3A_128 = arith.constant 16000 : i32
      %dma_wait3A_129 = tpu.memref_slice %arg14[%dma_wait3A_128] : memref<20000xi32, #tpu.memory_space<vmem>> -> memref<2000xi32, #tpu.memory_space<vmem>>
      %dma_wait3A_130 = arith.constant 0 : i32
      %dma_wait3A_131 = tpu.memref_slice %arg11[%dma_wait3A_130] : memref<10000xf32, #tpu.memory_space<vmem_shared>> -> memref<10000xf32, #tpu.memory_space<vmem_shared>>
      tpu.wait_indirect_dma semaphore(%arg23 : memref<!tpu.dma_semaphore, #tpu.memory_space<semaphore_mem>>) src(%arg17 : memref<2000xf32, #tpu.memory_space<vmem>>) dst(%dma_wait3A_131 : memref<10000xf32, #tpu.memory_space<vmem_shared>>)
      %dma_wait3A_132 = arith.constant 18000 : i32
      %dma_wait3A_133 = tpu.memref_slice %arg14[%dma_wait3A_132] : memref<20000xi32, #tpu.memory_space<vmem>> -> memref<2000xi32, #tpu.memory_space<vmem>>
      %dma_wait3A_134 = arith.constant 0 : i32
      %dma_wait3A_135 = arith.constant 0 : i32
      %dma_wait3A_136 = tpu.memref_slice %arg10[%dma_wait3A_134, %dma_wait3A_135] : memref<10000x16xf32, #tpu.memory_space<vmem_shared>> -> memref<10000x16xf32, #tpu.memory_space<vmem_shared>>
      tpu.wait_indirect_dma semaphore(%arg22 : memref<!tpu.dma_semaphore, #tpu.memory_space<semaphore_mem>>) src(%arg16 : memref<2000x16xf32, #tpu.memory_space<vmem>>) dst(%dma_wait3A_136 : memref<10000x16xf32, #tpu.memory_space<vmem_shared>>)
      %dma_wait3A_137 = arith.constant 18000 : i32
      %dma_wait3A_138 = tpu.memref_slice %arg14[%dma_wait3A_137] : memref<20000xi32, #tpu.memory_space<vmem>> -> memref<2000xi32, #tpu.memory_space<vmem>>
      %dma_wait3A_139 = arith.constant 0 : i32
      %dma_wait3A_140 = tpu.memref_slice %arg11[%dma_wait3A_139] : memref<10000xf32, #tpu.memory_space<vmem_shared>> -> memref<10000xf32, #tpu.memory_space<vmem_shared>>
      tpu.wait_indirect_dma semaphore(%arg24 : memref<!tpu.dma_semaphore, #tpu.memory_space<semaphore_mem>>) src(%arg17 : memref<2000xf32, #tpu.memory_space<vmem>>) dst(%dma_wait3A_140 : memref<10000xf32, #tpu.memory_space<vmem_shared>>)
      %barrier3A_141 = arith.constant 0 : index
      tpu.barrier barrier_id(%barrier3A_141)
      %lt3A_142 = arith.constant 15 : i32
      %lt3A_143 = arith.cmpi slt, %arg1, %lt3A_142 : i32
      %convert_element_type3A_144 = arith.extui %lt3A_143 : i1 to i32
      %cond3A_145 = arith.constant 0 : i32
      %cond3A_146 = arith.cmpi ne, %convert_element_type3A_144, %cond3A_145 : i32
      scf.if %cond3A_146 {
        %mul3A_152 = arith.constant 624 : i32
        %mul3A_153 = arith.muli %arg1, %mul3A_152 : i32
        "tpu.region"() ({
          %run_scoped3A = tpu.sem_alloc : memref<!tpu.dma_semaphore, #tpu.memory_space<semaphore_mem>>
          %dma_start3A_168 = arith.constant 0 : i32
          %dma_start3A_169 = arith.constant 0 : i32
          %dma_start3A_170 = tpu.memref_slice %arg15[%dma_start3A_168, %dma_start3A_169] : memref<2000x16xf32, #tpu.memory_space<vmem>> -> memref<624x16xf32, #tpu.memory_space<vmem>>
          %dma_start3A_171 = arith.constant 0 : i32
          %dma_start3A_172 = tpu.memref_slice %arg10[%mul3A_153, %dma_start3A_171] : memref<10000x16xf32, #tpu.memory_space<vmem_shared>> -> memref<624x16xf32, #tpu.memory_space<vmem_shared>>
          %dma_start3A_173 = arith.constant 0 : i32
          %dma_start3A_174 = arith.constant 0 : i32
          %dma_start3A_175 = tpu.memref_slice %arg15[%dma_start3A_173, %dma_start3A_174] : memref<2000x16xf32, #tpu.memory_space<vmem>> -> memref<624x16xf32, #tpu.memory_space<vmem>>
          %dma_start3A_176 = arith.constant 0 : i32
          %dma_start3A_177 = tpu.memref_slice %arg10[%mul3A_153, %dma_start3A_176] : memref<10000x16xf32, #tpu.memory_space<vmem_shared>> -> memref<624x16xf32, #tpu.memory_space<vmem_shared>>
          tpu.enqueue_dma source(%dma_start3A_177 : memref<624x16xf32, #tpu.memory_space<vmem_shared>>) target(%dma_start3A_175 : memref<624x16xf32, #tpu.memory_space<vmem>>) target_semaphore(%run_scoped3A : memref<!tpu.dma_semaphore, #tpu.memory_space<semaphore_mem>>)
          %dma_wait3A_178 = arith.constant 0 : i32
          %dma_wait3A_179 = arith.constant 0 : i32
          %dma_wait3A_180 = tpu.memref_slice %arg15[%dma_wait3A_178, %dma_wait3A_179] : memref<2000x16xf32, #tpu.memory_space<vmem>> -> memref<624x16xf32, #tpu.memory_space<vmem>>
          %dma_wait3A_181 = arith.constant 0 : i32
          %dma_wait3A_182 = tpu.memref_slice %arg10[%mul3A_153, %dma_wait3A_181] : memref<10000x16xf32, #tpu.memory_space<vmem_shared>> -> memref<624x16xf32, #tpu.memory_space<vmem_shared>>
          %dma_wait3A_183 = arith.constant 0 : i32
          %dma_wait3A_184 = arith.constant 0 : i32
          %dma_wait3A_185 = tpu.memref_slice %arg15[%dma_wait3A_183, %dma_wait3A_184] : memref<2000x16xf32, #tpu.memory_space<vmem>> -> memref<624x16xf32, #tpu.memory_space<vmem>>
          %dma_wait3A_186 = arith.constant 0 : i32
          %dma_wait3A_187 = tpu.memref_slice %arg10[%mul3A_153, %dma_wait3A_186] : memref<10000x16xf32, #tpu.memory_space<vmem_shared>> -> memref<624x16xf32, #tpu.memory_space<vmem_shared>>
          tpu.wait_dma2 semaphore(%run_scoped3A : memref<!tpu.dma_semaphore, #tpu.memory_space<semaphore_mem>>) src(%dma_wait3A_187 : memref<624x16xf32, #tpu.memory_space<vmem_shared>>) dst(%dma_wait3A_185 : memref<624x16xf32, #tpu.memory_space<vmem>>)
          tpu.yield
        }) : () -> ()
        "tpu.region"() ({
          %run_scoped3A = tpu.sem_alloc : memref<!tpu.dma_semaphore, #tpu.memory_space<semaphore_mem>>
          %dma_start3A_168 = arith.constant 0 : i32
          %dma_start3A_169 = tpu.memref_slice %arg18[%dma_start3A_168] : memref<640xf32, #tpu.memory_space<vmem>> -> memref<624xf32, #tpu.memory_space<vmem>>
          %dma_start3A_170 = tpu.memref_slice %arg11[%mul3A_153] : memref<10000xf32, #tpu.memory_space<vmem_shared>> -> memref<624xf32, #tpu.memory_space<vmem_shared>>
          %dma_start3A_171 = arith.constant 0 : i32
          %dma_start3A_172 = tpu.memref_slice %arg18[%dma_start3A_171] : memref<640xf32, #tpu.memory_space<vmem>> -> memref<624xf32, #tpu.memory_space<vmem>>
          %dma_start3A_173 = tpu.memref_slice %arg11[%mul3A_153] : memref<10000xf32, #tpu.memory_space<vmem_shared>> -> memref<624xf32, #tpu.memory_space<vmem_shared>>
          tpu.enqueue_dma source(%dma_start3A_173 : memref<624xf32, #tpu.memory_space<vmem_shared>>) target(%dma_start3A_172 : memref<624xf32, #tpu.memory_space<vmem>>) target_semaphore(%run_scoped3A : memref<!tpu.dma_semaphore, #tpu.memory_space<semaphore_mem>>)
          %dma_wait3A_174 = arith.constant 0 : i32
          %dma_wait3A_175 = tpu.memref_slice %arg18[%dma_wait3A_174] : memref<640xf32, #tpu.memory_space<vmem>> -> memref<624xf32, #tpu.memory_space<vmem>>
          %dma_wait3A_176 = tpu.memref_slice %arg11[%mul3A_153] : memref<10000xf32, #tpu.memory_space<vmem_shared>> -> memref<624xf32, #tpu.memory_space<vmem_shared>>
          %dma_wait3A_177 = arith.constant 0 : i32
          %dma_wait3A_178 = tpu.memref_slice %arg18[%dma_wait3A_177] : memref<640xf32, #tpu.memory_space<vmem>> -> memref<624xf32, #tpu.memory_space<vmem>>
          %dma_wait3A_179 = tpu.memref_slice %arg11[%mul3A_153] : memref<10000xf32, #tpu.memory_space<vmem_shared>> -> memref<624xf32, #tpu.memory_space<vmem_shared>>
          tpu.wait_dma2 semaphore(%run_scoped3A : memref<!tpu.dma_semaphore, #tpu.memory_space<semaphore_mem>>) src(%dma_wait3A_179 : memref<624xf32, #tpu.memory_space<vmem_shared>>) dst(%dma_wait3A_178 : memref<624xf32, #tpu.memory_space<vmem>>)
          tpu.yield
        }) : () -> ()
        "tpu.region"() ({
          %run_scoped3A = tpu.sem_alloc : memref<!tpu.dma_semaphore, #tpu.memory_space<semaphore_mem>>
          %dma_start3A_168 = arith.constant 0 : i32
          %dma_start3A_169 = arith.constant 0 : i32
          %dma_start3A_170 = tpu.memref_slice %arg16[%dma_start3A_168, %dma_start3A_169] : memref<2000x16xf32, #tpu.memory_space<vmem>> -> memref<624x16xf32, #tpu.memory_space<vmem>>
          %dma_start3A_171 = arith.constant 0 : i32
          %dma_start3A_172 = tpu.memref_slice %arg6[%mul3A_153, %dma_start3A_171] : memref<10000x16xf32, #tpu.memory_space<hbm>> -> memref<624x16xf32, #tpu.memory_space<hbm>>
          %dma_start3A_173 = arith.constant 0 : i32
          %dma_start3A_174 = arith.constant 0 : i32
          %dma_start3A_175 = tpu.memref_slice %arg16[%dma_start3A_173, %dma_start3A_174] : memref<2000x16xf32, #tpu.memory_space<vmem>> -> memref<624x16xf32, #tpu.memory_space<vmem>>
          %dma_start3A_176 = arith.constant 0 : i32
          %dma_start3A_177 = tpu.memref_slice %arg6[%mul3A_153, %dma_start3A_176] : memref<10000x16xf32, #tpu.memory_space<hbm>> -> memref<624x16xf32, #tpu.memory_space<hbm>>
          tpu.enqueue_dma source(%dma_start3A_177 : memref<624x16xf32, #tpu.memory_space<hbm>>) target(%dma_start3A_175 : memref<624x16xf32, #tpu.memory_space<vmem>>) target_semaphore(%run_scoped3A : memref<!tpu.dma_semaphore, #tpu.memory_space<semaphore_mem>>)
          %dma_wait3A_178 = arith.constant 0 : i32
          %dma_wait3A_179 = arith.constant 0 : i32
          %dma_wait3A_180 = tpu.memref_slice %arg16[%dma_wait3A_178, %dma_wait3A_179] : memref<2000x16xf32, #tpu.memory_space<vmem>> -> memref<624x16xf32, #tpu.memory_space<vmem>>
          %dma_wait3A_181 = arith.constant 0 : i32
          %dma_wait3A_182 = tpu.memref_slice %arg6[%mul3A_153, %dma_wait3A_181] : memref<10000x16xf32, #tpu.memory_space<hbm>> -> memref<624x16xf32, #tpu.memory_space<hbm>>
          %dma_wait3A_183 = arith.constant 0 : i32
          %dma_wait3A_184 = arith.constant 0 : i32
          %dma_wait3A_185 = tpu.memref_slice %arg16[%dma_wait3A_183, %dma_wait3A_184] : memref<2000x16xf32, #tpu.memory_space<vmem>> -> memref<624x16xf32, #tpu.memory_space<vmem>>
          %dma_wait3A_186 = arith.constant 0 : i32
          %dma_wait3A_187 = tpu.memref_slice %arg6[%mul3A_153, %dma_wait3A_186] : memref<10000x16xf32, #tpu.memory_space<hbm>> -> memref<624x16xf32, #tpu.memory_space<hbm>>
          tpu.wait_dma2 semaphore(%run_scoped3A : memref<!tpu.dma_semaphore, #tpu.memory_space<semaphore_mem>>) src(%dma_wait3A_187 : memref<624x16xf32, #tpu.memory_space<hbm>>) dst(%dma_wait3A_185 : memref<624x16xf32, #tpu.memory_space<vmem>>)
          tpu.yield
        }) : () -> ()
        %scan3A_154 = arith.constant 0 : i32
        %scan3A_155 = arith.constant 0 : i32
        %scan3A_156 = arith.constant 39 : i32
        %scan3A_157 = arith.addi %scan3A_155, %scan3A_156 : i32
        %scan3A_158 = arith.constant 1 : i32
        %scan3A_159 = scf.for %scan3A_168 = %scan3A_155 to %scan3A_157 step %scan3A_158 iter_args(%scan3A_169 = %scan3A_154) -> (i32)  : i32 {
          %mul3A_170 = arith.constant 16 : i32
          %mul3A_171 = arith.muli %scan3A_168, %mul3A_170 : i32
          %get3A = arith.index_cast %mul3A_171 : i32 to index
          %get3A_172 = tpu.vector_load %arg18[%get3A] {strides = array<i32>} : memref<640xf32, #tpu.memory_space<vmem>>, vector<16xf32>,
          %get3A_173 = vector.shape_cast %get3A_172 : vector<16xf32> to vector<16xf32>
          %max3A = arith.constant 1.000000e+00 : f32
          %max3A_174 = vector.broadcast %max3A : f32 to vector<16xf32>
          %max3A_175 = arith.maximumf %get3A_173, %max3A_174 : vector<16xf32>
          %div3A = arith.constant 1.000000e+00 : f32
          %div3A_176 = vector.broadcast %div3A : f32 to vector<16xf32>
          %div3A_177 = arith.divf %div3A_176, %max3A_175 : vector<16xf32>
          %mul3A_178 = arith.constant 16 : i32
          %mul3A_179 = arith.muli %scan3A_168, %mul3A_178 : i32
          %swap3A = arith.index_cast %mul3A_179 : i32 to index
          %swap3A_180 = tpu.vector_load %arg17[%swap3A] {strides = array<i32>} : memref<2000xf32, #tpu.memory_space<vmem>>, vector<16xf32>,
          %swap3A_181 = vector.shape_cast %swap3A_180 : vector<16xf32> to vector<16xf32>
          %swap3A_182 = vector.shape_cast %div3A_177 : vector<16xf32> to vector<16xf32>
          tpu.vector_store %arg17[%swap3A], %swap3A_182 {strides = array<i32>} : memref<2000xf32, #tpu.memory_space<vmem>>, vector<16xf32>,
          %scan3A_183 = arith.constant 0 : i32
          scf.yield %scan3A_183 : i32
        }
        %scan3A_160 = arith.constant 39 : i32
        %scan3A_161 = arith.constant 0 : i32
        %scan3A_162 = arith.constant 0 : i32
        %scan3A_163 = arith.constant 624 : i32
        %scan3A_164 = arith.addi %scan3A_162, %scan3A_163 : i32
        %scan3A_165 = arith.constant 1 : i32
        %scan3A_166 = scf.for %scan3A_168 = %scan3A_162 to %scan3A_164 step %scan3A_165 iter_args(%scan3A_169 = %scan3A_161) -> (i32)  : i32 {
          %get3A = arith.index_cast %scan3A_168 : i32 to index
          %get3A_170 = tpu.vector_load %arg17[%get3A] {strides = array<i32>} : memref<2000xf32, #tpu.memory_space<vmem>>, vector<16xf32>,
          %get3A_171 = vector.shape_cast %get3A_170 : vector<16xf32> to vector<16xf32>
          %slice3A = vector.extract_strided_slice %get3A_171 {offsets = [0], sizes = [1], strides = [1]} : vector<16xf32> to vector<1xf32>
          %squeeze3A = vector.extract %slice3A[0] : f32 from vector<1xf32>
          %get3A_172 = arith.index_cast %scan3A_168 : i32 to index
          %get3A_173 = arith.constant 0 : index
          %get3A_174 = tpu.vector_load %arg15[%get3A_172, %get3A_173] {strides = array<i32>} : memref<2000x16xf32, #tpu.memory_space<vmem>>, vector<1x16xf32>,
          %get3A_175 = vector.shape_cast %get3A_174 : vector<1x16xf32> to vector<16xf32>
          %mul3A_176 = vector.broadcast %squeeze3A : f32 to vector<16xf32>
          %mul3A_177 = arith.mulf %get3A_175, %mul3A_176 : vector<16xf32>
          %get3A_178 = arith.index_cast %scan3A_168 : i32 to index
          %get3A_179 = arith.constant 0 : index
          %get3A_180 = tpu.vector_load %arg16[%get3A_178, %get3A_179] {strides = array<i32>} : memref<2000x16xf32, #tpu.memory_space<vmem>>, vector<1x16xf32>,
          %get3A_181 = vector.shape_cast %get3A_180 : vector<1x16xf32> to vector<16xf32>
          %add3A = arith.addf %mul3A_177, %get3A_181 : vector<16xf32>
          %swap3A = arith.index_cast %scan3A_168 : i32 to index
          %swap3A_182 = arith.constant 0 : index
          %swap3A_183 = tpu.vector_load %arg15[%swap3A, %swap3A_182] {strides = array<i32>} : memref<2000x16xf32, #tpu.memory_space<vmem>>, vector<1x16xf32>,
          %swap3A_184 = vector.shape_cast %swap3A_183 : vector<1x16xf32> to vector<16xf32>
          %swap3A_185 = vector.shape_cast %add3A : vector<16xf32> to vector<1x16xf32>
          tpu.vector_store %arg15[%swap3A, %swap3A_182], %swap3A_185 {strides = array<i32>} : memref<2000x16xf32, #tpu.memory_space<vmem>>, vector<1x16xf32>,
          %scan3A_186 = arith.constant 0 : i32
          scf.yield %scan3A_186 : i32
        }
        %scan3A_167 = arith.constant 624 : i32
        "tpu.region"() ({
          %run_scoped3A = tpu.sem_alloc : memref<!tpu.dma_semaphore, #tpu.memory_space<semaphore_mem>>
          %dma_start3A_168 = arith.constant 0 : i32
          %dma_start3A_169 = arith.constant 0 : i32
          %dma_start3A_170 = tpu.memref_slice %arg15[%dma_start3A_168, %dma_start3A_169] : memref<2000x16xf32, #tpu.memory_space<vmem>> -> memref<624x16xf32, #tpu.memory_space<vmem>>
          %dma_start3A_171 = arith.constant 0 : i32
          %dma_start3A_172 = tpu.memref_slice %arg8[%mul3A_153, %dma_start3A_171] : memref<10000x16xf32, #tpu.memory_space<hbm>> -> memref<624x16xf32, #tpu.memory_space<hbm>>
          %dma_start3A_173 = arith.constant 0 : i32
          %dma_start3A_174 = tpu.memref_slice %arg8[%mul3A_153, %dma_start3A_173] : memref<10000x16xf32, #tpu.memory_space<hbm>> -> memref<624x16xf32, #tpu.memory_space<hbm>>
          %dma_start3A_175 = arith.constant 0 : i32
          %dma_start3A_176 = arith.constant 0 : i32
          %dma_start3A_177 = tpu.memref_slice %arg15[%dma_start3A_175, %dma_start3A_176] : memref<2000x16xf32, #tpu.memory_space<vmem>> -> memref<624x16xf32, #tpu.memory_space<vmem>>
          tpu.enqueue_dma source(%dma_start3A_177 : memref<624x16xf32, #tpu.memory_space<vmem>>) target(%dma_start3A_174 : memref<624x16xf32, #tpu.memory_space<hbm>>) target_semaphore(%run_scoped3A : memref<!tpu.dma_semaphore, #tpu.memory_space<semaphore_mem>>)
          %dma_wait3A_178 = arith.constant 0 : i32
          %dma_wait3A_179 = arith.constant 0 : i32
          %dma_wait3A_180 = tpu.memref_slice %arg15[%dma_wait3A_178, %dma_wait3A_179] : memref<2000x16xf32, #tpu.memory_space<vmem>> -> memref<624x16xf32, #tpu.memory_space<vmem>>
          %dma_wait3A_181 = arith.constant 0 : i32
          %dma_wait3A_182 = tpu.memref_slice %arg8[%mul3A_153, %dma_wait3A_181] : memref<10000x16xf32, #tpu.memory_space<hbm>> -> memref<624x16xf32, #tpu.memory_space<hbm>>
          %dma_wait3A_183 = arith.constant 0 : i32
          %dma_wait3A_184 = tpu.memref_slice %arg8[%mul3A_153, %dma_wait3A_183] : memref<10000x16xf32, #tpu.memory_space<hbm>> -> memref<624x16xf32, #tpu.memory_space<hbm>>
          %dma_wait3A_185 = arith.constant 0 : i32
          %dma_wait3A_186 = arith.constant 0 : i32
          %dma_wait3A_187 = tpu.memref_slice %arg15[%dma_wait3A_185, %dma_wait3A_186] : memref<2000x16xf32, #tpu.memory_space<vmem>> -> memref<624x16xf32, #tpu.memory_space<vmem>>
          tpu.wait_dma2 semaphore(%run_scoped3A : memref<!tpu.dma_semaphore, #tpu.memory_space<semaphore_mem>>) src(%dma_wait3A_187 : memref<624x16xf32, #tpu.memory_space<vmem>>) dst(%dma_wait3A_184 : memref<624x16xf32, #tpu.memory_space<hbm>>)
          tpu.yield
        }) : () -> ()
      } else {
      }
      %eq3A_147 = arith.constant 15 : i32
      %eq3A_148 = arith.cmpi eq, %arg1, %eq3A_147 : i32
      %convert_element_type3A_149 = arith.extui %eq3A_148 : i1 to i32
      %cond3A_150 = arith.constant 0 : i32
      %cond3A_151 = arith.cmpi ne, %convert_element_type3A_149, %cond3A_150 : i32
      scf.if %cond3A_151 {
        "tpu.region"() ({
          %run_scoped3A = tpu.sem_alloc : memref<!tpu.dma_semaphore, #tpu.memory_space<semaphore_mem>>
          %dma_start3A_166 = arith.constant 0 : i32
          %dma_start3A_167 = arith.constant 0 : i32
          %dma_start3A_168 = tpu.memref_slice %arg15[%dma_start3A_166, %dma_start3A_167] : memref<2000x16xf32, #tpu.memory_space<vmem>> -> memref<640x16xf32, #tpu.memory_space<vmem>>
          %dma_start3A_169 = arith.constant 9360 : i32
          %dma_start3A_170 = arith.constant 0 : i32
          %dma_start3A_171 = tpu.memref_slice %arg10[%dma_start3A_169, %dma_start3A_170] : memref<10000x16xf32, #tpu.memory_space<vmem_shared>> -> memref<640x16xf32, #tpu.memory_space<vmem_shared>>
          %dma_start3A_172 = arith.constant 0 : i32
          %dma_start3A_173 = arith.constant 0 : i32
          %dma_start3A_174 = tpu.memref_slice %arg15[%dma_start3A_172, %dma_start3A_173] : memref<2000x16xf32, #tpu.memory_space<vmem>> -> memref<640x16xf32, #tpu.memory_space<vmem>>
          %dma_start3A_175 = arith.constant 9360 : i32
          %dma_start3A_176 = arith.constant 0 : i32
          %dma_start3A_177 = tpu.memref_slice %arg10[%dma_start3A_175, %dma_start3A_176] : memref<10000x16xf32, #tpu.memory_space<vmem_shared>> -> memref<640x16xf32, #tpu.memory_space<vmem_shared>>
          tpu.enqueue_dma source(%dma_start3A_177 : memref<640x16xf32, #tpu.memory_space<vmem_shared>>) target(%dma_start3A_174 : memref<640x16xf32, #tpu.memory_space<vmem>>) target_semaphore(%run_scoped3A : memref<!tpu.dma_semaphore, #tpu.memory_space<semaphore_mem>>)
          %dma_wait3A_178 = arith.constant 0 : i32
          %dma_wait3A_179 = arith.constant 0 : i32
          %dma_wait3A_180 = tpu.memref_slice %arg15[%dma_wait3A_178, %dma_wait3A_179] : memref<2000x16xf32, #tpu.memory_space<vmem>> -> memref<640x16xf32, #tpu.memory_space<vmem>>
          %dma_wait3A_181 = arith.constant 9360 : i32
          %dma_wait3A_182 = arith.constant 0 : i32
          %dma_wait3A_183 = tpu.memref_slice %arg10[%dma_wait3A_181, %dma_wait3A_182] : memref<10000x16xf32, #tpu.memory_space<vmem_shared>> -> memref<640x16xf32, #tpu.memory_space<vmem_shared>>
          %dma_wait3A_184 = arith.constant 0 : i32
          %dma_wait3A_185 = arith.constant 0 : i32
          %dma_wait3A_186 = tpu.memref_slice %arg15[%dma_wait3A_184, %dma_wait3A_185] : memref<2000x16xf32, #tpu.memory_space<vmem>> -> memref<640x16xf32, #tpu.memory_space<vmem>>
          %dma_wait3A_187 = arith.constant 9360 : i32
          %dma_wait3A_188 = arith.constant 0 : i32
          %dma_wait3A_189 = tpu.memref_slice %arg10[%dma_wait3A_187, %dma_wait3A_188] : memref<10000x16xf32, #tpu.memory_space<vmem_shared>> -> memref<640x16xf32, #tpu.memory_space<vmem_shared>>
          tpu.wait_dma2 semaphore(%run_scoped3A : memref<!tpu.dma_semaphore, #tpu.memory_space<semaphore_mem>>) src(%dma_wait3A_189 : memref<640x16xf32, #tpu.memory_space<vmem_shared>>) dst(%dma_wait3A_186 : memref<640x16xf32, #tpu.memory_space<vmem>>)
          tpu.yield
        }) : () -> ()
        "tpu.region"() ({
          %run_scoped3A = tpu.sem_alloc : memref<!tpu.dma_semaphore, #tpu.memory_space<semaphore_mem>>
          %dma_start3A_166 = arith.constant 0 : i32
          %dma_start3A_167 = tpu.memref_slice %arg18[%dma_start3A_166] : memref<640xf32, #tpu.memory_space<vmem>> -> memref<640xf32, #tpu.memory_space<vmem>>
          %dma_start3A_168 = arith.constant 9360 : i32
          %dma_start3A_169 = tpu.memref_slice %arg11[%dma_start3A_168] : memref<10000xf32, #tpu.memory_space<vmem_shared>> -> memref<640xf32, #tpu.memory_space<vmem_shared>>
          %dma_start3A_170 = arith.constant 0 : i32
          %dma_start3A_171 = tpu.memref_slice %arg18[%dma_start3A_170] : memref<640xf32, #tpu.memory_space<vmem>> -> memref<640xf32, #tpu.memory_space<vmem>>
          %dma_start3A_172 = arith.constant 9360 : i32
          %dma_start3A_173 = tpu.memref_slice %arg11[%dma_start3A_172] : memref<10000xf32, #tpu.memory_space<vmem_shared>> -> memref<640xf32, #tpu.memory_space<vmem_shared>>
          tpu.enqueue_dma source(%dma_start3A_173 : memref<640xf32, #tpu.memory_space<vmem_shared>>) target(%dma_start3A_171 : memref<640xf32, #tpu.memory_space<vmem>>) target_semaphore(%run_scoped3A : memref<!tpu.dma_semaphore, #tpu.memory_space<semaphore_mem>>)
          %dma_wait3A_174 = arith.constant 0 : i32
          %dma_wait3A_175 = tpu.memref_slice %arg18[%dma_wait3A_174] : memref<640xf32, #tpu.memory_space<vmem>> -> memref<640xf32, #tpu.memory_space<vmem>>
          %dma_wait3A_176 = arith.constant 9360 : i32
          %dma_wait3A_177 = tpu.memref_slice %arg11[%dma_wait3A_176] : memref<10000xf32, #tpu.memory_space<vmem_shared>> -> memref<640xf32, #tpu.memory_space<vmem_shared>>
          %dma_wait3A_178 = arith.constant 0 : i32
          %dma_wait3A_179 = tpu.memref_slice %arg18[%dma_wait3A_178] : memref<640xf32, #tpu.memory_space<vmem>> -> memref<640xf32, #tpu.memory_space<vmem>>
          %dma_wait3A_180 = arith.constant 9360 : i32
          %dma_wait3A_181 = tpu.memref_slice %arg11[%dma_wait3A_180] : memref<10000xf32, #tpu.memory_space<vmem_shared>> -> memref<640xf32, #tpu.memory_space<vmem_shared>>
          tpu.wait_dma2 semaphore(%run_scoped3A : memref<!tpu.dma_semaphore, #tpu.memory_space<semaphore_mem>>) src(%dma_wait3A_181 : memref<640xf32, #tpu.memory_space<vmem_shared>>) dst(%dma_wait3A_179 : memref<640xf32, #tpu.memory_space<vmem>>)
          tpu.yield
        }) : () -> ()
        "tpu.region"() ({
          %run_scoped3A = tpu.sem_alloc : memref<!tpu.dma_semaphore, #tpu.memory_space<semaphore_mem>>
          %dma_start3A_166 = arith.constant 0 : i32
          %dma_start3A_167 = arith.constant 0 : i32
          %dma_start3A_168 = tpu.memref_slice %arg16[%dma_start3A_166, %dma_start3A_167] : memref<2000x16xf32, #tpu.memory_space<vmem>> -> memref<640x16xf32, #tpu.memory_space<vmem>>
          %dma_start3A_169 = arith.constant 9360 : i32
          %dma_start3A_170 = arith.constant 0 : i32
          %dma_start3A_171 = tpu.memref_slice %arg6[%dma_start3A_169, %dma_start3A_170] : memref<10000x16xf32, #tpu.memory_space<hbm>> -> memref<640x16xf32, #tpu.memory_space<hbm>>
          %dma_start3A_172 = arith.constant 0 : i32
          %dma_start3A_173 = arith.constant 0 : i32
          %dma_start3A_174 = tpu.memref_slice %arg16[%dma_start3A_172, %dma_start3A_173] : memref<2000x16xf32, #tpu.memory_space<vmem>> -> memref<640x16xf32, #tpu.memory_space<vmem>>
          %dma_start3A_175 = arith.constant 9360 : i32
          %dma_start3A_176 = arith.constant 0 : i32
          %dma_start3A_177 = tpu.memref_slice %arg6[%dma_start3A_175, %dma_start3A_176] : memref<10000x16xf32, #tpu.memory_space<hbm>> -> memref<640x16xf32, #tpu.memory_space<hbm>>
          tpu.enqueue_dma source(%dma_start3A_177 : memref<640x16xf32, #tpu.memory_space<hbm>>) target(%dma_start3A_174 : memref<640x16xf32, #tpu.memory_space<vmem>>) target_semaphore(%run_scoped3A : memref<!tpu.dma_semaphore, #tpu.memory_space<semaphore_mem>>)
          %dma_wait3A_178 = arith.constant 0 : i32
          %dma_wait3A_179 = arith.constant 0 : i32
          %dma_wait3A_180 = tpu.memref_slice %arg16[%dma_wait3A_178, %dma_wait3A_179] : memref<2000x16xf32, #tpu.memory_space<vmem>> -> memref<640x16xf32, #tpu.memory_space<vmem>>
          %dma_wait3A_181 = arith.constant 9360 : i32
          %dma_wait3A_182 = arith.constant 0 : i32
          %dma_wait3A_183 = tpu.memref_slice %arg6[%dma_wait3A_181, %dma_wait3A_182] : memref<10000x16xf32, #tpu.memory_space<hbm>> -> memref<640x16xf32, #tpu.memory_space<hbm>>
          %dma_wait3A_184 = arith.constant 0 : i32
          %dma_wait3A_185 = arith.constant 0 : i32
          %dma_wait3A_186 = tpu.memref_slice %arg16[%dma_wait3A_184, %dma_wait3A_185] : memref<2000x16xf32, #tpu.memory_space<vmem>> -> memref<640x16xf32, #tpu.memory_space<vmem>>
          %dma_wait3A_187 = arith.constant 9360 : i32
          %dma_wait3A_188 = arith.constant 0 : i32
          %dma_wait3A_189 = tpu.memref_slice %arg6[%dma_wait3A_187, %dma_wait3A_188] : memref<10000x16xf32, #tpu.memory_space<hbm>> -> memref<640x16xf32, #tpu.memory_space<hbm>>
          tpu.wait_dma2 semaphore(%run_scoped3A : memref<!tpu.dma_semaphore, #tpu.memory_space<semaphore_mem>>) src(%dma_wait3A_189 : memref<640x16xf32, #tpu.memory_space<hbm>>) dst(%dma_wait3A_186 : memref<640x16xf32, #tpu.memory_space<vmem>>)
          tpu.yield
        }) : () -> ()
        %scan3A_152 = arith.constant 0 : i32
        %scan3A_153 = arith.constant 0 : i32
        %scan3A_154 = arith.constant 40 : i32
        %scan3A_155 = arith.addi %scan3A_153, %scan3A_154 : i32
        %scan3A_156 = arith.constant 1 : i32
        %scan3A_157 = scf.for %scan3A_166 = %scan3A_153 to %scan3A_155 step %scan3A_156 iter_args(%scan3A_167 = %scan3A_152) -> (i32)  : i32 {
          %mul3A_168 = arith.constant 16 : i32
          %mul3A_169 = arith.muli %scan3A_166, %mul3A_168 : i32
          %get3A = arith.index_cast %mul3A_169 : i32 to index
          %get3A_170 = tpu.vector_load %arg18[%get3A] {strides = array<i32>} : memref<640xf32, #tpu.memory_space<vmem>>, vector<16xf32>,
          %get3A_171 = vector.shape_cast %get3A_170 : vector<16xf32> to vector<16xf32>
          %max3A = arith.constant 1.000000e+00 : f32
          %max3A_172 = vector.broadcast %max3A : f32 to vector<16xf32>
          %max3A_173 = arith.maximumf %get3A_171, %max3A_172 : vector<16xf32>
          %div3A = arith.constant 1.000000e+00 : f32
          %div3A_174 = vector.broadcast %div3A : f32 to vector<16xf32>
          %div3A_175 = arith.divf %div3A_174, %max3A_173 : vector<16xf32>
          %mul3A_176 = arith.constant 16 : i32
          %mul3A_177 = arith.muli %scan3A_166, %mul3A_176 : i32
          %swap3A = arith.index_cast %mul3A_177 : i32 to index
          %swap3A_178 = tpu.vector_load %arg17[%swap3A] {strides = array<i32>} : memref<2000xf32, #tpu.memory_space<vmem>>, vector<16xf32>,
          %swap3A_179 = vector.shape_cast %swap3A_178 : vector<16xf32> to vector<16xf32>
          %swap3A_180 = vector.shape_cast %div3A_175 : vector<16xf32> to vector<16xf32>
          tpu.vector_store %arg17[%swap3A], %swap3A_180 {strides = array<i32>} : memref<2000xf32, #tpu.memory_space<vmem>>, vector<16xf32>,
          %scan3A_181 = arith.constant 0 : i32
          scf.yield %scan3A_181 : i32
        }
        %scan3A_158 = arith.constant 40 : i32
        %scan3A_159 = arith.constant 0 : i32
        %scan3A_160 = arith.constant 0 : i32
        %scan3A_161 = arith.constant 640 : i32
        %scan3A_162 = arith.addi %scan3A_160, %scan3A_161 : i32
        %scan3A_163 = arith.constant 1 : i32
        %scan3A_164 = scf.for %scan3A_166 = %scan3A_160 to %scan3A_162 step %scan3A_163 iter_args(%scan3A_167 = %scan3A_159) -> (i32)  : i32 {
          %get3A = arith.index_cast %scan3A_166 : i32 to index
          %get3A_168 = tpu.vector_load %arg17[%get3A] {strides = array<i32>} : memref<2000xf32, #tpu.memory_space<vmem>>, vector<16xf32>,
          %get3A_169 = vector.shape_cast %get3A_168 : vector<16xf32> to vector<16xf32>
          %slice3A = vector.extract_strided_slice %get3A_169 {offsets = [0], sizes = [1], strides = [1]} : vector<16xf32> to vector<1xf32>
          %squeeze3A = vector.extract %slice3A[0] : f32 from vector<1xf32>
          %get3A_170 = arith.index_cast %scan3A_166 : i32 to index
          %get3A_171 = arith.constant 0 : index
          %get3A_172 = tpu.vector_load %arg15[%get3A_170, %get3A_171] {strides = array<i32>} : memref<2000x16xf32, #tpu.memory_space<vmem>>, vector<1x16xf32>,
          %get3A_173 = vector.shape_cast %get3A_172 : vector<1x16xf32> to vector<16xf32>
          %mul3A_174 = vector.broadcast %squeeze3A : f32 to vector<16xf32>
          %mul3A_175 = arith.mulf %get3A_173, %mul3A_174 : vector<16xf32>
          %get3A_176 = arith.index_cast %scan3A_166 : i32 to index
          %get3A_177 = arith.constant 0 : index
          %get3A_178 = tpu.vector_load %arg16[%get3A_176, %get3A_177] {strides = array<i32>} : memref<2000x16xf32, #tpu.memory_space<vmem>>, vector<1x16xf32>,
          %get3A_179 = vector.shape_cast %get3A_178 : vector<1x16xf32> to vector<16xf32>
          %add3A = arith.addf %mul3A_175, %get3A_179 : vector<16xf32>
          %swap3A = arith.index_cast %scan3A_166 : i32 to index
          %swap3A_180 = arith.constant 0 : index
          %swap3A_181 = tpu.vector_load %arg15[%swap3A, %swap3A_180] {strides = array<i32>} : memref<2000x16xf32, #tpu.memory_space<vmem>>, vector<1x16xf32>,
          %swap3A_182 = vector.shape_cast %swap3A_181 : vector<1x16xf32> to vector<16xf32>
          %swap3A_183 = vector.shape_cast %add3A : vector<16xf32> to vector<1x16xf32>
          tpu.vector_store %arg15[%swap3A, %swap3A_180], %swap3A_183 {strides = array<i32>} : memref<2000x16xf32, #tpu.memory_space<vmem>>, vector<1x16xf32>,
          %scan3A_184 = arith.constant 0 : i32
          scf.yield %scan3A_184 : i32
        }
        %scan3A_165 = arith.constant 640 : i32
        "tpu.region"() ({
          %run_scoped3A = tpu.sem_alloc : memref<!tpu.dma_semaphore, #tpu.memory_space<semaphore_mem>>
          %dma_start3A_166 = arith.constant 0 : i32
          %dma_start3A_167 = arith.constant 0 : i32
          %dma_start3A_168 = tpu.memref_slice %arg15[%dma_start3A_166, %dma_start3A_167] : memref<2000x16xf32, #tpu.memory_space<vmem>> -> memref<640x16xf32, #tpu.memory_space<vmem>>
          %dma_start3A_169 = arith.constant 9360 : i32
          %dma_start3A_170 = arith.constant 0 : i32
          %dma_start3A_171 = tpu.memref_slice %arg8[%dma_start3A_169, %dma_start3A_170] : memref<10000x16xf32, #tpu.memory_space<hbm>> -> memref<640x16xf32, #tpu.memory_space<hbm>>
          %dma_start3A_172 = arith.constant 9360 : i32
          %dma_start3A_173 = arith.constant 0 : i32
          %dma_start3A_174 = tpu.memref_slice %arg8[%dma_start3A_172, %dma_start3A_173] : memref<10000x16xf32, #tpu.memory_space<hbm>> -> memref<640x16xf32, #tpu.memory_space<hbm>>
          %dma_start3A_175 = arith.constant 0 : i32
          %dma_start3A_176 = arith.constant 0 : i32
          %dma_start3A_177 = tpu.memref_slice %arg15[%dma_start3A_175, %dma_start3A_176] : memref<2000x16xf32, #tpu.memory_space<vmem>> -> memref<640x16xf32, #tpu.memory_space<vmem>>
          tpu.enqueue_dma source(%dma_start3A_177 : memref<640x16xf32, #tpu.memory_space<vmem>>) target(%dma_start3A_174 : memref<640x16xf32, #tpu.memory_space<hbm>>) target_semaphore(%run_scoped3A : memref<!tpu.dma_semaphore, #tpu.memory_space<semaphore_mem>>)
          %dma_wait3A_178 = arith.constant 0 : i32
          %dma_wait3A_179 = arith.constant 0 : i32
          %dma_wait3A_180 = tpu.memref_slice %arg15[%dma_wait3A_178, %dma_wait3A_179] : memref<2000x16xf32, #tpu.memory_space<vmem>> -> memref<640x16xf32, #tpu.memory_space<vmem>>
          %dma_wait3A_181 = arith.constant 9360 : i32
          %dma_wait3A_182 = arith.constant 0 : i32
          %dma_wait3A_183 = tpu.memref_slice %arg8[%dma_wait3A_181, %dma_wait3A_182] : memref<10000x16xf32, #tpu.memory_space<hbm>> -> memref<640x16xf32, #tpu.memory_space<hbm>>
          %dma_wait3A_184 = arith.constant 9360 : i32
          %dma_wait3A_185 = arith.constant 0 : i32
          %dma_wait3A_186 = tpu.memref_slice %arg8[%dma_wait3A_184, %dma_wait3A_185] : memref<10000x16xf32, #tpu.memory_space<hbm>> -> memref<640x16xf32, #tpu.memory_space<hbm>>
          %dma_wait3A_187 = arith.constant 0 : i32
          %dma_wait3A_188 = arith.constant 0 : i32
          %dma_wait3A_189 = tpu.memref_slice %arg15[%dma_wait3A_187, %dma_wait3A_188] : memref<2000x16xf32, #tpu.memory_space<vmem>> -> memref<640x16xf32, #tpu.memory_space<vmem>>
          tpu.wait_dma2 semaphore(%run_scoped3A : memref<!tpu.dma_semaphore, #tpu.memory_space<semaphore_mem>>) src(%dma_wait3A_189 : memref<640x16xf32, #tpu.memory_space<vmem>>) dst(%dma_wait3A_186 : memref<640x16xf32, #tpu.memory_space<hbm>>)
          tpu.yield
        }) : () -> ()
      } else {
      }
    } else {
    }
    %eq3A_2 = arith.constant 1 : i32
    %eq3A_3 = arith.cmpi eq, %arg0, %eq3A_2 : i32
    %convert_element_type3A_4 = arith.extui %eq3A_3 : i1 to i32
    %cond3A_5 = arith.constant 0 : i32
    %cond3A_6 = arith.cmpi ne, %convert_element_type3A_4, %cond3A_5 : i32
    scf.if %cond3A_6 {
      %mul3A = arith.constant 20000 : i32
      %mul3A_7 = arith.muli %arg1, %mul3A : i32
      %dma_start3A = arith.constant 0 : i32
      %dma_start3A_8 = tpu.memref_slice %arg5[%dma_start3A, %mul3A_7] : memref<2x320000xi32, #tpu.memory_space<hbm>> -> memref<1x20000xi32, #tpu.memory_space<hbm>>
      %dma_start3A_9 = tpu.memref_squeeze %dma_start3A_8 : memref<1x20000xi32, #tpu.memory_space<hbm>> -> memref<20000xi32, #tpu.memory_space<hbm>>
      %dma_start3A_10 = tpu.memref_slice %arg5[%dma_start3A, %mul3A_7] : memref<2x320000xi32, #tpu.memory_space<hbm>> -> memref<1x20000xi32, #tpu.memory_space<hbm>>
      %dma_start3A_11 = tpu.memref_squeeze %dma_start3A_10 : memref<1x20000xi32, #tpu.memory_space<hbm>> -> memref<20000xi32, #tpu.memory_space<hbm>>
      tpu.enqueue_dma source(%dma_start3A_11 : memref<20000xi32, #tpu.memory_space<hbm>>) target(%arg13 : memref<20000xi32, #tpu.memory_space<vmem>>) target_semaphore(%arg21 : memref<!tpu.dma_semaphore, #tpu.memory_space<semaphore_mem>>)
      %dma_start3A_12 = arith.constant 1 : i32
      %dma_start3A_13 = tpu.memref_slice %arg5[%dma_start3A_12, %mul3A_7] : memref<2x320000xi32, #tpu.memory_space<hbm>> -> memref<1x20000xi32, #tpu.memory_space<hbm>>
      %dma_start3A_14 = tpu.memref_squeeze %dma_start3A_13 : memref<1x20000xi32, #tpu.memory_space<hbm>> -> memref<20000xi32, #tpu.memory_space<hbm>>
      %dma_start3A_15 = tpu.memref_slice %arg5[%dma_start3A_12, %mul3A_7] : memref<2x320000xi32, #tpu.memory_space<hbm>> -> memref<1x20000xi32, #tpu.memory_space<hbm>>
      %dma_start3A_16 = tpu.memref_squeeze %dma_start3A_15 : memref<1x20000xi32, #tpu.memory_space<hbm>> -> memref<20000xi32, #tpu.memory_space<hbm>>
      tpu.enqueue_dma source(%dma_start3A_16 : memref<20000xi32, #tpu.memory_space<hbm>>) target(%arg14 : memref<20000xi32, #tpu.memory_space<vmem>>) target_semaphore(%arg22 : memref<!tpu.dma_semaphore, #tpu.memory_space<semaphore_mem>>)
      %lt3A = arith.constant 15 : i32
      %lt3A_17 = arith.cmpi slt, %arg1, %lt3A : i32
      %convert_element_type3A_18 = arith.extui %lt3A_17 : i1 to i32
      %cond3A_19 = arith.constant 0 : i32
      %cond3A_20 = arith.cmpi ne, %convert_element_type3A_18, %cond3A_19 : i32
      scf.if %cond3A_20 {
        %mul3A_152 = arith.constant 624 : i32
        %mul3A_153 = arith.muli %arg1, %mul3A_152 : i32
        %mul3A_154 = arith.constant 624 : i32
        %mul3A_155 = arith.muli %arg1, %mul3A_154 : i32
        %dma_start3A_156 = arith.constant 0 : i32
        %dma_start3A_157 = tpu.memref_slice %arg12[%mul3A_155, %dma_start3A_156] : memref<10000x16xf32, #tpu.memory_space<vmem_shared>> -> memref<624x16xf32, #tpu.memory_space<vmem_shared>>
        %dma_start3A_158 = arith.constant 0 : i32
        %dma_start3A_159 = tpu.memref_slice %arg4[%mul3A_153, %dma_start3A_158] : memref<10000x16xf32, #tpu.memory_space<hbm>> -> memref<624x16xf32, #tpu.memory_space<hbm>>
        tpu.enqueue_dma source(%dma_start3A_159 : memref<624x16xf32, #tpu.memory_space<hbm>>) target(%dma_start3A_157 : memref<624x16xf32, #tpu.memory_space<vmem_shared>>) target_semaphore(%arg23 : memref<!tpu.dma_semaphore, #tpu.memory_space<semaphore_mem>>)
      } else {
      }
      %eq3A_21 = arith.constant 15 : i32
      %eq3A_22 = arith.cmpi eq, %arg1, %eq3A_21 : i32
      %convert_element_type3A_23 = arith.extui %eq3A_22 : i1 to i32
      %cond3A_24 = arith.constant 0 : i32
      %cond3A_25 = arith.cmpi ne, %convert_element_type3A_23, %cond3A_24 : i32
      scf.if %cond3A_25 {
        %dma_start3A_152 = arith.constant 9360 : i32
        %dma_start3A_153 = arith.constant 0 : i32
        %dma_start3A_154 = tpu.memref_slice %arg12[%dma_start3A_152, %dma_start3A_153] : memref<10000x16xf32, #tpu.memory_space<vmem_shared>> -> memref<640x16xf32, #tpu.memory_space<vmem_shared>>
        %dma_start3A_155 = arith.constant 9360 : i32
        %dma_start3A_156 = arith.constant 0 : i32
        %dma_start3A_157 = tpu.memref_slice %arg4[%dma_start3A_155, %dma_start3A_156] : memref<10000x16xf32, #tpu.memory_space<hbm>> -> memref<640x16xf32, #tpu.memory_space<hbm>>
        tpu.enqueue_dma source(%dma_start3A_157 : memref<640x16xf32, #tpu.memory_space<hbm>>) target(%dma_start3A_154 : memref<640x16xf32, #tpu.memory_space<vmem_shared>>) target_semaphore(%arg23 : memref<!tpu.dma_semaphore, #tpu.memory_space<semaphore_mem>>)
      } else {
      }
      %broadcast_in_dim3A = arith.constant 0.000000e+00 : f32
      %broadcast_in_dim3A_26 = vector.broadcast %broadcast_in_dim3A : f32 to vector<16xf32>
      %broadcast_in_dim3A_27 = arith.constant 1.000000e+00 : f32
      %broadcast_in_dim3A_28 = vector.broadcast %broadcast_in_dim3A_27 : f32 to vector<16xf32>
      %scan3A = arith.constant 0 : i32
      %scan3A_29 = arith.constant 0 : i32
      %scan3A_30 = arith.constant 640 : i32
      %scan3A_31 = arith.addi %scan3A_29, %scan3A_30 : i32
      %scan3A_32 = arith.constant 1 : i32
      %scan3A_33 = scf.for %scan3A_152 = %scan3A_29 to %scan3A_31 step %scan3A_32 iter_args(%scan3A_153 = %scan3A) -> (i32)  : i32 {
        %swap3A = arith.index_cast %scan3A_152 : i32 to index
        %swap3A_154 = arith.constant 0 : index
        %swap3A_155 = tpu.vector_load %arg15[%swap3A, %swap3A_154] {strides = array<i32>} : memref<2000x16xf32, #tpu.memory_space<vmem>>, vector<1x16xf32>,
        %swap3A_156 = vector.shape_cast %swap3A_155 : vector<1x16xf32> to vector<16xf32>
        %swap3A_157 = vector.shape_cast %broadcast_in_dim3A_26 : vector<16xf32> to vector<1x16xf32>
        tpu.vector_store %arg15[%swap3A, %swap3A_154], %swap3A_157 {strides = array<i32>} : memref<2000x16xf32, #tpu.memory_space<vmem>>, vector<1x16xf32>,
        %scan3A_158 = arith.constant 0 : i32
        scf.yield %scan3A_158 : i32
      }
      %scan3A_34 = arith.constant 640 : i32
      %scan3A_35 = arith.constant 0 : i32
      %scan3A_36 = arith.constant 0 : i32
      %scan3A_37 = arith.constant 40 : i32
      %scan3A_38 = arith.addi %scan3A_36, %scan3A_37 : i32
      %scan3A_39 = arith.constant 1 : i32
      %scan3A_40 = scf.for %scan3A_152 = %scan3A_36 to %scan3A_38 step %scan3A_39 iter_args(%scan3A_153 = %scan3A_35) -> (i32)  : i32 {
        %mul3A_154 = arith.constant 16 : i32
        %mul3A_155 = arith.muli %scan3A_152, %mul3A_154 : i32
        %swap3A = arith.index_cast %mul3A_155 : i32 to index
        %swap3A_156 = tpu.vector_load %arg18[%swap3A] {strides = array<i32>} : memref<640xf32, #tpu.memory_space<vmem>>, vector<16xf32>,
        %swap3A_157 = vector.shape_cast %swap3A_156 : vector<16xf32> to vector<16xf32>
        %swap3A_158 = vector.shape_cast %broadcast_in_dim3A_26 : vector<16xf32> to vector<16xf32>
        tpu.vector_store %arg18[%swap3A], %swap3A_158 {strides = array<i32>} : memref<640xf32, #tpu.memory_space<vmem>>, vector<16xf32>,
        %scan3A_159 = arith.constant 0 : i32
        scf.yield %scan3A_159 : i32
      }
      %scan3A_41 = arith.constant 40 : i32
      %scan3A_42 = arith.constant 0 : i32
      %scan3A_43 = arith.constant 0 : i32
      %scan3A_44 = arith.constant 125 : i32
      %scan3A_45 = arith.addi %scan3A_43, %scan3A_44 : i32
      %scan3A_46 = arith.constant 1 : i32
      %scan3A_47 = scf.for %scan3A_152 = %scan3A_43 to %scan3A_45 step %scan3A_46 iter_args(%scan3A_153 = %scan3A_42) -> (i32)  : i32 {
        %mul3A_154 = arith.constant 16 : i32
        %mul3A_155 = arith.muli %scan3A_152, %mul3A_154 : i32
        %swap3A = arith.index_cast %mul3A_155 : i32 to index
        %swap3A_156 = tpu.vector_load %arg17[%swap3A] {strides = array<i32>} : memref<2000xf32, #tpu.memory_space<vmem>>, vector<16xf32>,
        %swap3A_157 = vector.shape_cast %swap3A_156 : vector<16xf32> to vector<16xf32>
        %swap3A_158 = vector.shape_cast %broadcast_in_dim3A_28 : vector<16xf32> to vector<16xf32>
        tpu.vector_store %arg17[%swap3A], %swap3A_158 {strides = array<i32>} : memref<2000xf32, #tpu.memory_space<vmem>>, vector<16xf32>,
        %scan3A_159 = arith.constant 0 : i32
        scf.yield %scan3A_159 : i32
      }
      %scan3A_48 = arith.constant 125 : i32
      %lt3A_49 = arith.constant 15 : i32
      %lt3A_50 = arith.cmpi slt, %arg1, %lt3A_49 : i32
      %convert_element_type3A_51 = arith.extui %lt3A_50 : i1 to i32
      %cond3A_52 = arith.constant 0 : i32
      %cond3A_53 = arith.cmpi ne, %convert_element_type3A_51, %cond3A_52 : i32
      scf.if %cond3A_53 {
        %mul3A_152 = arith.constant 624 : i32
        %mul3A_153 = arith.muli %arg1, %mul3A_152 : i32
        "tpu.region"() ({
          %run_scoped3A = tpu.sem_alloc : memref<!tpu.dma_semaphore, #tpu.memory_space<semaphore_mem>>
          %dma_start3A_154 = arith.constant 0 : i32
          %dma_start3A_155 = arith.constant 0 : i32
          %dma_start3A_156 = tpu.memref_slice %arg15[%dma_start3A_154, %dma_start3A_155] : memref<2000x16xf32, #tpu.memory_space<vmem>> -> memref<624x16xf32, #tpu.memory_space<vmem>>
          %dma_start3A_157 = arith.constant 0 : i32
          %dma_start3A_158 = tpu.memref_slice %arg10[%mul3A_153, %dma_start3A_157] : memref<10000x16xf32, #tpu.memory_space<vmem_shared>> -> memref<624x16xf32, #tpu.memory_space<vmem_shared>>
          %dma_start3A_159 = arith.constant 0 : i32
          %dma_start3A_160 = tpu.memref_slice %arg10[%mul3A_153, %dma_start3A_159] : memref<10000x16xf32, #tpu.memory_space<vmem_shared>> -> memref<624x16xf32, #tpu.memory_space<vmem_shared>>
          %dma_start3A_161 = arith.constant 0 : i32
          %dma_start3A_162 = arith.constant 0 : i32
          %dma_start3A_163 = tpu.memref_slice %arg15[%dma_start3A_161, %dma_start3A_162] : memref<2000x16xf32, #tpu.memory_space<vmem>> -> memref<624x16xf32, #tpu.memory_space<vmem>>
          tpu.enqueue_dma source(%dma_start3A_163 : memref<624x16xf32, #tpu.memory_space<vmem>>) target(%dma_start3A_160 : memref<624x16xf32, #tpu.memory_space<vmem_shared>>) target_semaphore(%run_scoped3A : memref<!tpu.dma_semaphore, #tpu.memory_space<semaphore_mem>>)
          %dma_wait3A_164 = arith.constant 0 : i32
          %dma_wait3A_165 = arith.constant 0 : i32
          %dma_wait3A_166 = tpu.memref_slice %arg15[%dma_wait3A_164, %dma_wait3A_165] : memref<2000x16xf32, #tpu.memory_space<vmem>> -> memref<624x16xf32, #tpu.memory_space<vmem>>
          %dma_wait3A_167 = arith.constant 0 : i32
          %dma_wait3A_168 = tpu.memref_slice %arg10[%mul3A_153, %dma_wait3A_167] : memref<10000x16xf32, #tpu.memory_space<vmem_shared>> -> memref<624x16xf32, #tpu.memory_space<vmem_shared>>
          %dma_wait3A_169 = arith.constant 0 : i32
          %dma_wait3A_170 = tpu.memref_slice %arg10[%mul3A_153, %dma_wait3A_169] : memref<10000x16xf32, #tpu.memory_space<vmem_shared>> -> memref<624x16xf32, #tpu.memory_space<vmem_shared>>
          %dma_wait3A_171 = arith.constant 0 : i32
          %dma_wait3A_172 = arith.constant 0 : i32
          %dma_wait3A_173 = tpu.memref_slice %arg15[%dma_wait3A_171, %dma_wait3A_172] : memref<2000x16xf32, #tpu.memory_space<vmem>> -> memref<624x16xf32, #tpu.memory_space<vmem>>
          tpu.wait_dma2 semaphore(%run_scoped3A : memref<!tpu.dma_semaphore, #tpu.memory_space<semaphore_mem>>) src(%dma_wait3A_173 : memref<624x16xf32, #tpu.memory_space<vmem>>) dst(%dma_wait3A_170 : memref<624x16xf32, #tpu.memory_space<vmem_shared>>)
          tpu.yield
        }) : () -> ()
        "tpu.region"() ({
          %run_scoped3A = tpu.sem_alloc : memref<!tpu.dma_semaphore, #tpu.memory_space<semaphore_mem>>
          %dma_start3A_154 = arith.constant 0 : i32
          %dma_start3A_155 = tpu.memref_slice %arg18[%dma_start3A_154] : memref<640xf32, #tpu.memory_space<vmem>> -> memref<624xf32, #tpu.memory_space<vmem>>
          %dma_start3A_156 = tpu.memref_slice %arg11[%mul3A_153] : memref<10000xf32, #tpu.memory_space<vmem_shared>> -> memref<624xf32, #tpu.memory_space<vmem_shared>>
          %dma_start3A_157 = tpu.memref_slice %arg11[%mul3A_153] : memref<10000xf32, #tpu.memory_space<vmem_shared>> -> memref<624xf32, #tpu.memory_space<vmem_shared>>
          %dma_start3A_158 = arith.constant 0 : i32
          %dma_start3A_159 = tpu.memref_slice %arg18[%dma_start3A_158] : memref<640xf32, #tpu.memory_space<vmem>> -> memref<624xf32, #tpu.memory_space<vmem>>
          tpu.enqueue_dma source(%dma_start3A_159 : memref<624xf32, #tpu.memory_space<vmem>>) target(%dma_start3A_157 : memref<624xf32, #tpu.memory_space<vmem_shared>>) target_semaphore(%run_scoped3A : memref<!tpu.dma_semaphore, #tpu.memory_space<semaphore_mem>>)
          %dma_wait3A_160 = arith.constant 0 : i32
          %dma_wait3A_161 = tpu.memref_slice %arg18[%dma_wait3A_160] : memref<640xf32, #tpu.memory_space<vmem>> -> memref<624xf32, #tpu.memory_space<vmem>>
          %dma_wait3A_162 = tpu.memref_slice %arg11[%mul3A_153] : memref<10000xf32, #tpu.memory_space<vmem_shared>> -> memref<624xf32, #tpu.memory_space<vmem_shared>>
          %dma_wait3A_163 = tpu.memref_slice %arg11[%mul3A_153] : memref<10000xf32, #tpu.memory_space<vmem_shared>> -> memref<624xf32, #tpu.memory_space<vmem_shared>>
          %dma_wait3A_164 = arith.constant 0 : i32
          %dma_wait3A_165 = tpu.memref_slice %arg18[%dma_wait3A_164] : memref<640xf32, #tpu.memory_space<vmem>> -> memref<624xf32, #tpu.memory_space<vmem>>
          tpu.wait_dma2 semaphore(%run_scoped3A : memref<!tpu.dma_semaphore, #tpu.memory_space<semaphore_mem>>) src(%dma_wait3A_165 : memref<624xf32, #tpu.memory_space<vmem>>) dst(%dma_wait3A_163 : memref<624xf32, #tpu.memory_space<vmem_shared>>)
          tpu.yield
        }) : () -> ()
      } else {
      }
      %eq3A_54 = arith.constant 15 : i32
      %eq3A_55 = arith.cmpi eq, %arg1, %eq3A_54 : i32
      %convert_element_type3A_56 = arith.extui %eq3A_55 : i1 to i32
      %cond3A_57 = arith.constant 0 : i32
      %cond3A_58 = arith.cmpi ne, %convert_element_type3A_56, %cond3A_57 : i32
      scf.if %cond3A_58 {
        "tpu.region"() ({
          %run_scoped3A = tpu.sem_alloc : memref<!tpu.dma_semaphore, #tpu.memory_space<semaphore_mem>>
          %dma_start3A_152 = arith.constant 0 : i32
          %dma_start3A_153 = arith.constant 0 : i32
          %dma_start3A_154 = tpu.memref_slice %arg15[%dma_start3A_152, %dma_start3A_153] : memref<2000x16xf32, #tpu.memory_space<vmem>> -> memref<640x16xf32, #tpu.memory_space<vmem>>
          %dma_start3A_155 = arith.constant 9360 : i32
          %dma_start3A_156 = arith.constant 0 : i32
          %dma_start3A_157 = tpu.memref_slice %arg10[%dma_start3A_155, %dma_start3A_156] : memref<10000x16xf32, #tpu.memory_space<vmem_shared>> -> memref<640x16xf32, #tpu.memory_space<vmem_shared>>
          %dma_start3A_158 = arith.constant 9360 : i32
          %dma_start3A_159 = arith.constant 0 : i32
          %dma_start3A_160 = tpu.memref_slice %arg10[%dma_start3A_158, %dma_start3A_159] : memref<10000x16xf32, #tpu.memory_space<vmem_shared>> -> memref<640x16xf32, #tpu.memory_space<vmem_shared>>
          %dma_start3A_161 = arith.constant 0 : i32
          %dma_start3A_162 = arith.constant 0 : i32
          %dma_start3A_163 = tpu.memref_slice %arg15[%dma_start3A_161, %dma_start3A_162] : memref<2000x16xf32, #tpu.memory_space<vmem>> -> memref<640x16xf32, #tpu.memory_space<vmem>>
          tpu.enqueue_dma source(%dma_start3A_163 : memref<640x16xf32, #tpu.memory_space<vmem>>) target(%dma_start3A_160 : memref<640x16xf32, #tpu.memory_space<vmem_shared>>) target_semaphore(%run_scoped3A : memref<!tpu.dma_semaphore, #tpu.memory_space<semaphore_mem>>)
          %dma_wait3A_164 = arith.constant 0 : i32
          %dma_wait3A_165 = arith.constant 0 : i32
          %dma_wait3A_166 = tpu.memref_slice %arg15[%dma_wait3A_164, %dma_wait3A_165] : memref<2000x16xf32, #tpu.memory_space<vmem>> -> memref<640x16xf32, #tpu.memory_space<vmem>>
          %dma_wait3A_167 = arith.constant 9360 : i32
          %dma_wait3A_168 = arith.constant 0 : i32
          %dma_wait3A_169 = tpu.memref_slice %arg10[%dma_wait3A_167, %dma_wait3A_168] : memref<10000x16xf32, #tpu.memory_space<vmem_shared>> -> memref<640x16xf32, #tpu.memory_space<vmem_shared>>
          %dma_wait3A_170 = arith.constant 9360 : i32
          %dma_wait3A_171 = arith.constant 0 : i32
          %dma_wait3A_172 = tpu.memref_slice %arg10[%dma_wait3A_170, %dma_wait3A_171] : memref<10000x16xf32, #tpu.memory_space<vmem_shared>> -> memref<640x16xf32, #tpu.memory_space<vmem_shared>>
          %dma_wait3A_173 = arith.constant 0 : i32
          %dma_wait3A_174 = arith.constant 0 : i32
          %dma_wait3A_175 = tpu.memref_slice %arg15[%dma_wait3A_173, %dma_wait3A_174] : memref<2000x16xf32, #tpu.memory_space<vmem>> -> memref<640x16xf32, #tpu.memory_space<vmem>>
          tpu.wait_dma2 semaphore(%run_scoped3A : memref<!tpu.dma_semaphore, #tpu.memory_space<semaphore_mem>>) src(%dma_wait3A_175 : memref<640x16xf32, #tpu.memory_space<vmem>>) dst(%dma_wait3A_172 : memref<640x16xf32, #tpu.memory_space<vmem_shared>>)
          tpu.yield
        }) : () -> ()
        "tpu.region"() ({
          %run_scoped3A = tpu.sem_alloc : memref<!tpu.dma_semaphore, #tpu.memory_space<semaphore_mem>>
          %dma_start3A_152 = arith.constant 0 : i32
          %dma_start3A_153 = tpu.memref_slice %arg18[%dma_start3A_152] : memref<640xf32, #tpu.memory_space<vmem>> -> memref<640xf32, #tpu.memory_space<vmem>>
          %dma_start3A_154 = arith.constant 9360 : i32
          %dma_start3A_155 = tpu.memref_slice %arg11[%dma_start3A_154] : memref<10000xf32, #tpu.memory_space<vmem_shared>> -> memref<640xf32, #tpu.memory_space<vmem_shared>>
          %dma_start3A_156 = arith.constant 9360 : i32
          %dma_start3A_157 = tpu.memref_slice %arg11[%dma_start3A_156] : memref<10000xf32, #tpu.memory_space<vmem_shared>> -> memref<640xf32, #tpu.memory_space<vmem_shared>>
          %dma_start3A_158 = arith.constant 0 : i32
          %dma_start3A_159 = tpu.memref_slice %arg18[%dma_start3A_158] : memref<640xf32, #tpu.memory_space<vmem>> -> memref<640xf32, #tpu.memory_space<vmem>>
          tpu.enqueue_dma source(%dma_start3A_159 : memref<640xf32, #tpu.memory_space<vmem>>) target(%dma_start3A_157 : memref<640xf32, #tpu.memory_space<vmem_shared>>) target_semaphore(%run_scoped3A : memref<!tpu.dma_semaphore, #tpu.memory_space<semaphore_mem>>)
          %dma_wait3A_160 = arith.constant 0 : i32
          %dma_wait3A_161 = tpu.memref_slice %arg18[%dma_wait3A_160] : memref<640xf32, #tpu.memory_space<vmem>> -> memref<640xf32, #tpu.memory_space<vmem>>
          %dma_wait3A_162 = arith.constant 9360 : i32
          %dma_wait3A_163 = tpu.memref_slice %arg11[%dma_wait3A_162] : memref<10000xf32, #tpu.memory_space<vmem_shared>> -> memref<640xf32, #tpu.memory_space<vmem_shared>>
          %dma_wait3A_164 = arith.constant 9360 : i32
          %dma_wait3A_165 = tpu.memref_slice %arg11[%dma_wait3A_164] : memref<10000xf32, #tpu.memory_space<vmem_shared>> -> memref<640xf32, #tpu.memory_space<vmem_shared>>
          %dma_wait3A_166 = arith.constant 0 : i32
          %dma_wait3A_167 = tpu.memref_slice %arg18[%dma_wait3A_166] : memref<640xf32, #tpu.memory_space<vmem>> -> memref<640xf32, #tpu.memory_space<vmem>>
          tpu.wait_dma2 semaphore(%run_scoped3A : memref<!tpu.dma_semaphore, #tpu.memory_space<semaphore_mem>>) src(%dma_wait3A_167 : memref<640xf32, #tpu.memory_space<vmem>>) dst(%dma_wait3A_165 : memref<640xf32, #tpu.memory_space<vmem_shared>>)
          tpu.yield
        }) : () -> ()
      } else {
      }
      %dma_wait3A = arith.constant 0 : i32
      %dma_wait3A_59 = tpu.memref_slice %arg5[%dma_wait3A, %mul3A_7] : memref<2x320000xi32, #tpu.memory_space<hbm>> -> memref<1x20000xi32, #tpu.memory_space<hbm>>
      %dma_wait3A_60 = tpu.memref_squeeze %dma_wait3A_59 : memref<1x20000xi32, #tpu.memory_space<hbm>> -> memref<20000xi32, #tpu.memory_space<hbm>>
      %dma_wait3A_61 = tpu.memref_slice %arg5[%dma_wait3A, %mul3A_7] : memref<2x320000xi32, #tpu.memory_space<hbm>> -> memref<1x20000xi32, #tpu.memory_space<hbm>>
      %dma_wait3A_62 = tpu.memref_squeeze %dma_wait3A_61 : memref<1x20000xi32, #tpu.memory_space<hbm>> -> memref<20000xi32, #tpu.memory_space<hbm>>
      tpu.wait_dma2 semaphore(%arg21 : memref<!tpu.dma_semaphore, #tpu.memory_space<semaphore_mem>>) src(%dma_wait3A_62 : memref<20000xi32, #tpu.memory_space<hbm>>) dst(%arg13 : memref<20000xi32, #tpu.memory_space<vmem>>)
      %dma_wait3A_63 = arith.constant 1 : i32
      %dma_wait3A_64 = tpu.memref_slice %arg5[%dma_wait3A_63, %mul3A_7] : memref<2x320000xi32, #tpu.memory_space<hbm>> -> memref<1x20000xi32, #tpu.memory_space<hbm>>
      %dma_wait3A_65 = tpu.memref_squeeze %dma_wait3A_64 : memref<1x20000xi32, #tpu.memory_space<hbm>> -> memref<20000xi32, #tpu.memory_space<hbm>>
      %dma_wait3A_66 = tpu.memref_slice %arg5[%dma_wait3A_63, %mul3A_7] : memref<2x320000xi32, #tpu.memory_space<hbm>> -> memref<1x20000xi32, #tpu.memory_space<hbm>>
      %dma_wait3A_67 = tpu.memref_squeeze %dma_wait3A_66 : memref<1x20000xi32, #tpu.memory_space<hbm>> -> memref<20000xi32, #tpu.memory_space<hbm>>
      tpu.wait_dma2 semaphore(%arg22 : memref<!tpu.dma_semaphore, #tpu.memory_space<semaphore_mem>>) src(%dma_wait3A_67 : memref<20000xi32, #tpu.memory_space<hbm>>) dst(%arg14 : memref<20000xi32, #tpu.memory_space<vmem>>)
      %lt3A_68 = arith.constant 15 : i32
      %lt3A_69 = arith.cmpi slt, %arg1, %lt3A_68 : i32
      %convert_element_type3A_70 = arith.extui %lt3A_69 : i1 to i32
      %cond3A_71 = arith.constant 0 : i32
      %cond3A_72 = arith.cmpi ne, %convert_element_type3A_70, %cond3A_71 : i32
      scf.if %cond3A_72 {
        %mul3A_152 = arith.constant 624 : i32
        %mul3A_153 = arith.muli %arg1, %mul3A_152 : i32
        %mul3A_154 = arith.constant 624 : i32
        %mul3A_155 = arith.muli %arg1, %mul3A_154 : i32
        %dma_wait3A_156 = arith.constant 0 : i32
        %dma_wait3A_157 = tpu.memref_slice %arg12[%mul3A_155, %dma_wait3A_156] : memref<10000x16xf32, #tpu.memory_space<vmem_shared>> -> memref<624x16xf32, #tpu.memory_space<vmem_shared>>
        %dma_wait3A_158 = arith.constant 0 : i32
        %dma_wait3A_159 = tpu.memref_slice %arg4[%mul3A_153, %dma_wait3A_158] : memref<10000x16xf32, #tpu.memory_space<hbm>> -> memref<624x16xf32, #tpu.memory_space<hbm>>
        tpu.wait_dma2 semaphore(%arg23 : memref<!tpu.dma_semaphore, #tpu.memory_space<semaphore_mem>>) src(%dma_wait3A_159 : memref<624x16xf32, #tpu.memory_space<hbm>>) dst(%dma_wait3A_157 : memref<624x16xf32, #tpu.memory_space<vmem_shared>>)
      } else {
      }
      %eq3A_73 = arith.constant 15 : i32
      %eq3A_74 = arith.cmpi eq, %arg1, %eq3A_73 : i32
      %convert_element_type3A_75 = arith.extui %eq3A_74 : i1 to i32
      %cond3A_76 = arith.constant 0 : i32
      %cond3A_77 = arith.cmpi ne, %convert_element_type3A_75, %cond3A_76 : i32
      scf.if %cond3A_77 {
        %dma_wait3A_152 = arith.constant 9360 : i32
        %dma_wait3A_153 = arith.constant 0 : i32
        %dma_wait3A_154 = tpu.memref_slice %arg12[%dma_wait3A_152, %dma_wait3A_153] : memref<10000x16xf32, #tpu.memory_space<vmem_shared>> -> memref<640x16xf32, #tpu.memory_space<vmem_shared>>
        %dma_wait3A_155 = arith.constant 9360 : i32
        %dma_wait3A_156 = arith.constant 0 : i32
        %dma_wait3A_157 = tpu.memref_slice %arg4[%dma_wait3A_155, %dma_wait3A_156] : memref<10000x16xf32, #tpu.memory_space<hbm>> -> memref<640x16xf32, #tpu.memory_space<hbm>>
        tpu.wait_dma2 semaphore(%arg23 : memref<!tpu.dma_semaphore, #tpu.memory_space<semaphore_mem>>) src(%dma_wait3A_157 : memref<640x16xf32, #tpu.memory_space<hbm>>) dst(%dma_wait3A_154 : memref<640x16xf32, #tpu.memory_space<vmem_shared>>)
      } else {
      }
      %barrier3A = arith.constant 0 : index
      tpu.barrier barrier_id(%barrier3A)
      %dma_start3A_78 = arith.constant 0 : i32
      %dma_start3A_79 = tpu.memref_slice %arg13[%dma_start3A_78] : memref<20000xi32, #tpu.memory_space<vmem>> -> memref<2000xi32, #tpu.memory_space<vmem>>
      %dma_start3A_80 = arith.constant 0 : i32
      %dma_start3A_81 = arith.constant 0 : i32
      %dma_start3A_82 = tpu.memref_slice %arg12[%dma_start3A_80, %dma_start3A_81] : memref<10000x16xf32, #tpu.memory_space<vmem_shared>> -> memref<10000x16xf32, #tpu.memory_space<vmem_shared>>
      tpu.enqueue_indirect_dma source(%dma_start3A_82 : memref<10000x16xf32, #tpu.memory_space<vmem_shared>>) target(%arg15 : memref<2000x16xf32, #tpu.memory_space<vmem>>) offsets(%dma_start3A_79 : memref<2000xi32, #tpu.memory_space<vmem>>) semaphore(%arg19 : memref<!tpu.dma_semaphore, #tpu.memory_space<semaphore_mem>>)
      %dma_wait3A_83 = arith.constant 0 : i32
      %dma_wait3A_84 = tpu.memref_slice %arg13[%dma_wait3A_83] : memref<20000xi32, #tpu.memory_space<vmem>> -> memref<2000xi32, #tpu.memory_space<vmem>>
      %dma_wait3A_85 = arith.constant 0 : i32
      %dma_wait3A_86 = arith.constant 0 : i32
      %dma_wait3A_87 = tpu.memref_slice %arg12[%dma_wait3A_85, %dma_wait3A_86] : memref<10000x16xf32, #tpu.memory_space<vmem_shared>> -> memref<10000x16xf32, #tpu.memory_space<vmem_shared>>
      tpu.wait_indirect_dma semaphore(%arg19 : memref<!tpu.dma_semaphore, #tpu.memory_space<semaphore_mem>>) src(%dma_wait3A_87 : memref<10000x16xf32, #tpu.memory_space<vmem_shared>>) dst(%arg15 : memref<2000x16xf32, #tpu.memory_space<vmem>>)
      %dma_start3A_88 = arith.constant 0 : i32
      %dma_start3A_89 = tpu.memref_slice %arg14[%dma_start3A_88] : memref<20000xi32, #tpu.memory_space<vmem>> -> memref<2000xi32, #tpu.memory_space<vmem>>
      %dma_start3A_90 = arith.constant 0 : i32
      %dma_start3A_91 = arith.constant 0 : i32
      %dma_start3A_92 = tpu.memref_slice %arg10[%dma_start3A_90, %dma_start3A_91] : memref<10000x16xf32, #tpu.memory_space<vmem_shared>> -> memref<10000x16xf32, #tpu.memory_space<vmem_shared>>
      tpu.enqueue_indirect_dma source(%arg15 : memref<2000x16xf32, #tpu.memory_space<vmem>>) target(%dma_start3A_92 : memref<10000x16xf32, #tpu.memory_space<vmem_shared>>) offsets(%dma_start3A_89 : memref<2000xi32, #tpu.memory_space<vmem>>) semaphore(%arg21 : memref<!tpu.dma_semaphore, #tpu.memory_space<semaphore_mem>>) {add = true}
      %dma_start3A_93 = arith.constant 0 : i32
      %dma_start3A_94 = tpu.memref_slice %arg14[%dma_start3A_93] : memref<20000xi32, #tpu.memory_space<vmem>> -> memref<2000xi32, #tpu.memory_space<vmem>>
      %dma_start3A_95 = arith.constant 0 : i32
      %dma_start3A_96 = tpu.memref_slice %arg11[%dma_start3A_95] : memref<10000xf32, #tpu.memory_space<vmem_shared>> -> memref<10000xf32, #tpu.memory_space<vmem_shared>>
      tpu.enqueue_indirect_dma source(%arg17 : memref<2000xf32, #tpu.memory_space<vmem>>) target(%dma_start3A_96 : memref<10000xf32, #tpu.memory_space<vmem_shared>>) offsets(%dma_start3A_94 : memref<2000xi32, #tpu.memory_space<vmem>>) semaphore(%arg23 : memref<!tpu.dma_semaphore, #tpu.memory_space<semaphore_mem>>) {add = true}
      %dma_start3A_97 = arith.constant 2000 : i32
      %dma_start3A_98 = tpu.memref_slice %arg13[%dma_start3A_97] : memref<20000xi32, #tpu.memory_space<vmem>> -> memref<2000xi32, #tpu.memory_space<vmem>>
      %dma_start3A_99 = arith.constant 0 : i32
      %dma_start3A_100 = arith.constant 0 : i32
      %dma_start3A_101 = tpu.memref_slice %arg12[%dma_start3A_99, %dma_start3A_100] : memref<10000x16xf32, #tpu.memory_space<vmem_shared>> -> memref<10000x16xf32, #tpu.memory_space<vmem_shared>>
      tpu.enqueue_indirect_dma source(%dma_start3A_101 : memref<10000x16xf32, #tpu.memory_space<vmem_shared>>) target(%arg16 : memref<2000x16xf32, #tpu.memory_space<vmem>>) offsets(%dma_start3A_98 : memref<2000xi32, #tpu.memory_space<vmem>>) semaphore(%arg20 : memref<!tpu.dma_semaphore, #tpu.memory_space<semaphore_mem>>)
      %scan3A_102 = arith.constant 0 : i32
      %scan3A_103 = arith.constant 0 : i32
      %scan3A_104 = arith.constant 4 : i32
      %scan3A_105 = arith.addi %scan3A_103, %scan3A_104 : i32
      %scan3A_106 = arith.constant 1 : i32
      %scan3A_107 = scf.for %scan3A_152 = %scan3A_103 to %scan3A_105 step %scan3A_106 iter_args(%scan3A_153 = %scan3A_102) -> (i32)  : i32 {
        %mul3A_154 = arith.constant 2 : i32
        %mul3A_155 = arith.muli %mul3A_154, %scan3A_152 : i32
        %add3A = arith.constant 1 : i32
        %add3A_156 = arith.addi %mul3A_155, %add3A : i32
        %mul3A_157 = arith.constant 2000 : i32
        %mul3A_158 = arith.muli %add3A_156, %mul3A_157 : i32
        %dma_wait3A_159 = tpu.memref_slice %arg13[%mul3A_158] : memref<20000xi32, #tpu.memory_space<vmem>> -> memref<2000xi32, #tpu.memory_space<vmem>>
        %dma_wait3A_160 = arith.constant 0 : i32
        %dma_wait3A_161 = arith.constant 0 : i32
        %dma_wait3A_162 = tpu.memref_slice %arg12[%dma_wait3A_160, %dma_wait3A_161] : memref<10000x16xf32, #tpu.memory_space<vmem_shared>> -> memref<10000x16xf32, #tpu.memory_space<vmem_shared>>
        tpu.wait_indirect_dma semaphore(%arg20 : memref<!tpu.dma_semaphore, #tpu.memory_space<semaphore_mem>>) src(%dma_wait3A_162 : memref<10000x16xf32, #tpu.memory_space<vmem_shared>>) dst(%arg16 : memref<2000x16xf32, #tpu.memory_space<vmem>>)
        %mul3A_163 = arith.constant 2000 : i32
        %mul3A_164 = arith.muli %add3A_156, %mul3A_163 : i32
        %dma_start3A_165 = tpu.memref_slice %arg14[%mul3A_164] : memref<20000xi32, #tpu.memory_space<vmem>> -> memref<2000xi32, #tpu.memory_space<vmem>>
        %dma_start3A_166 = arith.constant 0 : i32
        %dma_start3A_167 = arith.constant 0 : i32
        %dma_start3A_168 = tpu.memref_slice %arg10[%dma_start3A_166, %dma_start3A_167] : memref<10000x16xf32, #tpu.memory_space<vmem_shared>> -> memref<10000x16xf32, #tpu.memory_space<vmem_shared>>
        tpu.enqueue_indirect_dma source(%arg16 : memref<2000x16xf32, #tpu.memory_space<vmem>>) target(%dma_start3A_168 : memref<10000x16xf32, #tpu.memory_space<vmem_shared>>) offsets(%dma_start3A_165 : memref<2000xi32, #tpu.memory_space<vmem>>) semaphore(%arg22 : memref<!tpu.dma_semaphore, #tpu.memory_space<semaphore_mem>>) {add = true}
        %dma_start3A_169 = tpu.memref_slice %arg14[%mul3A_164] : memref<20000xi32, #tpu.memory_space<vmem>> -> memref<2000xi32, #tpu.memory_space<vmem>>
        %dma_start3A_170 = arith.constant 0 : i32
        %dma_start3A_171 = tpu.memref_slice %arg11[%dma_start3A_170] : memref<10000xf32, #tpu.memory_space<vmem_shared>> -> memref<10000xf32, #tpu.memory_space<vmem_shared>>
        tpu.enqueue_indirect_dma source(%arg17 : memref<2000xf32, #tpu.memory_space<vmem>>) target(%dma_start3A_171 : memref<10000xf32, #tpu.memory_space<vmem_shared>>) offsets(%dma_start3A_169 : memref<2000xi32, #tpu.memory_space<vmem>>) semaphore(%arg24 : memref<!tpu.dma_semaphore, #tpu.memory_space<semaphore_mem>>) {add = true}
        %sub3A = arith.constant 1 : i32
        %sub3A_172 = arith.subi %add3A_156, %sub3A : i32
        %mul3A_173 = arith.constant 2000 : i32
        %mul3A_174 = arith.muli %sub3A_172, %mul3A_173 : i32
        %dma_wait3A_175 = tpu.memref_slice %arg14[%mul3A_174] : memref<20000xi32, #tpu.memory_space<vmem>> -> memref<2000xi32, #tpu.memory_space<vmem>>
        %dma_wait3A_176 = arith.constant 0 : i32
        %dma_wait3A_177 = arith.constant 0 : i32
        %dma_wait3A_178 = tpu.memref_slice %arg10[%dma_wait3A_176, %dma_wait3A_177] : memref<10000x16xf32, #tpu.memory_space<vmem_shared>> -> memref<10000x16xf32, #tpu.memory_space<vmem_shared>>
        tpu.wait_indirect_dma semaphore(%arg21 : memref<!tpu.dma_semaphore, #tpu.memory_space<semaphore_mem>>) src(%arg15 : memref<2000x16xf32, #tpu.memory_space<vmem>>) dst(%dma_wait3A_178 : memref<10000x16xf32, #tpu.memory_space<vmem_shared>>)
        %dma_wait3A_179 = tpu.memref_slice %arg14[%mul3A_174] : memref<20000xi32, #tpu.memory_space<vmem>> -> memref<2000xi32, #tpu.memory_space<vmem>>
        %dma_wait3A_180 = arith.constant 0 : i32
        %dma_wait3A_181 = tpu.memref_slice %arg11[%dma_wait3A_180] : memref<10000xf32, #tpu.memory_space<vmem_shared>> -> memref<10000xf32, #tpu.memory_space<vmem_shared>>
        tpu.wait_indirect_dma semaphore(%arg23 : memref<!tpu.dma_semaphore, #tpu.memory_space<semaphore_mem>>) src(%arg17 : memref<2000xf32, #tpu.memory_space<vmem>>) dst(%dma_wait3A_181 : memref<10000xf32, #tpu.memory_space<vmem_shared>>)
        %add3A_182 = arith.constant 1 : i32
        %add3A_183 = arith.addi %add3A_156, %add3A_182 : i32
        %mul3A_184 = arith.constant 2000 : i32
        %mul3A_185 = arith.muli %add3A_183, %mul3A_184 : i32
        %dma_start3A_186 = tpu.memref_slice %arg13[%mul3A_185] : memref<20000xi32, #tpu.memory_space<vmem>> -> memref<2000xi32, #tpu.memory_space<vmem>>
        %dma_start3A_187 = arith.constant 0 : i32
        %dma_start3A_188 = arith.constant 0 : i32
        %dma_start3A_189 = tpu.memref_slice %arg12[%dma_start3A_187, %dma_start3A_188] : memref<10000x16xf32, #tpu.memory_space<vmem_shared>> -> memref<10000x16xf32, #tpu.memory_space<vmem_shared>>
        tpu.enqueue_indirect_dma source(%dma_start3A_189 : memref<10000x16xf32, #tpu.memory_space<vmem_shared>>) target(%arg15 : memref<2000x16xf32, #tpu.memory_space<vmem>>) offsets(%dma_start3A_186 : memref<2000xi32, #tpu.memory_space<vmem>>) semaphore(%arg19 : memref<!tpu.dma_semaphore, #tpu.memory_space<semaphore_mem>>)
        %add3A_190 = arith.constant 1 : i32
        %add3A_191 = arith.addi %add3A_156, %add3A_190 : i32
        %mul3A_192 = arith.constant 2000 : i32
        %mul3A_193 = arith.muli %add3A_191, %mul3A_192 : i32
        %dma_wait3A_194 = tpu.memref_slice %arg13[%mul3A_193] : memref<20000xi32, #tpu.memory_space<vmem>> -> memref<2000xi32, #tpu.memory_space<vmem>>
        %dma_wait3A_195 = arith.constant 0 : i32
        %dma_wait3A_196 = arith.constant 0 : i32
        %dma_wait3A_197 = tpu.memref_slice %arg12[%dma_wait3A_195, %dma_wait3A_196] : memref<10000x16xf32, #tpu.memory_space<vmem_shared>> -> memref<10000x16xf32, #tpu.memory_space<vmem_shared>>
        tpu.wait_indirect_dma semaphore(%arg19 : memref<!tpu.dma_semaphore, #tpu.memory_space<semaphore_mem>>) src(%dma_wait3A_197 : memref<10000x16xf32, #tpu.memory_space<vmem_shared>>) dst(%arg15 : memref<2000x16xf32, #tpu.memory_space<vmem>>)
        %add3A_198 = arith.constant 1 : i32
        %add3A_199 = arith.addi %add3A_156, %add3A_198 : i32
        %mul3A_200 = arith.constant 2000 : i32
        %mul3A_201 = arith.muli %add3A_199, %mul3A_200 : i32
        %dma_start3A_202 = tpu.memref_slice %arg14[%mul3A_201] : memref<20000xi32, #tpu.memory_space<vmem>> -> memref<2000xi32, #tpu.memory_space<vmem>>
        %dma_start3A_203 = arith.constant 0 : i32
        %dma_start3A_204 = arith.constant 0 : i32
        %dma_start3A_205 = tpu.memref_slice %arg10[%dma_start3A_203, %dma_start3A_204] : memref<10000x16xf32, #tpu.memory_space<vmem_shared>> -> memref<10000x16xf32, #tpu.memory_space<vmem_shared>>
        tpu.enqueue_indirect_dma source(%arg15 : memref<2000x16xf32, #tpu.memory_space<vmem>>) target(%dma_start3A_205 : memref<10000x16xf32, #tpu.memory_space<vmem_shared>>) offsets(%dma_start3A_202 : memref<2000xi32, #tpu.memory_space<vmem>>) semaphore(%arg21 : memref<!tpu.dma_semaphore, #tpu.memory_space<semaphore_mem>>) {add = true}
        %dma_start3A_206 = tpu.memref_slice %arg14[%mul3A_201] : memref<20000xi32, #tpu.memory_space<vmem>> -> memref<2000xi32, #tpu.memory_space<vmem>>
        %dma_start3A_207 = arith.constant 0 : i32
        %dma_start3A_208 = tpu.memref_slice %arg11[%dma_start3A_207] : memref<10000xf32, #tpu.memory_space<vmem_shared>> -> memref<10000xf32, #tpu.memory_space<vmem_shared>>
        tpu.enqueue_indirect_dma source(%arg17 : memref<2000xf32, #tpu.memory_space<vmem>>) target(%dma_start3A_208 : memref<10000xf32, #tpu.memory_space<vmem_shared>>) offsets(%dma_start3A_206 : memref<2000xi32, #tpu.memory_space<vmem>>) semaphore(%arg23 : memref<!tpu.dma_semaphore, #tpu.memory_space<semaphore_mem>>) {add = true}
        %mul3A_209 = arith.constant 2000 : i32
        %mul3A_210 = arith.muli %add3A_156, %mul3A_209 : i32
        %dma_wait3A_211 = tpu.memref_slice %arg14[%mul3A_210] : memref<20000xi32, #tpu.memory_space<vmem>> -> memref<2000xi32, #tpu.memory_space<vmem>>
        %dma_wait3A_212 = arith.constant 0 : i32
        %dma_wait3A_213 = arith.constant 0 : i32
        %dma_wait3A_214 = tpu.memref_slice %arg10[%dma_wait3A_212, %dma_wait3A_213] : memref<10000x16xf32, #tpu.memory_space<vmem_shared>> -> memref<10000x16xf32, #tpu.memory_space<vmem_shared>>
        tpu.wait_indirect_dma semaphore(%arg22 : memref<!tpu.dma_semaphore, #tpu.memory_space<semaphore_mem>>) src(%arg16 : memref<2000x16xf32, #tpu.memory_space<vmem>>) dst(%dma_wait3A_214 : memref<10000x16xf32, #tpu.memory_space<vmem_shared>>)
        %dma_wait3A_215 = tpu.memref_slice %arg14[%mul3A_210] : memref<20000xi32, #tpu.memory_space<vmem>> -> memref<2000xi32, #tpu.memory_space<vmem>>
        %dma_wait3A_216 = arith.constant 0 : i32
        %dma_wait3A_217 = tpu.memref_slice %arg11[%dma_wait3A_216] : memref<10000xf32, #tpu.memory_space<vmem_shared>> -> memref<10000xf32, #tpu.memory_space<vmem_shared>>
        tpu.wait_indirect_dma semaphore(%arg24 : memref<!tpu.dma_semaphore, #tpu.memory_space<semaphore_mem>>) src(%arg17 : memref<2000xf32, #tpu.memory_space<vmem>>) dst(%dma_wait3A_217 : memref<10000xf32, #tpu.memory_space<vmem_shared>>)
        %add3A_218 = arith.constant 2 : i32
        %add3A_219 = arith.addi %add3A_156, %add3A_218 : i32
        %mul3A_220 = arith.constant 2000 : i32
        %mul3A_221 = arith.muli %add3A_219, %mul3A_220 : i32
        %dma_start3A_222 = tpu.memref_slice %arg13[%mul3A_221] : memref<20000xi32, #tpu.memory_space<vmem>> -> memref<2000xi32, #tpu.memory_space<vmem>>
        %dma_start3A_223 = arith.constant 0 : i32
        %dma_start3A_224 = arith.constant 0 : i32
        %dma_start3A_225 = tpu.memref_slice %arg12[%dma_start3A_223, %dma_start3A_224] : memref<10000x16xf32, #tpu.memory_space<vmem_shared>> -> memref<10000x16xf32, #tpu.memory_space<vmem_shared>>
        tpu.enqueue_indirect_dma source(%dma_start3A_225 : memref<10000x16xf32, #tpu.memory_space<vmem_shared>>) target(%arg16 : memref<2000x16xf32, #tpu.memory_space<vmem>>) offsets(%dma_start3A_222 : memref<2000xi32, #tpu.memory_space<vmem>>) semaphore(%arg20 : memref<!tpu.dma_semaphore, #tpu.memory_space<semaphore_mem>>)
        %scan3A_226 = arith.constant 0 : i32
        scf.yield %scan3A_226 : i32
      }
      %scan3A_108 = arith.constant 4 : i32
      %dma_wait3A_109 = arith.constant 18000 : i32
      %dma_wait3A_110 = tpu.memref_slice %arg13[%dma_wait3A_109] : memref<20000xi32, #tpu.memory_space<vmem>> -> memref<2000xi32, #tpu.memory_space<vmem>>
      %dma_wait3A_111 = arith.constant 0 : i32
      %dma_wait3A_112 = arith.constant 0 : i32
      %dma_wait3A_113 = tpu.memref_slice %arg12[%dma_wait3A_111, %dma_wait3A_112] : memref<10000x16xf32, #tpu.memory_space<vmem_shared>> -> memref<10000x16xf32, #tpu.memory_space<vmem_shared>>
      tpu.wait_indirect_dma semaphore(%arg20 : memref<!tpu.dma_semaphore, #tpu.memory_space<semaphore_mem>>) src(%dma_wait3A_113 : memref<10000x16xf32, #tpu.memory_space<vmem_shared>>) dst(%arg16 : memref<2000x16xf32, #tpu.memory_space<vmem>>)
      %dma_start3A_114 = arith.constant 18000 : i32
      %dma_start3A_115 = tpu.memref_slice %arg14[%dma_start3A_114] : memref<20000xi32, #tpu.memory_space<vmem>> -> memref<2000xi32, #tpu.memory_space<vmem>>
      %dma_start3A_116 = arith.constant 0 : i32
      %dma_start3A_117 = arith.constant 0 : i32
      %dma_start3A_118 = tpu.memref_slice %arg10[%dma_start3A_116, %dma_start3A_117] : memref<10000x16xf32, #tpu.memory_space<vmem_shared>> -> memref<10000x16xf32, #tpu.memory_space<vmem_shared>>
      tpu.enqueue_indirect_dma source(%arg16 : memref<2000x16xf32, #tpu.memory_space<vmem>>) target(%dma_start3A_118 : memref<10000x16xf32, #tpu.memory_space<vmem_shared>>) offsets(%dma_start3A_115 : memref<2000xi32, #tpu.memory_space<vmem>>) semaphore(%arg22 : memref<!tpu.dma_semaphore, #tpu.memory_space<semaphore_mem>>) {add = true}
      %dma_start3A_119 = arith.constant 18000 : i32
      %dma_start3A_120 = tpu.memref_slice %arg14[%dma_start3A_119] : memref<20000xi32, #tpu.memory_space<vmem>> -> memref<2000xi32, #tpu.memory_space<vmem>>
      %dma_start3A_121 = arith.constant 0 : i32
      %dma_start3A_122 = tpu.memref_slice %arg11[%dma_start3A_121] : memref<10000xf32, #tpu.memory_space<vmem_shared>> -> memref<10000xf32, #tpu.memory_space<vmem_shared>>
      tpu.enqueue_indirect_dma source(%arg17 : memref<2000xf32, #tpu.memory_space<vmem>>) target(%dma_start3A_122 : memref<10000xf32, #tpu.memory_space<vmem_shared>>) offsets(%dma_start3A_120 : memref<2000xi32, #tpu.memory_space<vmem>>) semaphore(%arg24 : memref<!tpu.dma_semaphore, #tpu.memory_space<semaphore_mem>>) {add = true}
      %dma_wait3A_123 = arith.constant 16000 : i32
      %dma_wait3A_124 = tpu.memref_slice %arg14[%dma_wait3A_123] : memref<20000xi32, #tpu.memory_space<vmem>> -> memref<2000xi32, #tpu.memory_space<vmem>>
      %dma_wait3A_125 = arith.constant 0 : i32
      %dma_wait3A_126 = arith.constant 0 : i32
      %dma_wait3A_127 = tpu.memref_slice %arg10[%dma_wait3A_125, %dma_wait3A_126] : memref<10000x16xf32, #tpu.memory_space<vmem_shared>> -> memref<10000x16xf32, #tpu.memory_space<vmem_shared>>
      tpu.wait_indirect_dma semaphore(%arg21 : memref<!tpu.dma_semaphore, #tpu.memory_space<semaphore_mem>>) src(%arg15 : memref<2000x16xf32, #tpu.memory_space<vmem>>) dst(%dma_wait3A_127 : memref<10000x16xf32, #tpu.memory_space<vmem_shared>>)
      %dma_wait3A_128 = arith.constant 16000 : i32
      %dma_wait3A_129 = tpu.memref_slice %arg14[%dma_wait3A_128] : memref<20000xi32, #tpu.memory_space<vmem>> -> memref<2000xi32, #tpu.memory_space<vmem>>
      %dma_wait3A_130 = arith.constant 0 : i32
      %dma_wait3A_131 = tpu.memref_slice %arg11[%dma_wait3A_130] : memref<10000xf32, #tpu.memory_space<vmem_shared>> -> memref<10000xf32, #tpu.memory_space<vmem_shared>>
      tpu.wait_indirect_dma semaphore(%arg23 : memref<!tpu.dma_semaphore, #tpu.memory_space<semaphore_mem>>) src(%arg17 : memref<2000xf32, #tpu.memory_space<vmem>>) dst(%dma_wait3A_131 : memref<10000xf32, #tpu.memory_space<vmem_shared>>)
      %dma_wait3A_132 = arith.constant 18000 : i32
      %dma_wait3A_133 = tpu.memref_slice %arg14[%dma_wait3A_132] : memref<20000xi32, #tpu.memory_space<vmem>> -> memref<2000xi32, #tpu.memory_space<vmem>>
      %dma_wait3A_134 = arith.constant 0 : i32
      %dma_wait3A_135 = arith.constant 0 : i32
      %dma_wait3A_136 = tpu.memref_slice %arg10[%dma_wait3A_134, %dma_wait3A_135] : memref<10000x16xf32, #tpu.memory_space<vmem_shared>> -> memref<10000x16xf32, #tpu.memory_space<vmem_shared>>
      tpu.wait_indirect_dma semaphore(%arg22 : memref<!tpu.dma_semaphore, #tpu.memory_space<semaphore_mem>>) src(%arg16 : memref<2000x16xf32, #tpu.memory_space<vmem>>) dst(%dma_wait3A_136 : memref<10000x16xf32, #tpu.memory_space<vmem_shared>>)
      %dma_wait3A_137 = arith.constant 18000 : i32
      %dma_wait3A_138 = tpu.memref_slice %arg14[%dma_wait3A_137] : memref<20000xi32, #tpu.memory_space<vmem>> -> memref<2000xi32, #tpu.memory_space<vmem>>
      %dma_wait3A_139 = arith.constant 0 : i32
      %dma_wait3A_140 = tpu.memref_slice %arg11[%dma_wait3A_139] : memref<10000xf32, #tpu.memory_space<vmem_shared>> -> memref<10000xf32, #tpu.memory_space<vmem_shared>>
      tpu.wait_indirect_dma semaphore(%arg24 : memref<!tpu.dma_semaphore, #tpu.memory_space<semaphore_mem>>) src(%arg17 : memref<2000xf32, #tpu.memory_space<vmem>>) dst(%dma_wait3A_140 : memref<10000xf32, #tpu.memory_space<vmem_shared>>)
      %barrier3A_141 = arith.constant 0 : index
      tpu.barrier barrier_id(%barrier3A_141)
      %lt3A_142 = arith.constant 15 : i32
      %lt3A_143 = arith.cmpi slt, %arg1, %lt3A_142 : i32
      %convert_element_type3A_144 = arith.extui %lt3A_143 : i1 to i32
      %cond3A_145 = arith.constant 0 : i32
      %cond3A_146 = arith.cmpi ne, %convert_element_type3A_144, %cond3A_145 : i32
      scf.if %cond3A_146 {
        %mul3A_152 = arith.constant 624 : i32
        %mul3A_153 = arith.muli %arg1, %mul3A_152 : i32
        "tpu.region"() ({
          %run_scoped3A = tpu.sem_alloc : memref<!tpu.dma_semaphore, #tpu.memory_space<semaphore_mem>>
          %dma_start3A_168 = arith.constant 0 : i32
          %dma_start3A_169 = arith.constant 0 : i32
          %dma_start3A_170 = tpu.memref_slice %arg15[%dma_start3A_168, %dma_start3A_169] : memref<2000x16xf32, #tpu.memory_space<vmem>> -> memref<624x16xf32, #tpu.memory_space<vmem>>
          %dma_start3A_171 = arith.constant 0 : i32
          %dma_start3A_172 = tpu.memref_slice %arg10[%mul3A_153, %dma_start3A_171] : memref<10000x16xf32, #tpu.memory_space<vmem_shared>> -> memref<624x16xf32, #tpu.memory_space<vmem_shared>>
          %dma_start3A_173 = arith.constant 0 : i32
          %dma_start3A_174 = arith.constant 0 : i32
          %dma_start3A_175 = tpu.memref_slice %arg15[%dma_start3A_173, %dma_start3A_174] : memref<2000x16xf32, #tpu.memory_space<vmem>> -> memref<624x16xf32, #tpu.memory_space<vmem>>
          %dma_start3A_176 = arith.constant 0 : i32
          %dma_start3A_177 = tpu.memref_slice %arg10[%mul3A_153, %dma_start3A_176] : memref<10000x16xf32, #tpu.memory_space<vmem_shared>> -> memref<624x16xf32, #tpu.memory_space<vmem_shared>>
          tpu.enqueue_dma source(%dma_start3A_177 : memref<624x16xf32, #tpu.memory_space<vmem_shared>>) target(%dma_start3A_175 : memref<624x16xf32, #tpu.memory_space<vmem>>) target_semaphore(%run_scoped3A : memref<!tpu.dma_semaphore, #tpu.memory_space<semaphore_mem>>)
          %dma_wait3A_178 = arith.constant 0 : i32
          %dma_wait3A_179 = arith.constant 0 : i32
          %dma_wait3A_180 = tpu.memref_slice %arg15[%dma_wait3A_178, %dma_wait3A_179] : memref<2000x16xf32, #tpu.memory_space<vmem>> -> memref<624x16xf32, #tpu.memory_space<vmem>>
          %dma_wait3A_181 = arith.constant 0 : i32
          %dma_wait3A_182 = tpu.memref_slice %arg10[%mul3A_153, %dma_wait3A_181] : memref<10000x16xf32, #tpu.memory_space<vmem_shared>> -> memref<624x16xf32, #tpu.memory_space<vmem_shared>>
          %dma_wait3A_183 = arith.constant 0 : i32
          %dma_wait3A_184 = arith.constant 0 : i32
          %dma_wait3A_185 = tpu.memref_slice %arg15[%dma_wait3A_183, %dma_wait3A_184] : memref<2000x16xf32, #tpu.memory_space<vmem>> -> memref<624x16xf32, #tpu.memory_space<vmem>>
          %dma_wait3A_186 = arith.constant 0 : i32
          %dma_wait3A_187 = tpu.memref_slice %arg10[%mul3A_153, %dma_wait3A_186] : memref<10000x16xf32, #tpu.memory_space<vmem_shared>> -> memref<624x16xf32, #tpu.memory_space<vmem_shared>>
          tpu.wait_dma2 semaphore(%run_scoped3A : memref<!tpu.dma_semaphore, #tpu.memory_space<semaphore_mem>>) src(%dma_wait3A_187 : memref<624x16xf32, #tpu.memory_space<vmem_shared>>) dst(%dma_wait3A_185 : memref<624x16xf32, #tpu.memory_space<vmem>>)
          tpu.yield
        }) : () -> ()
        "tpu.region"() ({
          %run_scoped3A = tpu.sem_alloc : memref<!tpu.dma_semaphore, #tpu.memory_space<semaphore_mem>>
          %dma_start3A_168 = arith.constant 0 : i32
          %dma_start3A_169 = tpu.memref_slice %arg18[%dma_start3A_168] : memref<640xf32, #tpu.memory_space<vmem>> -> memref<624xf32, #tpu.memory_space<vmem>>
          %dma_start3A_170 = tpu.memref_slice %arg11[%mul3A_153] : memref<10000xf32, #tpu.memory_space<vmem_shared>> -> memref<624xf32, #tpu.memory_space<vmem_shared>>
          %dma_start3A_171 = arith.constant 0 : i32
          %dma_start3A_172 = tpu.memref_slice %arg18[%dma_start3A_171] : memref<640xf32, #tpu.memory_space<vmem>> -> memref<624xf32, #tpu.memory_space<vmem>>
          %dma_start3A_173 = tpu.memref_slice %arg11[%mul3A_153] : memref<10000xf32, #tpu.memory_space<vmem_shared>> -> memref<624xf32, #tpu.memory_space<vmem_shared>>
          tpu.enqueue_dma source(%dma_start3A_173 : memref<624xf32, #tpu.memory_space<vmem_shared>>) target(%dma_start3A_172 : memref<624xf32, #tpu.memory_space<vmem>>) target_semaphore(%run_scoped3A : memref<!tpu.dma_semaphore, #tpu.memory_space<semaphore_mem>>)
          %dma_wait3A_174 = arith.constant 0 : i32
          %dma_wait3A_175 = tpu.memref_slice %arg18[%dma_wait3A_174] : memref<640xf32, #tpu.memory_space<vmem>> -> memref<624xf32, #tpu.memory_space<vmem>>
          %dma_wait3A_176 = tpu.memref_slice %arg11[%mul3A_153] : memref<10000xf32, #tpu.memory_space<vmem_shared>> -> memref<624xf32, #tpu.memory_space<vmem_shared>>
          %dma_wait3A_177 = arith.constant 0 : i32
          %dma_wait3A_178 = tpu.memref_slice %arg18[%dma_wait3A_177] : memref<640xf32, #tpu.memory_space<vmem>> -> memref<624xf32, #tpu.memory_space<vmem>>
          %dma_wait3A_179 = tpu.memref_slice %arg11[%mul3A_153] : memref<10000xf32, #tpu.memory_space<vmem_shared>> -> memref<624xf32, #tpu.memory_space<vmem_shared>>
          tpu.wait_dma2 semaphore(%run_scoped3A : memref<!tpu.dma_semaphore, #tpu.memory_space<semaphore_mem>>) src(%dma_wait3A_179 : memref<624xf32, #tpu.memory_space<vmem_shared>>) dst(%dma_wait3A_178 : memref<624xf32, #tpu.memory_space<vmem>>)
          tpu.yield
        }) : () -> ()
        "tpu.region"() ({
          %run_scoped3A = tpu.sem_alloc : memref<!tpu.dma_semaphore, #tpu.memory_space<semaphore_mem>>
          %dma_start3A_168 = arith.constant 0 : i32
          %dma_start3A_169 = arith.constant 0 : i32
          %dma_start3A_170 = tpu.memref_slice %arg16[%dma_start3A_168, %dma_start3A_169] : memref<2000x16xf32, #tpu.memory_space<vmem>> -> memref<624x16xf32, #tpu.memory_space<vmem>>
          %dma_start3A_171 = arith.constant 0 : i32
          %dma_start3A_172 = tpu.memref_slice %arg7[%mul3A_153, %dma_start3A_171] : memref<10000x16xf32, #tpu.memory_space<hbm>> -> memref<624x16xf32, #tpu.memory_space<hbm>>
          %dma_start3A_173 = arith.constant 0 : i32
          %dma_start3A_174 = arith.constant 0 : i32
          %dma_start3A_175 = tpu.memref_slice %arg16[%dma_start3A_173, %dma_start3A_174] : memref<2000x16xf32, #tpu.memory_space<vmem>> -> memref<624x16xf32, #tpu.memory_space<vmem>>
          %dma_start3A_176 = arith.constant 0 : i32
          %dma_start3A_177 = tpu.memref_slice %arg7[%mul3A_153, %dma_start3A_176] : memref<10000x16xf32, #tpu.memory_space<hbm>> -> memref<624x16xf32, #tpu.memory_space<hbm>>
          tpu.enqueue_dma source(%dma_start3A_177 : memref<624x16xf32, #tpu.memory_space<hbm>>) target(%dma_start3A_175 : memref<624x16xf32, #tpu.memory_space<vmem>>) target_semaphore(%run_scoped3A : memref<!tpu.dma_semaphore, #tpu.memory_space<semaphore_mem>>)
          %dma_wait3A_178 = arith.constant 0 : i32
          %dma_wait3A_179 = arith.constant 0 : i32
          %dma_wait3A_180 = tpu.memref_slice %arg16[%dma_wait3A_178, %dma_wait3A_179] : memref<2000x16xf32, #tpu.memory_space<vmem>> -> memref<624x16xf32, #tpu.memory_space<vmem>>
          %dma_wait3A_181 = arith.constant 0 : i32
          %dma_wait3A_182 = tpu.memref_slice %arg7[%mul3A_153, %dma_wait3A_181] : memref<10000x16xf32, #tpu.memory_space<hbm>> -> memref<624x16xf32, #tpu.memory_space<hbm>>
          %dma_wait3A_183 = arith.constant 0 : i32
          %dma_wait3A_184 = arith.constant 0 : i32
          %dma_wait3A_185 = tpu.memref_slice %arg16[%dma_wait3A_183, %dma_wait3A_184] : memref<2000x16xf32, #tpu.memory_space<vmem>> -> memref<624x16xf32, #tpu.memory_space<vmem>>
          %dma_wait3A_186 = arith.constant 0 : i32
          %dma_wait3A_187 = tpu.memref_slice %arg7[%mul3A_153, %dma_wait3A_186] : memref<10000x16xf32, #tpu.memory_space<hbm>> -> memref<624x16xf32, #tpu.memory_space<hbm>>
          tpu.wait_dma2 semaphore(%run_scoped3A : memref<!tpu.dma_semaphore, #tpu.memory_space<semaphore_mem>>) src(%dma_wait3A_187 : memref<624x16xf32, #tpu.memory_space<hbm>>) dst(%dma_wait3A_185 : memref<624x16xf32, #tpu.memory_space<vmem>>)
          tpu.yield
        }) : () -> ()
        %scan3A_154 = arith.constant 0 : i32
        %scan3A_155 = arith.constant 0 : i32
        %scan3A_156 = arith.constant 39 : i32
        %scan3A_157 = arith.addi %scan3A_155, %scan3A_156 : i32
        %scan3A_158 = arith.constant 1 : i32
        %scan3A_159 = scf.for %scan3A_168 = %scan3A_155 to %scan3A_157 step %scan3A_158 iter_args(%scan3A_169 = %scan3A_154) -> (i32)  : i32 {
          %mul3A_170 = arith.constant 16 : i32
          %mul3A_171 = arith.muli %scan3A_168, %mul3A_170 : i32
          %get3A = arith.index_cast %mul3A_171 : i32 to index
          %get3A_172 = tpu.vector_load %arg18[%get3A] {strides = array<i32>} : memref<640xf32, #tpu.memory_space<vmem>>, vector<16xf32>,
          %get3A_173 = vector.shape_cast %get3A_172 : vector<16xf32> to vector<16xf32>
          %max3A = arith.constant 1.000000e+00 : f32
          %max3A_174 = vector.broadcast %max3A : f32 to vector<16xf32>
          %max3A_175 = arith.maximumf %get3A_173, %max3A_174 : vector<16xf32>
          %div3A = arith.constant 1.000000e+00 : f32
          %div3A_176 = vector.broadcast %div3A : f32 to vector<16xf32>
          %div3A_177 = arith.divf %div3A_176, %max3A_175 : vector<16xf32>
          %mul3A_178 = arith.constant 16 : i32
          %mul3A_179 = arith.muli %scan3A_168, %mul3A_178 : i32
          %swap3A = arith.index_cast %mul3A_179 : i32 to index
          %swap3A_180 = tpu.vector_load %arg17[%swap3A] {strides = array<i32>} : memref<2000xf32, #tpu.memory_space<vmem>>, vector<16xf32>,
          %swap3A_181 = vector.shape_cast %swap3A_180 : vector<16xf32> to vector<16xf32>
          %swap3A_182 = vector.shape_cast %div3A_177 : vector<16xf32> to vector<16xf32>
          tpu.vector_store %arg17[%swap3A], %swap3A_182 {strides = array<i32>} : memref<2000xf32, #tpu.memory_space<vmem>>, vector<16xf32>,
          %scan3A_183 = arith.constant 0 : i32
          scf.yield %scan3A_183 : i32
        }
        %scan3A_160 = arith.constant 39 : i32
        %scan3A_161 = arith.constant 0 : i32
        %scan3A_162 = arith.constant 0 : i32
        %scan3A_163 = arith.constant 624 : i32
        %scan3A_164 = arith.addi %scan3A_162, %scan3A_163 : i32
        %scan3A_165 = arith.constant 1 : i32
        %scan3A_166 = scf.for %scan3A_168 = %scan3A_162 to %scan3A_164 step %scan3A_165 iter_args(%scan3A_169 = %scan3A_161) -> (i32)  : i32 {
          %get3A = arith.index_cast %scan3A_168 : i32 to index
          %get3A_170 = tpu.vector_load %arg17[%get3A] {strides = array<i32>} : memref<2000xf32, #tpu.memory_space<vmem>>, vector<16xf32>,
          %get3A_171 = vector.shape_cast %get3A_170 : vector<16xf32> to vector<16xf32>
          %slice3A = vector.extract_strided_slice %get3A_171 {offsets = [0], sizes = [1], strides = [1]} : vector<16xf32> to vector<1xf32>
          %squeeze3A = vector.extract %slice3A[0] : f32 from vector<1xf32>
          %get3A_172 = arith.index_cast %scan3A_168 : i32 to index
          %get3A_173 = arith.constant 0 : index
          %get3A_174 = tpu.vector_load %arg15[%get3A_172, %get3A_173] {strides = array<i32>} : memref<2000x16xf32, #tpu.memory_space<vmem>>, vector<1x16xf32>,
          %get3A_175 = vector.shape_cast %get3A_174 : vector<1x16xf32> to vector<16xf32>
          %mul3A_176 = vector.broadcast %squeeze3A : f32 to vector<16xf32>
          %mul3A_177 = arith.mulf %get3A_175, %mul3A_176 : vector<16xf32>
          %get3A_178 = arith.index_cast %scan3A_168 : i32 to index
          %get3A_179 = arith.constant 0 : index
          %get3A_180 = tpu.vector_load %arg16[%get3A_178, %get3A_179] {strides = array<i32>} : memref<2000x16xf32, #tpu.memory_space<vmem>>, vector<1x16xf32>,
          %get3A_181 = vector.shape_cast %get3A_180 : vector<1x16xf32> to vector<16xf32>
          %add3A = arith.addf %mul3A_177, %get3A_181 : vector<16xf32>
          %swap3A = arith.index_cast %scan3A_168 : i32 to index
          %swap3A_182 = arith.constant 0 : index
          %swap3A_183 = tpu.vector_load %arg15[%swap3A, %swap3A_182] {strides = array<i32>} : memref<2000x16xf32, #tpu.memory_space<vmem>>, vector<1x16xf32>,
          %swap3A_184 = vector.shape_cast %swap3A_183 : vector<1x16xf32> to vector<16xf32>
          %swap3A_185 = vector.shape_cast %add3A : vector<16xf32> to vector<1x16xf32>
          tpu.vector_store %arg15[%swap3A, %swap3A_182], %swap3A_185 {strides = array<i32>} : memref<2000x16xf32, #tpu.memory_space<vmem>>, vector<1x16xf32>,
          %scan3A_186 = arith.constant 0 : i32
          scf.yield %scan3A_186 : i32
        }
        %scan3A_167 = arith.constant 624 : i32
        "tpu.region"() ({
          %run_scoped3A = tpu.sem_alloc : memref<!tpu.dma_semaphore, #tpu.memory_space<semaphore_mem>>
          %dma_start3A_168 = arith.constant 0 : i32
          %dma_start3A_169 = arith.constant 0 : i32
          %dma_start3A_170 = tpu.memref_slice %arg15[%dma_start3A_168, %dma_start3A_169] : memref<2000x16xf32, #tpu.memory_space<vmem>> -> memref<624x16xf32, #tpu.memory_space<vmem>>
          %dma_start3A_171 = arith.constant 0 : i32
          %dma_start3A_172 = tpu.memref_slice %arg9[%mul3A_153, %dma_start3A_171] : memref<10000x16xf32, #tpu.memory_space<hbm>> -> memref<624x16xf32, #tpu.memory_space<hbm>>
          %dma_start3A_173 = arith.constant 0 : i32
          %dma_start3A_174 = tpu.memref_slice %arg9[%mul3A_153, %dma_start3A_173] : memref<10000x16xf32, #tpu.memory_space<hbm>> -> memref<624x16xf32, #tpu.memory_space<hbm>>
          %dma_start3A_175 = arith.constant 0 : i32
          %dma_start3A_176 = arith.constant 0 : i32
          %dma_start3A_177 = tpu.memref_slice %arg15[%dma_start3A_175, %dma_start3A_176] : memref<2000x16xf32, #tpu.memory_space<vmem>> -> memref<624x16xf32, #tpu.memory_space<vmem>>
          tpu.enqueue_dma source(%dma_start3A_177 : memref<624x16xf32, #tpu.memory_space<vmem>>) target(%dma_start3A_174 : memref<624x16xf32, #tpu.memory_space<hbm>>) target_semaphore(%run_scoped3A : memref<!tpu.dma_semaphore, #tpu.memory_space<semaphore_mem>>)
          %dma_wait3A_178 = arith.constant 0 : i32
          %dma_wait3A_179 = arith.constant 0 : i32
          %dma_wait3A_180 = tpu.memref_slice %arg15[%dma_wait3A_178, %dma_wait3A_179] : memref<2000x16xf32, #tpu.memory_space<vmem>> -> memref<624x16xf32, #tpu.memory_space<vmem>>
          %dma_wait3A_181 = arith.constant 0 : i32
          %dma_wait3A_182 = tpu.memref_slice %arg9[%mul3A_153, %dma_wait3A_181] : memref<10000x16xf32, #tpu.memory_space<hbm>> -> memref<624x16xf32, #tpu.memory_space<hbm>>
          %dma_wait3A_183 = arith.constant 0 : i32
          %dma_wait3A_184 = tpu.memref_slice %arg9[%mul3A_153, %dma_wait3A_183] : memref<10000x16xf32, #tpu.memory_space<hbm>> -> memref<624x16xf32, #tpu.memory_space<hbm>>
          %dma_wait3A_185 = arith.constant 0 : i32
          %dma_wait3A_186 = arith.constant 0 : i32
          %dma_wait3A_187 = tpu.memref_slice %arg15[%dma_wait3A_185, %dma_wait3A_186] : memref<2000x16xf32, #tpu.memory_space<vmem>> -> memref<624x16xf32, #tpu.memory_space<vmem>>
          tpu.wait_dma2 semaphore(%run_scoped3A : memref<!tpu.dma_semaphore, #tpu.memory_space<semaphore_mem>>) src(%dma_wait3A_187 : memref<624x16xf32, #tpu.memory_space<vmem>>) dst(%dma_wait3A_184 : memref<624x16xf32, #tpu.memory_space<hbm>>)
          tpu.yield
        }) : () -> ()
      } else {
      }
      %eq3A_147 = arith.constant 15 : i32
      %eq3A_148 = arith.cmpi eq, %arg1, %eq3A_147 : i32
      %convert_element_type3A_149 = arith.extui %eq3A_148 : i1 to i32
      %cond3A_150 = arith.constant 0 : i32
      %cond3A_151 = arith.cmpi ne, %convert_element_type3A_149, %cond3A_150 : i32
      scf.if %cond3A_151 {
        "tpu.region"() ({
          %run_scoped3A = tpu.sem_alloc : memref<!tpu.dma_semaphore, #tpu.memory_space<semaphore_mem>>
          %dma_start3A_166 = arith.constant 0 : i32
          %dma_start3A_167 = arith.constant 0 : i32
          %dma_start3A_168 = tpu.memref_slice %arg15[%dma_start3A_166, %dma_start3A_167] : memref<2000x16xf32, #tpu.memory_space<vmem>> -> memref<640x16xf32, #tpu.memory_space<vmem>>
          %dma_start3A_169 = arith.constant 9360 : i32
          %dma_start3A_170 = arith.constant 0 : i32
          %dma_start3A_171 = tpu.memref_slice %arg10[%dma_start3A_169, %dma_start3A_170] : memref<10000x16xf32, #tpu.memory_space<vmem_shared>> -> memref<640x16xf32, #tpu.memory_space<vmem_shared>>
          %dma_start3A_172 = arith.constant 0 : i32
          %dma_start3A_173 = arith.constant 0 : i32
          %dma_start3A_174 = tpu.memref_slice %arg15[%dma_start3A_172, %dma_start3A_173] : memref<2000x16xf32, #tpu.memory_space<vmem>> -> memref<640x16xf32, #tpu.memory_space<vmem>>
          %dma_start3A_175 = arith.constant 9360 : i32
          %dma_start3A_176 = arith.constant 0 : i32
          %dma_start3A_177 = tpu.memref_slice %arg10[%dma_start3A_175, %dma_start3A_176] : memref<10000x16xf32, #tpu.memory_space<vmem_shared>> -> memref<640x16xf32, #tpu.memory_space<vmem_shared>>
          tpu.enqueue_dma source(%dma_start3A_177 : memref<640x16xf32, #tpu.memory_space<vmem_shared>>) target(%dma_start3A_174 : memref<640x16xf32, #tpu.memory_space<vmem>>) target_semaphore(%run_scoped3A : memref<!tpu.dma_semaphore, #tpu.memory_space<semaphore_mem>>)
          %dma_wait3A_178 = arith.constant 0 : i32
          %dma_wait3A_179 = arith.constant 0 : i32
          %dma_wait3A_180 = tpu.memref_slice %arg15[%dma_wait3A_178, %dma_wait3A_179] : memref<2000x16xf32, #tpu.memory_space<vmem>> -> memref<640x16xf32, #tpu.memory_space<vmem>>
          %dma_wait3A_181 = arith.constant 9360 : i32
          %dma_wait3A_182 = arith.constant 0 : i32
          %dma_wait3A_183 = tpu.memref_slice %arg10[%dma_wait3A_181, %dma_wait3A_182] : memref<10000x16xf32, #tpu.memory_space<vmem_shared>> -> memref<640x16xf32, #tpu.memory_space<vmem_shared>>
          %dma_wait3A_184 = arith.constant 0 : i32
          %dma_wait3A_185 = arith.constant 0 : i32
          %dma_wait3A_186 = tpu.memref_slice %arg15[%dma_wait3A_184, %dma_wait3A_185] : memref<2000x16xf32, #tpu.memory_space<vmem>> -> memref<640x16xf32, #tpu.memory_space<vmem>>
          %dma_wait3A_187 = arith.constant 9360 : i32
          %dma_wait3A_188 = arith.constant 0 : i32
          %dma_wait3A_189 = tpu.memref_slice %arg10[%dma_wait3A_187, %dma_wait3A_188] : memref<10000x16xf32, #tpu.memory_space<vmem_shared>> -> memref<640x16xf32, #tpu.memory_space<vmem_shared>>
          tpu.wait_dma2 semaphore(%run_scoped3A : memref<!tpu.dma_semaphore, #tpu.memory_space<semaphore_mem>>) src(%dma_wait3A_189 : memref<640x16xf32, #tpu.memory_space<vmem_shared>>) dst(%dma_wait3A_186 : memref<640x16xf32, #tpu.memory_space<vmem>>)
          tpu.yield
        }) : () -> ()
        "tpu.region"() ({
          %run_scoped3A = tpu.sem_alloc : memref<!tpu.dma_semaphore, #tpu.memory_space<semaphore_mem>>
          %dma_start3A_166 = arith.constant 0 : i32
          %dma_start3A_167 = tpu.memref_slice %arg18[%dma_start3A_166] : memref<640xf32, #tpu.memory_space<vmem>> -> memref<640xf32, #tpu.memory_space<vmem>>
          %dma_start3A_168 = arith.constant 9360 : i32
          %dma_start3A_169 = tpu.memref_slice %arg11[%dma_start3A_168] : memref<10000xf32, #tpu.memory_space<vmem_shared>> -> memref<640xf32, #tpu.memory_space<vmem_shared>>
          %dma_start3A_170 = arith.constant 0 : i32
          %dma_start3A_171 = tpu.memref_slice %arg18[%dma_start3A_170] : memref<640xf32, #tpu.memory_space<vmem>> -> memref<640xf32, #tpu.memory_space<vmem>>
          %dma_start3A_172 = arith.constant 9360 : i32
          %dma_start3A_173 = tpu.memref_slice %arg11[%dma_start3A_172] : memref<10000xf32, #tpu.memory_space<vmem_shared>> -> memref<640xf32, #tpu.memory_space<vmem_shared>>
          tpu.enqueue_dma source(%dma_start3A_173 : memref<640xf32, #tpu.memory_space<vmem_shared>>) target(%dma_start3A_171 : memref<640xf32, #tpu.memory_space<vmem>>) target_semaphore(%run_scoped3A : memref<!tpu.dma_semaphore, #tpu.memory_space<semaphore_mem>>)
          %dma_wait3A_174 = arith.constant 0 : i32
          %dma_wait3A_175 = tpu.memref_slice %arg18[%dma_wait3A_174] : memref<640xf32, #tpu.memory_space<vmem>> -> memref<640xf32, #tpu.memory_space<vmem>>
          %dma_wait3A_176 = arith.constant 9360 : i32
          %dma_wait3A_177 = tpu.memref_slice %arg11[%dma_wait3A_176] : memref<10000xf32, #tpu.memory_space<vmem_shared>> -> memref<640xf32, #tpu.memory_space<vmem_shared>>
          %dma_wait3A_178 = arith.constant 0 : i32
          %dma_wait3A_179 = tpu.memref_slice %arg18[%dma_wait3A_178] : memref<640xf32, #tpu.memory_space<vmem>> -> memref<640xf32, #tpu.memory_space<vmem>>
          %dma_wait3A_180 = arith.constant 9360 : i32
          %dma_wait3A_181 = tpu.memref_slice %arg11[%dma_wait3A_180] : memref<10000xf32, #tpu.memory_space<vmem_shared>> -> memref<640xf32, #tpu.memory_space<vmem_shared>>
          tpu.wait_dma2 semaphore(%run_scoped3A : memref<!tpu.dma_semaphore, #tpu.memory_space<semaphore_mem>>) src(%dma_wait3A_181 : memref<640xf32, #tpu.memory_space<vmem_shared>>) dst(%dma_wait3A_179 : memref<640xf32, #tpu.memory_space<vmem>>)
          tpu.yield
        }) : () -> ()
        "tpu.region"() ({
          %run_scoped3A = tpu.sem_alloc : memref<!tpu.dma_semaphore, #tpu.memory_space<semaphore_mem>>
          %dma_start3A_166 = arith.constant 0 : i32
          %dma_start3A_167 = arith.constant 0 : i32
          %dma_start3A_168 = tpu.memref_slice %arg16[%dma_start3A_166, %dma_start3A_167] : memref<2000x16xf32, #tpu.memory_space<vmem>> -> memref<640x16xf32, #tpu.memory_space<vmem>>
          %dma_start3A_169 = arith.constant 9360 : i32
          %dma_start3A_170 = arith.constant 0 : i32
          %dma_start3A_171 = tpu.memref_slice %arg7[%dma_start3A_169, %dma_start3A_170] : memref<10000x16xf32, #tpu.memory_space<hbm>> -> memref<640x16xf32, #tpu.memory_space<hbm>>
          %dma_start3A_172 = arith.constant 0 : i32
          %dma_start3A_173 = arith.constant 0 : i32
          %dma_start3A_174 = tpu.memref_slice %arg16[%dma_start3A_172, %dma_start3A_173] : memref<2000x16xf32, #tpu.memory_space<vmem>> -> memref<640x16xf32, #tpu.memory_space<vmem>>
          %dma_start3A_175 = arith.constant 9360 : i32
          %dma_start3A_176 = arith.constant 0 : i32
          %dma_start3A_177 = tpu.memref_slice %arg7[%dma_start3A_175, %dma_start3A_176] : memref<10000x16xf32, #tpu.memory_space<hbm>> -> memref<640x16xf32, #tpu.memory_space<hbm>>
          tpu.enqueue_dma source(%dma_start3A_177 : memref<640x16xf32, #tpu.memory_space<hbm>>) target(%dma_start3A_174 : memref<640x16xf32, #tpu.memory_space<vmem>>) target_semaphore(%run_scoped3A : memref<!tpu.dma_semaphore, #tpu.memory_space<semaphore_mem>>)
          %dma_wait3A_178 = arith.constant 0 : i32
          %dma_wait3A_179 = arith.constant 0 : i32
          %dma_wait3A_180 = tpu.memref_slice %arg16[%dma_wait3A_178, %dma_wait3A_179] : memref<2000x16xf32, #tpu.memory_space<vmem>> -> memref<640x16xf32, #tpu.memory_space<vmem>>
          %dma_wait3A_181 = arith.constant 9360 : i32
          %dma_wait3A_182 = arith.constant 0 : i32
          %dma_wait3A_183 = tpu.memref_slice %arg7[%dma_wait3A_181, %dma_wait3A_182] : memref<10000x16xf32, #tpu.memory_space<hbm>> -> memref<640x16xf32, #tpu.memory_space<hbm>>
          %dma_wait3A_184 = arith.constant 0 : i32
          %dma_wait3A_185 = arith.constant 0 : i32
          %dma_wait3A_186 = tpu.memref_slice %arg16[%dma_wait3A_184, %dma_wait3A_185] : memref<2000x16xf32, #tpu.memory_space<vmem>> -> memref<640x16xf32, #tpu.memory_space<vmem>>
          %dma_wait3A_187 = arith.constant 9360 : i32
          %dma_wait3A_188 = arith.constant 0 : i32
          %dma_wait3A_189 = tpu.memref_slice %arg7[%dma_wait3A_187, %dma_wait3A_188] : memref<10000x16xf32, #tpu.memory_space<hbm>> -> memref<640x16xf32, #tpu.memory_space<hbm>>
          tpu.wait_dma2 semaphore(%run_scoped3A : memref<!tpu.dma_semaphore, #tpu.memory_space<semaphore_mem>>) src(%dma_wait3A_189 : memref<640x16xf32, #tpu.memory_space<hbm>>) dst(%dma_wait3A_186 : memref<640x16xf32, #tpu.memory_space<vmem>>)
          tpu.yield
        }) : () -> ()
        %scan3A_152 = arith.constant 0 : i32
        %scan3A_153 = arith.constant 0 : i32
        %scan3A_154 = arith.constant 40 : i32
        %scan3A_155 = arith.addi %scan3A_153, %scan3A_154 : i32
        %scan3A_156 = arith.constant 1 : i32
        %scan3A_157 = scf.for %scan3A_166 = %scan3A_153 to %scan3A_155 step %scan3A_156 iter_args(%scan3A_167 = %scan3A_152) -> (i32)  : i32 {
          %mul3A_168 = arith.constant 16 : i32
          %mul3A_169 = arith.muli %scan3A_166, %mul3A_168 : i32
          %get3A = arith.index_cast %mul3A_169 : i32 to index
          %get3A_170 = tpu.vector_load %arg18[%get3A] {strides = array<i32>} : memref<640xf32, #tpu.memory_space<vmem>>, vector<16xf32>,
          %get3A_171 = vector.shape_cast %get3A_170 : vector<16xf32> to vector<16xf32>
          %max3A = arith.constant 1.000000e+00 : f32
          %max3A_172 = vector.broadcast %max3A : f32 to vector<16xf32>
          %max3A_173 = arith.maximumf %get3A_171, %max3A_172 : vector<16xf32>
          %div3A = arith.constant 1.000000e+00 : f32
          %div3A_174 = vector.broadcast %div3A : f32 to vector<16xf32>
          %div3A_175 = arith.divf %div3A_174, %max3A_173 : vector<16xf32>
          %mul3A_176 = arith.constant 16 : i32
          %mul3A_177 = arith.muli %scan3A_166, %mul3A_176 : i32
          %swap3A = arith.index_cast %mul3A_177 : i32 to index
          %swap3A_178 = tpu.vector_load %arg17[%swap3A] {strides = array<i32>} : memref<2000xf32, #tpu.memory_space<vmem>>, vector<16xf32>,
          %swap3A_179 = vector.shape_cast %swap3A_178 : vector<16xf32> to vector<16xf32>
          %swap3A_180 = vector.shape_cast %div3A_175 : vector<16xf32> to vector<16xf32>
          tpu.vector_store %arg17[%swap3A], %swap3A_180 {strides = array<i32>} : memref<2000xf32, #tpu.memory_space<vmem>>, vector<16xf32>,
          %scan3A_181 = arith.constant 0 : i32
          scf.yield %scan3A_181 : i32
        }
        %scan3A_158 = arith.constant 40 : i32
        %scan3A_159 = arith.constant 0 : i32
        %scan3A_160 = arith.constant 0 : i32
        %scan3A_161 = arith.constant 640 : i32
        %scan3A_162 = arith.addi %scan3A_160, %scan3A_161 : i32
        %scan3A_163 = arith.constant 1 : i32
        %scan3A_164 = scf.for %scan3A_166 = %scan3A_160 to %scan3A_162 step %scan3A_163 iter_args(%scan3A_167 = %scan3A_159) -> (i32)  : i32 {
          %get3A = arith.index_cast %scan3A_166 : i32 to index
          %get3A_168 = tpu.vector_load %arg17[%get3A] {strides = array<i32>} : memref<2000xf32, #tpu.memory_space<vmem>>, vector<16xf32>,
          %get3A_169 = vector.shape_cast %get3A_168 : vector<16xf32> to vector<16xf32>
          %slice3A = vector.extract_strided_slice %get3A_169 {offsets = [0], sizes = [1], strides = [1]} : vector<16xf32> to vector<1xf32>
          %squeeze3A = vector.extract %slice3A[0] : f32 from vector<1xf32>
          %get3A_170 = arith.index_cast %scan3A_166 : i32 to index
          %get3A_171 = arith.constant 0 : index
          %get3A_172 = tpu.vector_load %arg15[%get3A_170, %get3A_171] {strides = array<i32>} : memref<2000x16xf32, #tpu.memory_space<vmem>>, vector<1x16xf32>,
          %get3A_173 = vector.shape_cast %get3A_172 : vector<1x16xf32> to vector<16xf32>
          %mul3A_174 = vector.broadcast %squeeze3A : f32 to vector<16xf32>
          %mul3A_175 = arith.mulf %get3A_173, %mul3A_174 : vector<16xf32>
          %get3A_176 = arith.index_cast %scan3A_166 : i32 to index
          %get3A_177 = arith.constant 0 : index
          %get3A_178 = tpu.vector_load %arg16[%get3A_176, %get3A_177] {strides = array<i32>} : memref<2000x16xf32, #tpu.memory_space<vmem>>, vector<1x16xf32>,
          %get3A_179 = vector.shape_cast %get3A_178 : vector<1x16xf32> to vector<16xf32>
          %add3A = arith.addf %mul3A_175, %get3A_179 : vector<16xf32>
          %swap3A = arith.index_cast %scan3A_166 : i32 to index
          %swap3A_180 = arith.constant 0 : index
          %swap3A_181 = tpu.vector_load %arg15[%swap3A, %swap3A_180] {strides = array<i32>} : memref<2000x16xf32, #tpu.memory_space<vmem>>, vector<1x16xf32>,
          %swap3A_182 = vector.shape_cast %swap3A_181 : vector<1x16xf32> to vector<16xf32>
          %swap3A_183 = vector.shape_cast %add3A : vector<16xf32> to vector<1x16xf32>
          tpu.vector_store %arg15[%swap3A, %swap3A_180], %swap3A_183 {strides = array<i32>} : memref<2000x16xf32, #tpu.memory_space<vmem>>, vector<1x16xf32>,
          %scan3A_184 = arith.constant 0 : i32
          scf.yield %scan3A_184 : i32
        }
        %scan3A_165 = arith.constant 640 : i32
        "tpu.region"() ({
          %run_scoped3A = tpu.sem_alloc : memref<!tpu.dma_semaphore, #tpu.memory_space<semaphore_mem>>
          %dma_start3A_166 = arith.constant 0 : i32
          %dma_start3A_167 = arith.constant 0 : i32
          %dma_start3A_168 = tpu.memref_slice %arg15[%dma_start3A_166, %dma_start3A_167] : memref<2000x16xf32, #tpu.memory_space<vmem>> -> memref<640x16xf32, #tpu.memory_space<vmem>>
          %dma_start3A_169 = arith.constant 9360 : i32
          %dma_start3A_170 = arith.constant 0 : i32
          %dma_start3A_171 = tpu.memref_slice %arg9[%dma_start3A_169, %dma_start3A_170] : memref<10000x16xf32, #tpu.memory_space<hbm>> -> memref<640x16xf32, #tpu.memory_space<hbm>>
          %dma_start3A_172 = arith.constant 9360 : i32
          %dma_start3A_173 = arith.constant 0 : i32
          %dma_start3A_174 = tpu.memref_slice %arg9[%dma_start3A_172, %dma_start3A_173] : memref<10000x16xf32, #tpu.memory_space<hbm>> -> memref<640x16xf32, #tpu.memory_space<hbm>>
          %dma_start3A_175 = arith.constant 0 : i32
          %dma_start3A_176 = arith.constant 0 : i32
          %dma_start3A_177 = tpu.memref_slice %arg15[%dma_start3A_175, %dma_start3A_176] : memref<2000x16xf32, #tpu.memory_space<vmem>> -> memref<640x16xf32, #tpu.memory_space<vmem>>
          tpu.enqueue_dma source(%dma_start3A_177 : memref<640x16xf32, #tpu.memory_space<vmem>>) target(%dma_start3A_174 : memref<640x16xf32, #tpu.memory_space<hbm>>) target_semaphore(%run_scoped3A : memref<!tpu.dma_semaphore, #tpu.memory_space<semaphore_mem>>)
          %dma_wait3A_178 = arith.constant 0 : i32
          %dma_wait3A_179 = arith.constant 0 : i32
          %dma_wait3A_180 = tpu.memref_slice %arg15[%dma_wait3A_178, %dma_wait3A_179] : memref<2000x16xf32, #tpu.memory_space<vmem>> -> memref<640x16xf32, #tpu.memory_space<vmem>>
          %dma_wait3A_181 = arith.constant 9360 : i32
          %dma_wait3A_182 = arith.constant 0 : i32
          %dma_wait3A_183 = tpu.memref_slice %arg9[%dma_wait3A_181, %dma_wait3A_182] : memref<10000x16xf32, #tpu.memory_space<hbm>> -> memref<640x16xf32, #tpu.memory_space<hbm>>
          %dma_wait3A_184 = arith.constant 9360 : i32
          %dma_wait3A_185 = arith.constant 0 : i32
          %dma_wait3A_186 = tpu.memref_slice %arg9[%dma_wait3A_184, %dma_wait3A_185] : memref<10000x16xf32, #tpu.memory_space<hbm>> -> memref<640x16xf32, #tpu.memory_space<hbm>>
          %dma_wait3A_187 = arith.constant 0 : i32
          %dma_wait3A_188 = arith.constant 0 : i32
          %dma_wait3A_189 = tpu.memref_slice %arg15[%dma_wait3A_187, %dma_wait3A_188] : memref<2000x16xf32, #tpu.memory_space<vmem>> -> memref<640x16xf32, #tpu.memory_space<vmem>>
          tpu.wait_dma2 semaphore(%run_scoped3A : memref<!tpu.dma_semaphore, #tpu.memory_space<semaphore_mem>>) src(%dma_wait3A_189 : memref<640x16xf32, #tpu.memory_space<vmem>>) dst(%dma_wait3A_186 : memref<640x16xf32, #tpu.memory_space<hbm>>)
          tpu.yield
        }) : () -> ()
      } else {
      }
    } else {
    }
    return
  }
}

module attributes {stable_mosaic.version = 14 : i64} {
  func.func @_stage1_body(%arg0: i32, %arg1: memref<10000x128xf32, #tpu.memory_space<vmem>>, %arg2: memref<10000x128xf32, #tpu.memory_space<vmem>>, %arg3: memref<128x16xf32, #tpu.memory_space<vmem>>, %arg4: memref<1x16xf32, #tpu.memory_space<vmem>>, %arg5: memref<128x16xf32, #tpu.memory_space<vmem>>, %arg6: memref<128x16xf32, #tpu.memory_space<vmem>>, %arg7: memref<1x16xf32, #tpu.memory_space<vmem>>, %arg8: memref<128x16xf32, #tpu.memory_space<vmem>>, %arg9: memref<10000x16xf32, #tpu.memory_space<vmem>>, %arg10: memref<10000x16xf32, #tpu.memory_space<vmem>>, %arg11: memref<10000x16xf32, #tpu.memory_space<vmem>>, %arg12: memref<10000x16xf32, #tpu.memory_space<vmem>>) attributes {dimension_semantics = [#tpu.dimension_semantics<arbitrary>], iteration_bounds = array<i64: 1>, scalar_prefetch = 0 : i64, scratch_operands = 0 : i64, tpu.core_type = #tpu.core_type<tc>, window_params = [{transform_indices = @transform_0, window_bounds = array<i64: 10000, 128>}, {transform_indices = @transform_1, window_bounds = array<i64: 10000, 128>}, {pipeline_mode = #tpu.pipeline_mode<synchronous>, transform_indices = @transform_2, window_bounds = array<i64: 128, 16>}, {pipeline_mode = #tpu.pipeline_mode<synchronous>, transform_indices = @transform_3, window_bounds = array<i64: 1, 16>}, {pipeline_mode = #tpu.pipeline_mode<synchronous>, transform_indices = @transform_4, window_bounds = array<i64: 128, 16>}, {pipeline_mode = #tpu.pipeline_mode<synchronous>, transform_indices = @transform_5, window_bounds = array<i64: 128, 16>}, {pipeline_mode = #tpu.pipeline_mode<synchronous>, transform_indices = @transform_6, window_bounds = array<i64: 1, 16>}, {pipeline_mode = #tpu.pipeline_mode<synchronous>, transform_indices = @transform_7, window_bounds = array<i64: 128, 16>}, {transform_indices = @transform_8, window_bounds = array<i64: 10000, 16>}, {transform_indices = @transform_9, window_bounds = array<i64: 10000, 16>}, {transform_indices = @transform_10, window_bounds = array<i64: 10000, 16>}, {transform_indices = @transform_11, window_bounds = array<i64: 10000, 16>}]} {
    %get3A = arith.constant 0 : index
    %get3A_0 = arith.constant 0 : index
    %get3A_1 = vector.load %arg1[%get3A, %get3A_0] : memref<10000x128xf32, #tpu.memory_space<vmem>>, vector<10000x128xf32>
    %get3A_2 = arith.constant 0 : index
    %get3A_3 = arith.constant 0 : index
    %get3A_4 = vector.load %arg2[%get3A_2, %get3A_3] : memref<10000x128xf32, #tpu.memory_space<vmem>>, vector<10000x128xf32>
    %get3A_5 = arith.constant 0 : index
    %get3A_6 = arith.constant 0 : index
    %get3A_7 = vector.load %arg3[%get3A_5, %get3A_6] : memref<128x16xf32, #tpu.memory_space<vmem>>, vector<128x16xf32>
    %dot_general3A = arith.constant dense<0.000000e+00> : vector<10000x16xf32>
    %dot_general3A_8 = tpu.matmul %get3A_1, %get3A_7, %dot_general3A {dimension_numbers = #tpu.dot_dimension_numbers<[1], [0], [0], [1], [0, 0, 1, 1], [], []>, transpose_lhs_hint = false} : vector<10000x128xf32>, vector<128x16xf32>, vector<10000x16xf32> -> vector<10000x16xf32>
    %swap3A = arith.constant 0 : index
    %swap3A_9 = arith.constant 0 : index
    %swap3A_10 = vector.load %arg9[%swap3A, %swap3A_9] : memref<10000x16xf32, #tpu.memory_space<vmem>>, vector<10000x16xf32>
    tpu.vector_store %arg9[%swap3A, %swap3A_9], %dot_general3A_8 {strides = array<i32>} : memref<10000x16xf32, #tpu.memory_space<vmem>>, vector<10000x16xf32>,
    %get3A_11 = arith.constant 0 : index
    %get3A_12 = arith.constant 0 : index
    %get3A_13 = vector.load %arg6[%get3A_11, %get3A_12] : memref<128x16xf32, #tpu.memory_space<vmem>>, vector<128x16xf32>
    %dot_general3A_14 = arith.constant dense<0.000000e+00> : vector<10000x16xf32>
    %dot_general3A_15 = tpu.matmul %get3A_4, %get3A_13, %dot_general3A_14 {dimension_numbers = #tpu.dot_dimension_numbers<[1], [0], [0], [1], [0, 0, 1, 1], [], []>, transpose_lhs_hint = false} : vector<10000x128xf32>, vector<128x16xf32>, vector<10000x16xf32> -> vector<10000x16xf32>
    %swap3A_16 = arith.constant 0 : index
    %swap3A_17 = arith.constant 0 : index
    %swap3A_18 = vector.load %arg10[%swap3A_16, %swap3A_17] : memref<10000x16xf32, #tpu.memory_space<vmem>>, vector<10000x16xf32>
    tpu.vector_store %arg10[%swap3A_16, %swap3A_17], %dot_general3A_15 {strides = array<i32>} : memref<10000x16xf32, #tpu.memory_space<vmem>>, vector<10000x16xf32>,
    %get3A_19 = arith.constant 0 : index
    %get3A_20 = arith.constant 0 : index
    %get3A_21 = vector.load %arg5[%get3A_19, %get3A_20] : memref<128x16xf32, #tpu.memory_space<vmem>>, vector<128x16xf32>
    %dot_general3A_22 = arith.constant dense<0.000000e+00> : vector<10000x16xf32>
    %dot_general3A_23 = tpu.matmul %get3A_4, %get3A_21, %dot_general3A_22 {dimension_numbers = #tpu.dot_dimension_numbers<[1], [0], [0], [1], [0, 0, 1, 1], [], []>, transpose_lhs_hint = false} : vector<10000x128xf32>, vector<128x16xf32>, vector<10000x16xf32> -> vector<10000x16xf32>
    %get3A_24 = arith.constant 0 : index
    %get3A_25 = arith.constant 0 : index
    %get3A_26 = vector.load %arg4[%get3A_24, %get3A_25] : memref<1x16xf32, #tpu.memory_space<vmem>>, vector<1x16xf32>
    %add3A = vector.broadcast %get3A_26 : vector<1x16xf32> to vector<10000x16xf32>
    %add3A_27 = arith.addf %dot_general3A_23, %add3A : vector<10000x16xf32>
    %swap3A_28 = arith.constant 0 : index
    %swap3A_29 = arith.constant 0 : index
    %swap3A_30 = vector.load %arg11[%swap3A_28, %swap3A_29] : memref<10000x16xf32, #tpu.memory_space<vmem>>, vector<10000x16xf32>
    tpu.vector_store %arg11[%swap3A_28, %swap3A_29], %add3A_27 {strides = array<i32>} : memref<10000x16xf32, #tpu.memory_space<vmem>>, vector<10000x16xf32>,
    %get3A_31 = arith.constant 0 : index
    %get3A_32 = arith.constant 0 : index
    %get3A_33 = vector.load %arg8[%get3A_31, %get3A_32] : memref<128x16xf32, #tpu.memory_space<vmem>>, vector<128x16xf32>
    %dot_general3A_34 = arith.constant dense<0.000000e+00> : vector<10000x16xf32>
    %dot_general3A_35 = tpu.matmul %get3A_1, %get3A_33, %dot_general3A_34 {dimension_numbers = #tpu.dot_dimension_numbers<[1], [0], [0], [1], [0, 0, 1, 1], [], []>, transpose_lhs_hint = false} : vector<10000x128xf32>, vector<128x16xf32>, vector<10000x16xf32> -> vector<10000x16xf32>
    %get3A_36 = arith.constant 0 : index
    %get3A_37 = arith.constant 0 : index
    %get3A_38 = vector.load %arg7[%get3A_36, %get3A_37] : memref<1x16xf32, #tpu.memory_space<vmem>>, vector<1x16xf32>
    %add3A_39 = vector.broadcast %get3A_38 : vector<1x16xf32> to vector<10000x16xf32>
    %add3A_40 = arith.addf %dot_general3A_35, %add3A_39 : vector<10000x16xf32>
    %swap3A_41 = arith.constant 0 : index
    %swap3A_42 = arith.constant 0 : index
    %swap3A_43 = vector.load %arg12[%swap3A_41, %swap3A_42] : memref<10000x16xf32, #tpu.memory_space<vmem>>, vector<10000x16xf32>
    tpu.vector_store %arg12[%swap3A_41, %swap3A_42], %add3A_40 {strides = array<i32>} : memref<10000x16xf32, #tpu.memory_space<vmem>>, vector<10000x16xf32>,
    return
  }
  func.func @transform_0(%arg0: i32) -> (i32, i32) {
    %c0_i32 = arith.constant 0 : i32
    %c0_i32_0 = arith.constant 0 : i32
    return %arg0, %c0_i32 : i32, i32
  }
  func.func @transform_1(%arg0: i32) -> (i32, i32) {
    %c0_i32 = arith.constant 0 : i32
    %c0_i32_0 = arith.constant 0 : i32
    return %arg0, %c0_i32 : i32, i32
  }
  func.func @transform_2(%arg0: i32) -> (i32, i32) {
    %c0_i32 = arith.constant 0 : i32
    %c0_i32_0 = arith.constant 0 : i32
    %c0_i32_1 = arith.constant 0 : i32
    return %c0_i32, %c0_i32_0 : i32, i32
  }
  func.func @transform_3(%arg0: i32) -> (i32, i32) {
    %c0_i32 = arith.constant 0 : i32
    %c0_i32_0 = arith.constant 0 : i32
    %c0_i32_1 = arith.constant 0 : i32
    return %c0_i32, %c0_i32_0 : i32, i32
  }
  func.func @transform_4(%arg0: i32) -> (i32, i32) {
    %c0_i32 = arith.constant 0 : i32
    %c0_i32_0 = arith.constant 0 : i32
    %c0_i32_1 = arith.constant 0 : i32
    return %c0_i32, %c0_i32_0 : i32, i32
  }
  func.func @transform_5(%arg0: i32) -> (i32, i32) {
    %c0_i32 = arith.constant 0 : i32
    %c0_i32_0 = arith.constant 0 : i32
    %c0_i32_1 = arith.constant 0 : i32
    return %c0_i32, %c0_i32_0 : i32, i32
  }
  func.func @transform_6(%arg0: i32) -> (i32, i32) {
    %c0_i32 = arith.constant 0 : i32
    %c0_i32_0 = arith.constant 0 : i32
    %c0_i32_1 = arith.constant 0 : i32
    return %c0_i32, %c0_i32_0 : i32, i32
  }
  func.func @transform_7(%arg0: i32) -> (i32, i32) {
    %c0_i32 = arith.constant 0 : i32
    %c0_i32_0 = arith.constant 0 : i32
    %c0_i32_1 = arith.constant 0 : i32
    return %c0_i32, %c0_i32_0 : i32, i32
  }
  func.func @transform_8(%arg0: i32) -> (i32, i32) {
    %c0_i32 = arith.constant 0 : i32
    %c0_i32_0 = arith.constant 0 : i32
    return %arg0, %c0_i32 : i32, i32
  }
  func.func @transform_9(%arg0: i32) -> (i32, i32) {
    %c0_i32 = arith.constant 0 : i32
    %c0_i32_0 = arith.constant 0 : i32
    return %arg0, %c0_i32 : i32, i32
  }
  func.func @transform_10(%arg0: i32) -> (i32, i32) {
    %c0_i32 = arith.constant 0 : i32
    %c0_i32_0 = arith.constant 0 : i32
    return %arg0, %c0_i32 : i32, i32
  }
  func.func @transform_11(%arg0: i32) -> (i32, i32) {
    %c0_i32 = arith.constant 0 : i32
    %c0_i32_0 = arith.constant 0 : i32
    return %arg0, %c0_i32 : i32, i32
  }
}

</mosaic_0001>

<sc_bundles>
// kernel: kernel.4.cloned.1.call-start
scs
__scs_entry_jumppad:
0x0: {  	(pc) =	sbr.rel $0x88, $3  }
0x1: {  	(tag) =	ssettag $0x0;
	lr =	simm.s32 $0x1  }
0x2: {  	[smem:$0x3F97] =	sst lr;
	_ =	strace $0xD0000000  }
0x3: {  	_ = 	snop  }
0x4: {  	_ = 	snop  }
0x5: {  	_ = 	snop  }
0x6: {  	_ = 	snop  }
0x7: {  	_ = 	snop  }
__scs_overlays_trampoline_lowered:
0x8: {  	[smem:$0x3FA6] =	sst s0  }
0x9: {  	[smem:$0x3FA7] =	sst s1  }
0xa: {  	[smem:$0x3FA8] =	sst s2  }
0xb: {  	[smem:$0x3FA9] =	sst s3  }
0xc: {  	[smem:$0x3FAA] =	sst s4  }
0xd: {  	[smem:$0x3FAB] =	sst s5  }
0xe: {  	[smem:$0x3FAC] =	sst s6  }
0xf: {  	[smem:$0x3FAD] =	sst s7  }
0x10: {  	[smem:$0x3FAE] =	sst s8  }
0x11: {  	[smem:$0x3FAF] =	sst s9;
	s0 =	simm.s32 @!p0 $0x0  }
0x12: {  	s1 =	sld [smem:$0x3F95];
	s0 =	simm.s32 @p0 $0x1  }
0x13: {  	[smem:$0x3FB0] =	sst s0;
	s0 =	simm.s32 @!p1 $0x0  }
0x14: {  	s2 =	sld [smem:$0x3F94];
	s0 =	simm.s32 @p1 $0x1  }
0x15: {  	[smem:$0x3FB1] =	sst s0;
	s0 =	simm.s32 @!p2 $0x0  }
0x16: {  	s3 =	sld [smem:$0x3FDB];
	s0 =	simm.s32 @p2 $0x1  }
0x17: {  	s4 =	simm.s32 $0x1BF5;
	[smem:$0x3FB3] =	sst s0  }
0x18: {  	s0 =	sld [smem:$0x3F96];
	_ =	swait.ge [sflag:s4], $0x0  }
0x19: {  	s7 =	sld [smem:$0x3F97]  }
0x1a: {  	s8 =	sadd.s32 $0xFFFFE003, lr  }
0x1b: {  	s9 =	sadd.s32 $0xFFFFFEF7, lr;
	s5 =	simm.s32 $0xFFFFFFFF;
	p2 =	slt.u32 s8, $0xFFFFF086  }
0x1c: {  	p1 =	slt.u32 s9, $0xF7A;
	s5 =	simm.s32 @!p2 $0x0  }
0x1d: {  	s5 =	simm.s32 @p1 $0x1;
	p0 =	seq.s32 s7, s2  }
0x1e: {  	s7 =	smul.u32 @!p0 $0xF7A, s2;
	p2 =	seq.s32 @!p0 s5, $0x0  }
0x1f: {  	s9 =	smul.u32 $0xF7A, s1;
	s8 =	simm.s32 @!p0 $0x1BF5;
	p2 =	por !p2, p0  }
0x20: {  	[sflag:s8] =	ssyncset.s32 @!p0 $0xFFFFF086;
	s6 =	sadd.s32 @!p0 s3, s7;
	s7 =	simm.s32 @!p0 $0x108  }
0x21: {  	s3 =	sadd.s32 s3, s9;
	s6 =	sadd.s32 @!p0 $0x88, s6;
	s7 =	simm.s32 @p2 $0x1082  }
0x22: {  	[simem:s7], [sflag:s8] =	dma.local @!p0 [hbm:s6], $0xF7A  }
0x23: {  	s9 =	sor.u32 $0xD0000000, s2;
	s6 =	simm.s32 $0x108;
	_ =	swait.ge @!p0 [sflag:s8], $0x0  }
0x24: {  	s3 =	sadd.s32 $0x88, s3;
	s6 =	simm.s32 @!p1 $0x1082;
	[sflag:s4] =	ssyncset.s32 $0xFFFFF086  }
0x25: {  	[simem:s6], [sflag:s4] =	dma.local [hbm:s3], $0xF7A  }
0x26: {  	[smem:$0x3F97] =	sst s1;
	(tag) =	ssettag s2;
	_ =	strace s9  }
0x27: {  	s1 =	sld [smem:$0x3FA7]  }
0x28: {  	s2 =	sld [smem:$0x3FA8]  }
0x29: {  	s4 =	sld [smem:$0x3FAA]  }
0x2a: {  	p0 =	seq.s32 s5, $0x0;
	s5 =	sld [smem:$0x3FAB]  }
0x2b: {  	s6 =	sld [smem:$0x3FAC]  }
0x2c: {  	s7 =	sld [smem:$0x3FAD]  }
0x2d: {  	s3 =	simm.s32 $0x108;
	s8 =	sld [smem:$0x3FAE]  }
0x2e: {  	s3 =	simm.s32 @!p0 $0x1082;
	s9 =	sld [smem:$0x3FAF]  }
0x2f: {  	lr =	sadd.s32 s0, s3;
	s0 =	sld [smem:$0x3FA6]  }
0x30: {  	s3 =	sld [smem:$0x3FA9]  }
0x31: {  	[smem:$0x3FB2] =	sst s10  }
0x32: {  	s10 =	sld [smem:$0x3FB0];
	_ =	sdelay $0x3  }
0x33: {  	p0 =	seq.s32 s10, $0x1;
	s10 =	sld [smem:$0x3FB2];
	_ =	sdelay $0x3  }
0x34: {  	[smem:$0x3FB2] =	sst s10  }
0x35: {  	s10 =	sld [smem:$0x3FB1];
	_ =	sdelay $0x3  }
0x36: {  	p1 =	seq.s32 s10, $0x1;
	s10 =	sld [smem:$0x3FB2];
	_ =	sdelay $0x3  }
0x37: {  	[smem:$0x3FB2] =	sst s10  }
0x38: {  	s10 =	sld [smem:$0x3FB3]  }
0x39: {  	_ = 	snop;
	(pc) =	sbr.ind lr, $3  }
0x3a: {  	_ = 	snop  }
0x3b: {  	_ = 	snop  }
0x3c: {  	p2 =	seq.s32 s10, $0x1;
	s10 =	sld [smem:$0x3FB2]  }
0x3d: {  	_ =	shalt  }
0x3e: {  	_ =	shalt  }
0x3f: {  	_ =	shalt  }
0x40: {  	_ =	shalt  }
0x41: {  	_ =	shalt  }
0x42: {  	_ =	shalt  }
0x43: {  	_ =	shalt  }
0x44: {  	_ =	shalt  }
0x45: {  	_ =	shalt  }
0x46: {  	_ =	shalt  }
0x47: {  	_ =	shalt  }
0x48: {  	_ =	shalt  }
0x49: {  	_ =	shalt  }
0x4a: {  	_ =	shalt  }
0x4b: {  	_ =	shalt  }
0x4c: {  	_ =	shalt  }
0x4d: {  	_ =	shalt  }
0x4e: {  	_ =	shalt  }
0x4f: {  	_ =	shalt  }
0x50: {  	_ =	shalt  }
0x51: {  	_ =	shalt  }
0x52: {  	_ =	shalt  }
0x53: {  	_ =	shalt  }
0x54: {  	_ =	shalt  }
0x55: {  	_ =	shalt  }
0x56: {  	_ =	shalt  }
0x57: {  	_ =	shalt  }
0x58: {  	_ =	shalt  }
0x59: {  	_ =	shalt  }
0x5a: {  	_ =	shalt  }
0x5b: {  	_ =	shalt  }
0x5c: {  	_ =	shalt  }
0x5d: {  	_ =	shalt  }
0x5e: {  	_ =	shalt  }
0x5f: {  	_ =	shalt  }
0x60: {  	_ =	shalt  }
0x61: {  	_ =	shalt  }
0x62: {  	_ =	shalt  }
0x63: {  	_ =	shalt  }
0x64: {  	_ =	shalt  }
0x65: {  	_ =	shalt  }
0x66: {  	_ =	shalt  }
0x67: {  	_ =	shalt  }
0x68: {  	_ =	shalt  }
0x69: {  	_ =	shalt  }
0x6a: {  	_ =	shalt  }
0x6b: {  	_ =	shalt  }
0x6c: {  	_ =	shalt  }
0x6d: {  	_ =	shalt  }
0x6e: {  	_ =	shalt  }
0x6f: {  	_ =	shalt  }
0x70: {  	_ =	shalt  }
0x71: {  	_ =	shalt  }
0x72: {  	_ =	shalt  }
0x73: {  	_ =	shalt  }
0x74: {  	_ =	shalt  }
0x75: {  	_ =	shalt  }
0x76: {  	_ =	shalt  }
0x77: {  	_ =	shalt  }
0x78: {  	_ =	shalt  }
0x79: {  	_ =	shalt  }
0x7a: {  	_ =	shalt  }
0x7b: {  	_ =	shalt  }
0x7c: {  	_ =	shalt  }
0x7d: {  	_ =	shalt  }
0x7e: {  	_ =	shalt  }
0x7f: {  	_ =	shalt  }
0x80: {  	_ =	shalt  }
0x81: {  	_ =	shalt  }
0x82: {  	_ =	shalt  }
0x83: {  	_ =	shalt  }
0x84: {  	_ =	shalt  }
0x85: {  	_ =	shalt  }
0x86: {  	_ =	shalt  }
0x87: {  	_ =	shalt  }
.Lfunc_end0:
.L_simem_size_0:
called_computation_lowered:
.L_overlay_start_0:
0x88: {  	s2 =	sld [smem:$0x3FD9]  }
0x89: {  	s3 =	sld [smem:$0x3FFE];
	_ =	sdelay $0x1  }
0x8a: {  	s1 =	srdreg.scid  }
0x8b: {  	s0 =	sand.u32 $0x1, s1  }
0x8c: {  	s14 =	sshll.u32 s0, $0xA;
	s2 =	sadd.s32 s3, s2  }
0x8d: {  	s2 =	sadd.s32 s2, s14  }
0x8e: {  	[smem:$0x3FBE] =	sst s2  }
0x8f: {  	_ = 	snop  }
0x90: {  	s2 =	sld [smem:$0x3FD0];
	_ =	sdelay $0x2  }
0x91: {  	s15 =	simm.s32 $0xA;
	s4 =	simm.s32 $0x10  }
0x92: {  	[smem:s4], [sflag:s15] =	dma.local [hbm:s2], $0x1  }
0x93: {  	_ =	swait.eq [sflag:s15], $0x1  }
0x94: {  	[sflag:s15] =	ssyncset.done $0x0  }
0x95: {  	s16 =	sld [smem:$0x10];
	[sflag:s15] =	ssyncadd.s32 $0xFFFFFFFF  }
0x96: {  	s17 =	sld [smem:$0x11];
	(tm) =	ssettm $0x1  }
0x97: {  	s18 =	sld [smem:$0x3FFB];
	_ =	sdelay $0x3  }
0x98: {  	_ =	strace s18  }
0x99: {  	s4 =	sld [smem:$0x3FFC];
	_ =	sdelay $0x3  }
0x9a: {  	_ =	strace s4  }
0x9b: {  	s4 =	sld [smem:$0x3FFD];
	_ =	sdelay $0x3  }
0x9c: {  	_ =	strace s4  }
0x9d: {  	_ =	strace $0x8FFFFFFF  }
0x9e: {  	s19 =	sld [smem:$0x3FDB];
	_ =	sdelay $0x1  }
0x9f: {  	s5 =	simm.s32 $_scs_section_size  }
0xa0: {  	s6 =	simm.s32 $_size__tile_overlayer_lowered;
	s7 =	simm.s32 $_tile_overlayer_lowered  }
0xa1: {  	s22 =	simm.s32 $0x1BFF;
	s21 =	sshll.u32 s7, $0x1;
	s4 =	sadd.s32 s5, s19  }
0xa2: {  	s8 =	simm.s32 $0x0;
	s20 =	sshll.u32 s6, $0x1;
	s6 =	sadd.s32 s21, s4  }
0xa3: {  	[timem:s8], [sflag:s22] =	dma.local [hbm:s6], s20  }
0xa4: {  	_ =	swait.ge [sflag:s22], s20  }
0xa5: {  	s5 =	ssub.s32 $0x0, s20;
	[sflag:s22] =	ssyncset.done $0x0  }
0xa6: {  	[sflag:s22] =	ssyncadd.s32 s5;
	_ =	sdelay $0x1  }
0xa7: {  	s23 =	simm.s32 $0x1B8B  }
0xa8: {  	_ =	swait.ge [sflag:s23], $0x1  }
0xa9: {  	[sflag:s23] =	ssyncset.done $0x0  }
0xaa: {  	s25 =	simm.s32 $0x1B8E;
	s24 =	sld [smem:$0x3FFE];
	[sflag:s23] =	ssyncadd.s32 $0xFFFFFFFF  }
0xab: {  	s26 =	simm.s32 $execute0_lowered;
	[smem:$0x3FD2] =	sst s25  }
0xac: {  	s6 =	sshll.u32 s26, $0x1;
	_ =	strace $0x80000046;
	[dreg:$0x1] =	wrdreg $0xFFFFFFFF  }
0xad: {  	s28 =	simm.s32 $_size_execute0_lowered;
	s4 =	sadd.s32 s4, s6;
	[dreg:$0x0] =	wrdreg $0x0  }
0xae: {  	s6 =	sshll.u32 s28, $0x1;
	[dreg:$0x2] =	wrdreg s4  }
0xaf: {  	[dreg:$0x3] =	wrdreg s6  }
0xb0: {  	[dreg:$0x4] =	wrdreg $0xC0  }
0xb1: {  	_ =	task [dreg:s8], $0x5FFFF  }
0xb2: {  	[dreg:$0x1] =	wrdreg $0xFFFFFFFF  }
0xb3: {  	[dreg:$0x0] =	wrdreg $0x60  }
0xb4: {  	[dreg:$0x2] =	wrdreg s17  }
0xb5: {  	[dreg:$0x3] =	wrdreg s24  }
0xb6: {  	[dreg:$0x4] =	wrdreg s16  }
0xb7: {  	[dreg:$0x5] =	wrdreg $0x29880  }
0xb8: {  	[dreg:$0x6] =	wrdreg $0x0  }
0xb9: {  	[dreg:$0x7] =	wrdreg $0x27100  }
0xba: {  	[dreg:$0x8] =	wrdreg $0x9  }
0xbb: {  	_ =	task.clear_ibuf [dreg:s8], $0x9FFFF;
	_ =	strace $0x90000046  }
0xbc: {  	s29 =	simm.s32 $0x9;
	_ =	strace $0x80000048  }
0xbd: {  	_ =	swait.ge [sflag:s29], $0x1  }
0xbe: {  	[sflag:s29] =	ssyncadd.s32 $0xFFFFFFFF  }
0xbf: {  	_ =	strace $0x90000048  }
0xc0: {  	_ =	sfence  }
0xc1: {  	s30 =	sld [smem:$0x0];
	_ =	sdelay $0x2  }
0xc2: {  	s31 =	sshll.u32 s1, $0xD;
	s1 =	sshrl.u32 s1, $0x2  }
0xc3: {  	s3 =	sand.u32 $0x4000, s31;
	s1 =	sadd.s32 s1, s30  }
0xc4: {  	s0 =	sor.u32 s3, s0;
	s1 =	sshll.u32 s1, $0x11  }
0xc5: {  	s0 =	sor.u32 s1, s0  }
0xc6: {  	s0 =	sadd.s32 $0x8F2B, s0  }
0xc7: {  	[sflag:s0] =	ssyncadd.remote.s32 $0x1  }
0xc8: {  	_ =	sfence.sel $0xFFFF  }
0xc9: {  	[dreg:$0x0] =	wrdreg $0xFFFFFFFF;
	(pc) =	sbr.abs _section_cstart, $3  }
0xca: {  	[dreg:$0x1] =	wrdreg $0xFFFFFFFF  }
0xcb: {  	_ =	task.clear_ibuf [dreg:s8], $0x2FFFF;
	_ =	strace $0x9FFFFFFF  }
0xcc: {  	(tm) =	ssettm $0x7FFFFFFF  }
0xcd: {  	_ =	shalt  }
tec
execute0_lowered:
.L_overlay_start_1:
0x0: {  	(tag) =	ssettag $0x1  }
0x1: {  	s0 =	rddreg [dreg:$0x0]  }
0x2: {  	s3 =	rddreg [dreg:$0x1]  }
0x3: {  	s6 =	rddreg [dreg:$0x2]  }
0x4: {  	s1 =	rddreg [dreg:$0x3]  }
0x5: {  	s2 =	rddreg [dreg:$0x4]  }
0x6: {  	s4 =	rddreg [dreg:$0x5];
	s17 =	stileid.u32  }
0x7: {  	s5 =	simm.s32 $0x0;
	s8 =	srdreg.scid;
	s7 =	smul.u32 $0x2700, s17  }
0x8: {  	s28 =	simm.s32 $0x5098;
	s31 =	simm.s32 $0x0;
	s12 =	smul.u32 $0x4E20, s17  }
0x9: {  	[smem:$0x7FF] =	sst s5;
	s9 =	sadd.s32 $0x1EE00, s3;
	s26 =	smul.u32 $0x9C00, s17  }
0xa: {  	s8 =	sand.u32 $0x1, s8;
	s13 =	sadd.s32 $0xB400, s3;
	s16 =	smul.u32 $0x9C0, s17  }
0xb: {  	p1 =	seq.s32 s17, $0xF;
	s29 =	sadd.s32 $0x24900, s2;
	s30 =	sadd.s32 $0x2490, s4  }
0xc: {  	s17 =	simm.s32 $0xECD8;
	_ =	strace $0x80000047;
	s11 =	ssub.s32 $0x2, s8  }
0xd: {  	p0 =	seq.s32 s8, $0x1;
	s10 =	sshrl.u32 s7, $0x3;
	s19 =	sadd.s32 s7, s1  }
0xe: {  	s15 =	sshrl.u32 s11, $0x1;
	s24 =	sadd.s32 s7, s2;
	[dreg:$0x9] =	wrdreg s19  }
0xf: {  	s21 =	sshrl.u32 s26, $0x2;
	s7 =	sadd.s32 $0xAD20, s3;
	[dreg:$0xd] =	wrdreg s24  }
0x10: {  	s22 =	sshrl.u32 s16, $0x2;
	s20 =	sadd.s32 s0, s10;
	[dreg:$0x10] =	wrdreg s7  }
0x11: {  	s14 =	sadd.s32 s10, s3;
	s0 =	sadd.s32 $0x4920, s0;
	[dreg:$0xa] =	wrdreg s20  }
0x12: {  	s11 =	ssub.s32 s11, s15;
	s23 =	sadd.s32 s21, s2;
	[dreg:$0xb] =	wrdreg s0  }
0x13: {  	s15 =	sshrl.u32 s12, $0x3;
	s19 =	sadd.s32 s6, s10;
	[dreg:$0xc] =	wrdreg s23  }
0x14: {  	s12 =	sadd.s32 s22, s4;
	s24 =	sadd.s32 $0x3C120, s3;
	[dreg:$0x14] =	wrdreg s19  }
0x15: {  	s10 =	simm.s32 $0xCD98;
	s18 =	sadd.s32 s9, s15;
	[dreg:$0x19] =	wrdreg s24  }
0x16: {  	s8 =	sadd.s32 $0x9C40, s15;
	s25 =	sadd.s32 $0x6400, s14;
	[dreg:$0x7] =	wrdreg s18  }
0x17: {  	s26 =	sadd.s32 $0x32800, s14;
	s16 =	sadd.s32 s13, s15;
	[dreg:$0xe] =	wrdreg s25  }
0x18: {  	s20 =	sadd.s32 $0x4920, s6;
	s21 =	sadd.s32 $0x1400, s14;
	[dreg:$0xf] =	wrdreg s26  }
0x19: {  	s22 =	sadd.s32 $0x37800, s14;
	s23 =	sadd.s32 $0x5D20, s3;
	[dreg:$0x12] =	wrdreg s16  }
0x1a: {  	s0 =	simm.s32 $0x9EB8;
	s14 =	simm.s32 $0x3;
	[dreg:$0x15] =	wrdreg s20  }
0x1b: {  	s15 =	simm.s32 $0x4;
	s6 =	simm.s32 $0x2;
	[dreg:$0x16] =	wrdreg s21  }
0x1c: {  	s19 =	simm.s32 $0xD568;
	s9 =	sadd.s32 s9, s8;
	[dreg:$0x17] =	wrdreg s22  }
0x1d: {  	s18 =	sadd.s32 s13, s8;
	[dreg:$0x18] =	wrdreg s23;
	s25 =	smax.u32 s11, $0x1  }
0x1e: {  	s26 =	sadd.s32 $0x24900, s1;
	s16 =	simm.s32 $0x7D0;
	s22 =	simm.s32 $0x1  }
.Ltmp0:
0x1f: {  	s23 =	simm.s32 $0x1E6D8;
	[dreg:$0x8] =	wrdreg s9;
	(pc) =	sbr.rel .LBB2_1-.Ltmp0, $4  }
0x20: {  	s13 =	simm.s32 $0x6;
	s21 =	simm.s32 $0xC5C8;
	[dreg:$0x13] =	wrdreg s18  }
0x21: {  	s8 =	simm.s32 $0xE508;
	s11 =	simm.s32 $0x7;
	[dreg:$0x1a] =	wrdreg s25  }
0x22: {  	s9 =	sadd.s32 $0x37120, s3;
	[dreg:$0x1b] =	wrdreg s26;
	s25 =	simm.s32 $0x169D8  }
0x23: {  	v0 =	vimm.f32 $0.0e+00;
	v1 =	vimm.f32 $1.000000000e+00;
	s3 =	simm.s32 $0xDD38;
	[dreg:$0x11] =	wrdreg s9;
	s9 =	simm.s32 $0x5  }
.LBB2_11:
0x24: {  	v3 =	vld [tilespmem:s26+$0xECD8];
	_ =	sdelay $0x1  }
0x25: {  	v4 =	vld [tilespmem:s26+$0x169D8];
	_ =	sdelay $0x2  }
0x26: {  	v2 =	vmul.f32 v2, v3;
	_ =	sdelay $0x1  }
0x27: {  	v2 =	vadd.f32 v4, v2;
	_ =	sdelay $0x1  }
0x28: {  	s7 =	rddreg [dreg:$0xf];
	[tilespmem:s26+$0xECD8] =	vst v2  }
0x29: {  	[hbm4b:s7+s5] =	stream.linear.scatter [tilespmem:s17], [sflag:$0x7], $0x2700, $0x38;
	[tilespmem:$0x1F128] =	vst v63  }
0x2a: {  	_ =	swait.ge [sflag:s11], $0x2700  }
0x2b: {  	[sflag:s11] =	ssyncset.done $0x0  }
0x2c: {  	[sflag:s11] =	ssyncadd.s32 $0xFFFFD900  }
.LBB2_32:
0x2d: {  	s31 =	sadd.s32 $0x1, s31;
	s7 =	rddreg [dreg:$0x1a]  }
0x2e: {  	p2 =	sne.s32 s31, s7  }
.Ltmp1:
0x2f: {  	_ = 	snop;
	(pc) =	sbr.rel @!p2 .LBB2_33-.Ltmp1, $2  }
0x30: {  	_ =	sdelay $0x2  }
0x31: {  	s28 =	simm.s32 $0x5098  }
.LBB2_1:
.Ltmp2:
0x32: {  	(pc) =	sbr.rel @!p0 .LBB2_2-.Ltmp2, $4  }
0x33: {  	s7 =	stileid.u32  }
0x34: {  	s24 =	sshll.u32 @!p1 s7, $0x6;
	s7 =	rddreg [dreg:$0x1b]  }
0x35: {  	s18 =	sshrl.u32 @p1 s7, $0x3;
	s7 =	rddreg [dreg:$0x9]  }
0x36: {  	s24 =	sor.u32 @!p1 $0x1C05, s24;
	s7 =	sshrl.u32 @!p1 s7, $0x3  }
0x37: {  	s20 =	rddreg [dreg:$0x12]  }
0x38: {  	[tilespmem:s28], [sflag:$0x3] =	stream.linear.gather [hbm4b:s20+s5], $0x4E20, $0x38;
	[tilespmem:$0x1F128] =	vst v63  }
0x39: {  	s26 =	rddreg [dreg:$0x13]  }
0x3a: {  	[tilespmem:s0], [sflag:$0x4] =	stream.linear.gather [hbm4b:s26+s5], $0x4E20, $0x38;
	[tilespmem:$0x1F128] =	vst v63  }
0x3b: {  	s20 =	simm.s32 @p1 $0x1FC5;
	s26 =	rddreg [dreg:$0x15]  }
0x3c: {  	[spmem:s18], [sflag:s20] =	dma.local @p1 [hbm:s26], $0x500  }
0x3d: {  	s18 =	rddreg [dreg:$0x14]  }
0x3e: {  	[spmem:s7], [sflag:s24] =	dma.local @!p1 [hbm:s18], $0x4E0  }
0x3f: {  	s7 =	simm.s32 $0x40;
	s18 =	simm.s32 $0x0  }
.LBB2_18:
0x40: {  	p2 =	sne.s32 s7, $0x9FC0;
	[tilespmem:s18+$0xECD8] =	vst v0;
	s18 =	smov.u32 s7;
	s7 =	sadd.s32 $0x40, s7  }
.Ltmp3:
0x41: {  	(pc) =	sbr.rel @p2 .LBB2_18-.Ltmp3, $2  }
0x42: {  	_ =	sdelay $0x2  }
0x43: {  	s18 =	sshra.s32 s18, $0x2  }
0x44: {  	[tilespmem:s18+$0xECD8] =	vst v0  }
0x45: {  	[tilespmem:$0x1EEA8] =	vst v0  }
0x46: {  	[tilespmem:$0x1EEB8] =	vst v0  }
0x47: {  	[tilespmem:$0x1EEC8] =	vst v0  }
0x48: {  	[tilespmem:$0x1EED8] =	vst v0  }
0x49: {  	[tilespmem:$0x1EEE8] =	vst v0  }
0x4a: {  	[tilespmem:$0x1EEF8] =	vst v0  }
0x4b: {  	[tilespmem:$0x1EF08] =	vst v0  }
0x4c: {  	[tilespmem:$0x1EF18] =	vst v0  }
0x4d: {  	[tilespmem:$0x1EF28] =	vst v0  }
0x4e: {  	[tilespmem:$0x1EF38] =	vst v0  }
0x4f: {  	[tilespmem:$0x1EF48] =	vst v0  }
0x50: {  	[tilespmem:$0x1EF58] =	vst v0  }
0x51: {  	[tilespmem:$0x1EF68] =	vst v0  }
0x52: {  	[tilespmem:$0x1EF78] =	vst v0  }
0x53: {  	[tilespmem:$0x1EF88] =	vst v0  }
0x54: {  	[tilespmem:$0x1EF98] =	vst v0  }
0x55: {  	[tilespmem:$0x1EFA8] =	vst v0  }
0x56: {  	[tilespmem:$0x1EFB8] =	vst v0  }
0x57: {  	[tilespmem:$0x1EFC8] =	vst v0  }
0x58: {  	[tilespmem:$0x1EFD8] =	vst v0  }
0x59: {  	[tilespmem:$0x1EFE8] =	vst v0  }
0x5a: {  	[tilespmem:$0x1EFF8] =	vst v0  }
0x5b: {  	[tilespmem:$0x1F008] =	vst v0  }
0x5c: {  	[tilespmem:$0x1F018] =	vst v0  }
0x5d: {  	[tilespmem:$0x1F028] =	vst v0  }
0x5e: {  	[tilespmem:$0x1F038] =	vst v0  }
0x5f: {  	[tilespmem:$0x1F048] =	vst v0  }
0x60: {  	[tilespmem:$0x1F058] =	vst v0  }
0x61: {  	[tilespmem:$0x1F068] =	vst v0  }
0x62: {  	[tilespmem:$0x1F078] =	vst v0  }
0x63: {  	[tilespmem:$0x1F088] =	vst v0  }
0x64: {  	[tilespmem:$0x1F098] =	vst v0  }
0x65: {  	[tilespmem:$0x1F0A8] =	vst v0  }
0x66: {  	[tilespmem:$0x1F0B8] =	vst v0  }
0x67: {  	[tilespmem:$0x1F0C8] =	vst v0  }
0x68: {  	[tilespmem:$0x1F0D8] =	vst v0  }
0x69: {  	[tilespmem:$0x1F0E8] =	vst v0  }
0x6a: {  	[tilespmem:$0x1F0F8] =	vst v0  }
0x6b: {  	[tilespmem:$0x1F108] =	vst v0  }
0x6c: {  	s7 =	simm.s32 $0x40;
	s18 =	simm.s32 $0x0;
	[tilespmem:$0x1F118] =	vst v0  }
.LBB2_20:
0x6d: {  	p2 =	sne.s32 s7, $0x1F00;
	[tilespmem:s18+$0x1E6D8] =	vst v1;
	s18 =	smov.u32 s7;
	s7 =	sadd.s32 $0x40, s7  }
.Ltmp4:
0x6e: {  	(pc) =	sbr.rel @p2 .LBB2_20-.Ltmp4, $2  }
0x6f: {  	_ =	sdelay $0x2  }
0x70: {  	s18 =	sshra.s32 s18, $0x2  }
0x71: {  	[tilespmem:s18+$0x1E6D8] =	vst v1;
	s7 =	simm.s32 @p1 $0xECD8  }
0x72: {  	[spmem:s29] =	stream.linear.scatter @p1 [tilespmem:s7], [sflag:$0x7], $0x2800, $0x38;
	[tilespmem:$0x1F128] =	vst v63  }
0x73: {  	s7 =	simm.s32 @p1 $0x7  }
0x74: {  	_ =	swait.ge @p1 [sflag:s7], $0x2800  }
0x75: {  	[sflag:s7] =	ssyncset.done @p1 $0x0  }
0x76: {  	s18 =	simm.s32 @p1 $0x1EEA8;
	[sflag:s7] =	ssyncadd.s32 @p1 $0xFFFFD800  }
0x77: {  	[spmem:s30] =	stream.linear.scatter @p1 [tilespmem:s18], [sflag:$0x7], $0x280, $0x38;
	[tilespmem:$0x1F128] =	vst v63  }
0x78: {  	_ =	swait.ge @p1 [sflag:s7], $0x280  }
0x79: {  	[sflag:s7] =	ssyncset.done @p1 $0x0  }
0x7a: {  	s18 =	rddreg [dreg:$0xc];
	[sflag:s7] =	ssyncadd.s32 @p1 $0xFFFFFD80;
	s7 =	simm.s32 @!p1 $0xECD8  }
0x7b: {  	[spmem:s18] =	stream.linear.scatter @!p1 [tilespmem:s7], [sflag:$0x7], $0x2700, $0x38;
	[tilespmem:$0x1F128] =	vst v63  }
0x7c: {  	s7 =	simm.s32 @!p1 $0x7  }
0x7d: {  	_ =	swait.ge @!p1 [sflag:s7], $0x2700  }
0x7e: {  	[sflag:s7] =	ssyncset.done @!p1 $0x0  }
0x7f: {  	s18 =	simm.s32 @!p1 $0x1EEA8;
	[sflag:s7] =	ssyncadd.s32 @!p1 $0xFFFFD900  }
0x80: {  	[spmem:s12] =	stream.linear.scatter @!p1 [tilespmem:s18], [sflag:$0x7], $0x270, $0x38;
	[tilespmem:$0x1F128] =	vst v63  }
0x81: {  	_ =	swait.ge @!p1 [sflag:s7], $0x270  }
0x82: {  	[sflag:s7] =	ssyncset.done @!p1 $0x0  }
0x83: {  	[sflag:s7] =	ssyncadd.s32 @!p1 $0xFFFFFD90  }
0x84: {  	_ =	swait.ge [sflag:s14], $0x4E20  }
0x85: {  	[sflag:s14] =	ssyncset.done $0x0  }
0x86: {  	[sflag:s14] =	ssyncadd.s32 $0xFFFFB1E0  }
0x87: {  	_ =	swait.ge [sflag:s15], $0x4E20  }
0x88: {  	[sflag:s15] =	ssyncset.done $0x0  }
0x89: {  	s7 =	simm.s32 @p1 $0x5;
	[sflag:s15] =	ssyncadd.s32 $0xFFFFB1E0  }
0x8a: {  	_ =	swait.ge @p1 [sflag:s7], $0x500  }
0x8b: {  	[sflag:s7] =	ssyncset.done @p1 $0x0  }
0x8c: {  	[sflag:s7] =	ssyncadd.s32 @p1 $0xFFFFFB00;
	s7 =	simm.s32 @!p1 $0x5  }
0x8d: {  	_ =	swait.ge @!p1 [sflag:s7], $0x4E0  }
0x8e: {  	[sflag:s7] =	ssyncset.done @!p1 $0x0  }
0x8f: {  	[sflag:s7] =	ssyncadd.s32 @!p1 $0xFFFFFB20  }
0x90: {  	[bflag:$0x0] =	sbarrier.arrive $0xFFFF  }
0x91: {  	[tilespmem:s17], [sflag:$0x1] =	stream.indirect.gather [spmem:s1], $0x10, s28, s16, $0xb8;
	[tilespmem:$0x1F128] =	vst v63  }
0x92: {  	_ =	swait.ge [sflag:s22], $0x7D00  }
0x93: {  	[sflag:s22] =	ssyncset.done $0x0  }
0x94: {  	[sflag:s22] =	ssyncadd.s32 $0xFFFF8300  }
0x95: {  	[spmem:s2] =	stream.indirect.scatter.add.f32 [tilespmem:s17], [sflag:$0x3], $0x10, s0, s16, $0xb8;
	[tilespmem:$0x1F128] =	vst v63  }
0x96: {  	_ = 	snop  }
0x97: {  	[spmem:s4] =	stream.indirect.scatter.add.f32 [tilespmem:s23], [sflag:$0x5], $0x1, s0, s16, $0xb8;
	[tilespmem:$0x1F128] =	vst v63  }
0x98: {  	s24 =	simm.s32 $0x5868  }
0x99: {  	[tilespmem:s25], [sflag:$0x2] =	stream.indirect.gather [spmem:s1], $0x10, s24, s16, $0xb8;
	[tilespmem:$0x1F128] =	vst v63  }
0x9a: {  	_ =	swait.ge [sflag:s6], $0x7D00  }
0x9b: {  	[sflag:s6] =	ssyncset.done $0x0  }
0x9c: {  	s26 =	simm.s32 $0xA688;
	[sflag:s6] =	ssyncadd.s32 $0xFFFF8300  }
0x9d: {  	[spmem:s2] =	stream.indirect.scatter.add.f32 [tilespmem:s25], [sflag:$0x4], $0x10, s26, s16, $0xb8;
	[tilespmem:$0x1F128] =	vst v63  }
0x9e: {  	_ = 	snop  }
0x9f: {  	[spmem:s4] =	stream.indirect.scatter.add.f32 [tilespmem:s23], [sflag:$0x6], $0x1, s26, s16, $0xb8;
	[tilespmem:$0x1F128] =	vst v63  }
0xa0: {  	_ =	swait.ge [sflag:s14], $0x7D00  }
0xa1: {  	[sflag:s14] =	ssyncset.done $0x0  }
0xa2: {  	[sflag:s14] =	ssyncadd.s32 $0xFFFF8300  }
0xa3: {  	_ =	swait.ge [sflag:s9], $0x7D0  }
0xa4: {  	[sflag:s9] =	ssyncset.done $0x0  }
0xa5: {  	s28 =	simm.s32 $0x6038;
	[sflag:s9] =	ssyncadd.s32 $0xFFFFF830  }
0xa6: {  	[tilespmem:s17], [sflag:$0x1] =	stream.indirect.gather [spmem:s1], $0x10, s28, s16, $0xb8;
	[tilespmem:$0x1F128] =	vst v63  }
0xa7: {  	_ =	swait.ge [sflag:s22], $0x7D00  }
0xa8: {  	[sflag:s22] =	ssyncset.done $0x0  }
0xa9: {  	s18 =	simm.s32 $0xAE58;
	[sflag:s22] =	ssyncadd.s32 $0xFFFF8300  }
0xaa: {  	[spmem:s2] =	stream.indirect.scatter.add.f32 [tilespmem:s17], [sflag:$0x3], $0x10, s18, s16, $0xb8;
	[tilespmem:$0x1F128] =	vst v63  }
0xab: {  	_ = 	snop  }
0xac: {  	[spmem:s4] =	stream.indirect.scatter.add.f32 [tilespmem:s23], [sflag:$0x5], $0x1, s18, s16, $0xb8;
	[tilespmem:$0x1F128] =	vst v63  }
0xad: {  	_ =	swait.ge [sflag:s15], $0x7D00  }
0xae: {  	[sflag:s15] =	ssyncset.done $0x0  }
0xaf: {  	[sflag:s15] =	ssyncadd.s32 $0xFFFF8300  }
0xb0: {  	_ =	swait.ge [sflag:s13], $0x7D0  }
0xb1: {  	[sflag:s13] =	ssyncset.done $0x0  }
0xb2: {  	s20 =	simm.s32 $0x6808;
	[sflag:s13] =	ssyncadd.s32 $0xFFFFF830  }
0xb3: {  	[tilespmem:s25], [sflag:$0x2] =	stream.indirect.gather [spmem:s1], $0x10, s20, s16, $0xb8;
	[tilespmem:$0x1F128] =	vst v63  }
0xb4: {  	_ =	swait.ge [sflag:s6], $0x7D00  }
0xb5: {  	[sflag:s6] =	ssyncset.done $0x0  }
0xb6: {  	s24 =	simm.s32 $0xB628;
	[sflag:s6] =	ssyncadd.s32 $0xFFFF8300  }
0xb7: {  	[spmem:s2] =	stream.indirect.scatter.add.f32 [tilespmem:s25], [sflag:$0x4], $0x10, s24, s16, $0xb8;
	[tilespmem:$0x1F128] =	vst v63  }
0xb8: {  	_ = 	snop  }
0xb9: {  	[spmem:s4] =	stream.indirect.scatter.add.f32 [tilespmem:s23], [sflag:$0x6], $0x1, s24, s16, $0xb8;
	[tilespmem:$0x1F128] =	vst v63  }
0xba: {  	_ =	swait.ge [sflag:s14], $0x7D00  }
0xbb: {  	[sflag:s14] =	ssyncset.done $0x0  }
0xbc: {  	[sflag:s14] =	ssyncadd.s32 $0xFFFF8300  }
0xbd: {  	_ =	swait.ge [sflag:s9], $0x7D0  }
0xbe: {  	[sflag:s9] =	ssyncset.done $0x0  }
0xbf: {  	s26 =	simm.s32 $0x6FD8;
	[sflag:s9] =	ssyncadd.s32 $0xFFFFF830  }
0xc0: {  	[tilespmem:s17], [sflag:$0x1] =	stream.indirect.gather [spmem:s1], $0x10, s26, s16, $0xb8;
	[tilespmem:$0x1F128] =	vst v63  }
0xc1: {  	_ =	swait.ge [sflag:s22], $0x7D00  }
0xc2: {  	[sflag:s22] =	ssyncset.done $0x0  }
0xc3: {  	s28 =	simm.s32 $0xBDF8;
	[sflag:s22] =	ssyncadd.s32 $0xFFFF8300  }
0xc4: {  	[spmem:s2] =	stream.indirect.scatter.add.f32 [tilespmem:s17], [sflag:$0x3], $0x10, s28, s16, $0xb8;
	[tilespmem:$0x1F128] =	vst v63  }
0xc5: {  	_ = 	snop  }
0xc6: {  	[spmem:s4] =	stream.indirect.scatter.add.f32 [tilespmem:s23], [sflag:$0x5], $0x1, s28, s16, $0xb8;
	[tilespmem:$0x1F128] =	vst v63  }
0xc7: {  	_ =	swait.ge [sflag:s15], $0x7D00  }
0xc8: {  	[sflag:s15] =	ssyncset.done $0x0  }
0xc9: {  	[sflag:s15] =	ssyncadd.s32 $0xFFFF8300  }
0xca: {  	_ =	swait.ge [sflag:s13], $0x7D0  }
0xcb: {  	[sflag:s13] =	ssyncset.done $0x0  }
0xcc: {  	s18 =	simm.s32 $0x77A8;
	[sflag:s13] =	ssyncadd.s32 $0xFFFFF830  }
0xcd: {  	[tilespmem:s25], [sflag:$0x2] =	stream.indirect.gather [spmem:s1], $0x10, s18, s16, $0xb8;
	[tilespmem:$0x1F128] =	vst v63  }
0xce: {  	_ =	swait.ge [sflag:s6], $0x7D00  }
0xcf: {  	[sflag:s6] =	ssyncset.done $0x0  }
0xd0: {  	[sflag:s6] =	ssyncadd.s32 $0xFFFF8300  }
0xd1: {  	[spmem:s2] =	stream.indirect.scatter.add.f32 [tilespmem:s25], [sflag:$0x4], $0x10, s21, s16, $0xb8;
	[tilespmem:$0x1F128] =	vst v63  }
0xd2: {  	_ = 	snop  }
0xd3: {  	[spmem:s4] =	stream.indirect.scatter.add.f32 [tilespmem:s23], [sflag:$0x6], $0x1, s21, s16, $0xb8;
	[tilespmem:$0x1F128] =	vst v63  }
0xd4: {  	_ =	swait.ge [sflag:s14], $0x7D00  }
0xd5: {  	[sflag:s14] =	ssyncset.done $0x0  }
0xd6: {  	[sflag:s14] =	ssyncadd.s32 $0xFFFF8300  }
0xd7: {  	_ =	swait.ge [sflag:s9], $0x7D0  }
0xd8: {  	[sflag:s9] =	ssyncset.done $0x0  }
0xd9: {  	s20 =	simm.s32 $0x7F78;
	[sflag:s9] =	ssyncadd.s32 $0xFFFFF830  }
0xda: {  	[tilespmem:s17], [sflag:$0x1] =	stream.indirect.gather [spmem:s1], $0x10, s20, s16, $0xb8;
	[tilespmem:$0x1F128] =	vst v63  }
0xdb: {  	_ =	swait.ge [sflag:s22], $0x7D00  }
0xdc: {  	[sflag:s22] =	ssyncset.done $0x0  }
0xdd: {  	[sflag:s22] =	ssyncadd.s32 $0xFFFF8300  }
0xde: {  	[spmem:s2] =	stream.indirect.scatter.add.f32 [tilespmem:s17], [sflag:$0x3], $0x10, s10, s16, $0xb8;
	[tilespmem:$0x1F128] =	vst v63  }
0xdf: {  	_ = 	snop  }
0xe0: {  	[spmem:s4] =	stream.indirect.scatter.add.f32 [tilespmem:s23], [sflag:$0x5], $0x1, s10, s16, $0xb8;
	[tilespmem:$0x1F128] =	vst v63  }
0xe1: {  	_ =	swait.ge [sflag:s15], $0x7D00  }
0xe2: {  	[sflag:s15] =	ssyncset.done $0x0  }
0xe3: {  	[sflag:s15] =	ssyncadd.s32 $0xFFFF8300  }
0xe4: {  	_ =	swait.ge [sflag:s13], $0x7D0  }
0xe5: {  	[sflag:s13] =	ssyncset.done $0x0  }
0xe6: {  	s24 =	simm.s32 $0x8748;
	[sflag:s13] =	ssyncadd.s32 $0xFFFFF830  }
0xe7: {  	[tilespmem:s25], [sflag:$0x2] =	stream.indirect.gather [spmem:s1], $0x10, s24, s16, $0xb8;
	[tilespmem:$0x1F128] =	vst v63  }
0xe8: {  	_ =	swait.ge [sflag:s6], $0x7D00  }
0xe9: {  	[sflag:s6] =	ssyncset.done $0x0  }
0xea: {  	[sflag:s6] =	ssyncadd.s32 $0xFFFF8300  }
0xeb: {  	[spmem:s2] =	stream.indirect.scatter.add.f32 [tilespmem:s25], [sflag:$0x4], $0x10, s19, s16, $0xb8;
	[tilespmem:$0x1F128] =	vst v63  }
0xec: {  	_ = 	snop  }
0xed: {  	[spmem:s4] =	stream.indirect.scatter.add.f32 [tilespmem:s23], [sflag:$0x6], $0x1, s19, s16, $0xb8;
	[tilespmem:$0x1F128] =	vst v63  }
0xee: {  	_ =	swait.ge [sflag:s14], $0x7D00  }
0xef: {  	[sflag:s14] =	ssyncset.done $0x0  }
0xf0: {  	[sflag:s14] =	ssyncadd.s32 $0xFFFF8300  }
0xf1: {  	_ =	swait.ge [sflag:s9], $0x7D0  }
0xf2: {  	[sflag:s9] =	ssyncset.done $0x0  }
0xf3: {  	s26 =	simm.s32 $0x8F18;
	[sflag:s9] =	ssyncadd.s32 $0xFFFFF830  }
0xf4: {  	[tilespmem:s17], [sflag:$0x1] =	stream.indirect.gather [spmem:s1], $0x10, s26, s16, $0xb8;
	[tilespmem:$0x1F128] =	vst v63  }
0xf5: {  	_ =	swait.ge [sflag:s22], $0x7D00  }
0xf6: {  	[sflag:s22] =	ssyncset.done $0x0  }
0xf7: {  	[sflag:s22] =	ssyncadd.s32 $0xFFFF8300  }
0xf8: {  	[spmem:s2] =	stream.indirect.scatter.add.f32 [tilespmem:s17], [sflag:$0x3], $0x10, s3, s16, $0xb8;
	[tilespmem:$0x1F128] =	vst v63  }
0xf9: {  	_ = 	snop  }
0xfa: {  	[spmem:s4] =	stream.indirect.scatter.add.f32 [tilespmem:s23], [sflag:$0x5], $0x1, s3, s16, $0xb8;
	[tilespmem:$0x1F128] =	vst v63  }
0xfb: {  	_ =	swait.ge [sflag:s15], $0x7D00  }
0xfc: {  	[sflag:s15] =	ssyncset.done $0x0  }
0xfd: {  	[sflag:s15] =	ssyncadd.s32 $0xFFFF8300  }
0xfe: {  	_ =	swait.ge [sflag:s13], $0x7D0  }
0xff: {  	[sflag:s13] =	ssyncset.done $0x0  }
0x100: {  	s28 =	simm.s32 $0x96E8;
	[sflag:s13] =	ssyncadd.s32 $0xFFFFF830  }
0x101: {  	[tilespmem:s25], [sflag:$0x2] =	stream.indirect.gather [spmem:s1], $0x10, s28, s16, $0xb8;
	[tilespmem:$0x1F128] =	vst v63  }
0x102: {  	_ =	swait.ge [sflag:s6], $0x7D00  }
0x103: {  	[sflag:s6] =	ssyncset.done $0x0  }
0x104: {  	[sflag:s6] =	ssyncadd.s32 $0xFFFF8300  }
0x105: {  	[spmem:s2] =	stream.indirect.scatter.add.f32 [tilespmem:s25], [sflag:$0x4], $0x10, s8, s16, $0xb8;
	[tilespmem:$0x1F128] =	vst v63  }
0x106: {  	_ = 	snop  }
0x107: {  	[spmem:s4] =	stream.indirect.scatter.add.f32 [tilespmem:s23], [sflag:$0x6], $0x1, s8, s16, $0xb8;
	[tilespmem:$0x1F128] =	vst v63  }
0x108: {  	_ =	swait.ge [sflag:s14], $0x7D00  }
0x109: {  	[sflag:s14] =	ssyncset.done $0x0  }
0x10a: {  	[sflag:s14] =	ssyncadd.s32 $0xFFFF8300  }
0x10b: {  	_ =	swait.ge [sflag:s9], $0x7D0  }
0x10c: {  	[sflag:s9] =	ssyncset.done $0x0  }
0x10d: {  	[sflag:s9] =	ssyncadd.s32 $0xFFFFF830  }
0x10e: {  	_ =	swait.ge [sflag:s15], $0x7D00  }
0x10f: {  	[sflag:s15] =	ssyncset.done $0x0  }
0x110: {  	[sflag:s15] =	ssyncadd.s32 $0xFFFF8300  }
.Ltmp5:
0x111: {  	_ =	swait.ge [sflag:s13], $0x7D0;
	(pc) =	sbr.rel @!p1 .LBB2_22-.Ltmp5, $3  }
0x112: {  	[sflag:s13] =	ssyncset.done $0x0  }
0x113: {  	[sflag:s13] =	ssyncadd.s32 $0xFFFFF830  }
0x114: {  	[bflag:$0x0] =	sbarrier.arrive $0xFFFF;
	_ =	sdelay $0x1  }
0x115: {  	[tilespmem:s17], [sflag:$0x7] =	stream.linear.gather [spmem:s29], $0x2800, $0x38;
	[tilespmem:$0x1F128] =	vst v63  }
0x116: {  	_ =	swait.ge [sflag:s11], $0x2800  }
0x117: {  	[sflag:s11] =	ssyncset.done $0x0  }
0x118: {  	s7 =	simm.s32 $0x1EEA8;
	[sflag:s11] =	ssyncadd.s32 $0xFFFFD800  }
0x119: {  	[tilespmem:s7], [sflag:$0x7] =	stream.linear.gather [spmem:s30], $0x280, $0x38;
	[tilespmem:$0x1F128] =	vst v63  }
0x11a: {  	_ =	swait.ge [sflag:s11], $0x280  }
0x11b: {  	[sflag:s11] =	ssyncset.done $0x0  }
0x11c: {  	s26 =	simm.s32 $0x0;
	s18 =	rddreg [dreg:$0x18];
	[sflag:s11] =	ssyncadd.s32 $0xFFFFFD80  }
0x11d: {  	[tilespmem:s25], [sflag:$0x7] =	stream.linear.gather [hbm4b:s18+s26], $0x2800, $0x38;
	[tilespmem:$0x1F128] =	vst v63  }
0x11e: {  	_ =	swait.ge [sflag:s11], $0x2800  }
0x11f: {  	[sflag:s11] =	ssyncset.done $0x0  }
0x120: {  	s26 =	simm.s32 $0x0;
	[sflag:s11] =	ssyncadd.s32 $0xFFFFD800  }
0x121: {  	v2 =	vld [tilespmem:s26+$0x1EEA8];
	_ =	sdelay $0x4  }
0x122: {  	s7 =	simm.s32 $0x10;
	v3 =	vmax.f32 v2, $1.000000000e+00  }
0x123: {  	v2 =	vld [tilespmem:s7+$0x1EEA8];
	(erf) = vrcp.f32 v3;
	_ =	sdelay $0x3  }
0x124: {  	s28 =	simm.s32 $0x40;
	s24 =	simm.s32 $0x0;
	s18 =	simm.s32 $0x80  }
.LBB2_28:
0x125: {  	s20 =	sshra.s32 s18, $0x2;
	p2 =	sne.s32 s18, $0x9C0;
	s18 =	sadd.s32 $0x40, s18;
	v3 =	vmax.f32 v2, $1.000000000e+00  }
.Ltmp6:
0x126: {  	v2 =	vld [tilespmem:s20+$0x1EEA8];
	(erf) = vrcp.f32 v3;
	(pc) =	sbr.rel @p2 .LBB2_28-.Ltmp6, $3  }
0x127: {  	_ =	sdelay $0x1  }
0x128: {  	v3 =	vpop (erf)  }
0x129: {  	[tilespmem:s24+$0x1E6D8] =	vst v3;
	s24 =	smov.u32 s7;
	s7 =	smov.u32 s20  }
0x12a: {  	v2 =	vmax.f32 v2, $1.000000000e+00  }
0x12b: {  	(erf) = vrcp.f32 v2;
	_ =	sdelay $0x7  }
0x12c: {  	v2 =	vpop (erf)  }
0x12d: {  	[tilespmem:s24+$0x1E6D8] =	vst v2;
	v2 =	vpop (erf)  }
0x12e: {  	[tilespmem:s7+$0x1E6D8] =	vst v2;
	s7 =	simm.s32 $0x1E6D8  }
0x12f: {  	v2 =	vld.msk [tilespmem:s7+$0x0 ss:$0x0], $0xffff  }
.LBB2_30:
0x130: {  	p2 =	sne.s32 s28, $0x9FC0;
	v3 =	vld [tilespmem:s26+$0xECD8];
	_ =	sdelay $0x1  }
0x131: {  	v4 =	vld [tilespmem:s26+$0x169D8];
	_ =	sdelay $0x2  }
0x132: {  	v2 =	vmul.f32 v2, v3  }
.Ltmp7:
0x133: {  	(pc) =	sbr.rel @p2 .LBB2_30-.Ltmp7, $3  }
0x134: {  	v2 =	vadd.f32 v4, v2;
	_ =	sdelay $0x1  }
0x135: {  	s7 =	sadd.s32 $0x1, s7;
	[tilespmem:s26+$0xECD8] =	vst v2  }
0x136: {  	s26 =	sshra.s32 s28, $0x2;
	s28 =	sadd.s32 $0x40, s28;
	v2 =	vld.msk [tilespmem:s7+$0x0 ss:$0x0], $0xffff  }
0x137: {  	v3 =	vld [tilespmem:s26+$0xECD8];
	_ =	sdelay $0x1  }
0x138: {  	v4 =	vld [tilespmem:s26+$0x169D8];
	_ =	sdelay $0x2  }
0x139: {  	v2 =	vmul.f32 v2, v3;
	_ =	sdelay $0x1  }
0x13a: {  	v2 =	vadd.f32 v4, v2;
	_ =	sdelay $0x1  }
.Ltmp8:
0x13b: {  	s7 =	rddreg [dreg:$0x19];
	[tilespmem:s26+$0xECD8] =	vst v2;
	(pc) =	sbr.rel .LBB2_32-.Ltmp8, $4  }
0x13c: {  	[hbm4b:s7+s5] =	stream.linear.scatter [tilespmem:s17], [sflag:$0x7], $0x2800, $0x38;
	[tilespmem:$0x1F128] =	vst v63  }
0x13d: {  	_ =	swait.ge [sflag:s11], $0x2800  }
0x13e: {  	[sflag:s11] =	ssyncset.done $0x0  }
0x13f: {  	[sflag:s11] =	ssyncadd.s32 $0xFFFFD800  }
.LBB2_2:
0x140: {  	s20 =	rddreg [dreg:$0x7]  }
0x141: {  	[tilespmem:s28], [sflag:$0x3] =	stream.linear.gather [hbm4b:s20+s5], $0x4E20, $0x38;
	[tilespmem:$0x1F128] =	vst v63  }
0x142: {  	s26 =	rddreg [dreg:$0x8]  }
0x143: {  	[tilespmem:s0], [sflag:$0x4] =	stream.linear.gather [hbm4b:s26+s5], $0x4E20, $0x38;
	[tilespmem:$0x1F128] =	vst v63  }
0x144: {  	s20 =	rddreg [dreg:$0xb];
	s26 =	simm.s32 @p1 $0x1FC5  }
0x145: {  	[spmem:s18], [sflag:s26] =	dma.local @p1 [hbm:s20], $0x500  }
0x146: {  	s18 =	rddreg [dreg:$0xa]  }
0x147: {  	[spmem:s7], [sflag:s24] =	dma.local @!p1 [hbm:s18], $0x4E0  }
0x148: {  	s7 =	simm.s32 $0x40;
	s18 =	simm.s32 $0x0  }
.LBB2_3:
0x149: {  	p2 =	sne.s32 s7, $0x9FC0;
	[tilespmem:s18+$0xECD8] =	vst v0;
	s18 =	smov.u32 s7;
	s7 =	sadd.s32 $0x40, s7  }
.Ltmp9:
0x14a: {  	(pc) =	sbr.rel @p2 .LBB2_3-.Ltmp9, $2  }
0x14b: {  	_ =	sdelay $0x2  }
0x14c: {  	s18 =	sshra.s32 s18, $0x2  }
0x14d: {  	[tilespmem:s18+$0xECD8] =	vst v0  }
0x14e: {  	[tilespmem:$0x1EEA8] =	vst v0  }
0x14f: {  	[tilespmem:$0x1EEB8] =	vst v0  }
0x150: {  	[tilespmem:$0x1EEC8] =	vst v0  }
0x151: {  	[tilespmem:$0x1EED8] =	vst v0  }
0x152: {  	[tilespmem:$0x1EEE8] =	vst v0  }
0x153: {  	[tilespmem:$0x1EEF8] =	vst v0  }
0x154: {  	[tilespmem:$0x1EF08] =	vst v0  }
0x155: {  	[tilespmem:$0x1EF18] =	vst v0  }
0x156: {  	[tilespmem:$0x1EF28] =	vst v0  }
0x157: {  	[tilespmem:$0x1EF38] =	vst v0  }
0x158: {  	[tilespmem:$0x1EF48] =	vst v0  }
0x159: {  	[tilespmem:$0x1EF58] =	vst v0  }
0x15a: {  	[tilespmem:$0x1EF68] =	vst v0  }
0x15b: {  	[tilespmem:$0x1EF78] =	vst v0  }
0x15c: {  	[tilespmem:$0x1EF88] =	vst v0  }
0x15d: {  	[tilespmem:$0x1EF98] =	vst v0  }
0x15e: {  	[tilespmem:$0x1EFA8] =	vst v0  }
0x15f: {  	[tilespmem:$0x1EFB8] =	vst v0  }
0x160: {  	[tilespmem:$0x1EFC8] =	vst v0  }
0x161: {  	[tilespmem:$0x1EFD8] =	vst v0  }
0x162: {  	[tilespmem:$0x1EFE8] =	vst v0  }
0x163: {  	[tilespmem:$0x1EFF8] =	vst v0  }
0x164: {  	[tilespmem:$0x1F008] =	vst v0  }
0x165: {  	[tilespmem:$0x1F018] =	vst v0  }
0x166: {  	[tilespmem:$0x1F028] =	vst v0  }
0x167: {  	[tilespmem:$0x1F038] =	vst v0  }
0x168: {  	[tilespmem:$0x1F048] =	vst v0  }
0x169: {  	[tilespmem:$0x1F058] =	vst v0  }
0x16a: {  	[tilespmem:$0x1F068] =	vst v0  }
0x16b: {  	[tilespmem:$0x1F078] =	vst v0  }
0x16c: {  	[tilespmem:$0x1F088] =	vst v0  }
0x16d: {  	[tilespmem:$0x1F098] =	vst v0  }
0x16e: {  	[tilespmem:$0x1F0A8] =	vst v0  }
0x16f: {  	[tilespmem:$0x1F0B8] =	vst v0  }
0x170: {  	[tilespmem:$0x1F0C8] =	vst v0  }
0x171: {  	[tilespmem:$0x1F0D8] =	vst v0  }
0x172: {  	[tilespmem:$0x1F0E8] =	vst v0  }
0x173: {  	[tilespmem:$0x1F0F8] =	vst v0  }
0x174: {  	[tilespmem:$0x1F108] =	vst v0  }
0x175: {  	s7 =	simm.s32 $0x40;
	s18 =	simm.s32 $0x0;
	[tilespmem:$0x1F118] =	vst v0  }
.LBB2_5:
0x176: {  	p2 =	sne.s32 s7, $0x1F00;
	[tilespmem:s18+$0x1E6D8] =	vst v1;
	s18 =	smov.u32 s7;
	s7 =	sadd.s32 $0x40, s7  }
.Ltmp10:
0x177: {  	(pc) =	sbr.rel @p2 .LBB2_5-.Ltmp10, $2  }
0x178: {  	_ =	sdelay $0x2  }
0x179: {  	s18 =	sshra.s32 s18, $0x2  }
0x17a: {  	[tilespmem:s18+$0x1E6D8] =	vst v1;
	s7 =	simm.s32 @p1 $0xECD8  }
0x17b: {  	[spmem:s29] =	stream.linear.scatter @p1 [tilespmem:s7], [sflag:$0x7], $0x2800, $0x38;
	[tilespmem:$0x1F128] =	vst v63  }
0x17c: {  	s7 =	simm.s32 @p1 $0x7  }
0x17d: {  	_ =	swait.ge @p1 [sflag:s7], $0x2800  }
0x17e: {  	[sflag:s7] =	ssyncset.done @p1 $0x0  }
0x17f: {  	s18 =	simm.s32 @p1 $0x1EEA8;
	[sflag:s7] =	ssyncadd.s32 @p1 $0xFFFFD800  }
0x180: {  	[spmem:s30] =	stream.linear.scatter @p1 [tilespmem:s18], [sflag:$0x7], $0x280, $0x38;
	[tilespmem:$0x1F128] =	vst v63  }
0x181: {  	_ =	swait.ge @p1 [sflag:s7], $0x280  }
0x182: {  	[sflag:s7] =	ssyncset.done @p1 $0x0  }
0x183: {  	s18 =	rddreg [dreg:$0xc];
	[sflag:s7] =	ssyncadd.s32 @p1 $0xFFFFFD80;
	s7 =	simm.s32 @!p1 $0xECD8  }
0x184: {  	[spmem:s18] =	stream.linear.scatter @!p1 [tilespmem:s7], [sflag:$0x7], $0x2700, $0x38;
	[tilespmem:$0x1F128] =	vst v63  }
0x185: {  	s7 =	simm.s32 @!p1 $0x7  }
0x186: {  	_ =	swait.ge @!p1 [sflag:s7], $0x2700  }
0x187: {  	[sflag:s7] =	ssyncset.done @!p1 $0x0  }
0x188: {  	s18 =	simm.s32 @!p1 $0x1EEA8;
	[sflag:s7] =	ssyncadd.s32 @!p1 $0xFFFFD900  }
0x189: {  	[spmem:s12] =	stream.linear.scatter @!p1 [tilespmem:s18], [sflag:$0x7], $0x270, $0x38;
	[tilespmem:$0x1F128] =	vst v63  }
0x18a: {  	_ =	swait.ge @!p1 [sflag:s7], $0x270  }
0x18b: {  	[sflag:s7] =	ssyncset.done @!p1 $0x0  }
0x18c: {  	[sflag:s7] =	ssyncadd.s32 @!p1 $0xFFFFFD90  }
0x18d: {  	_ =	swait.ge [sflag:s14], $0x4E20  }
0x18e: {  	[sflag:s14] =	ssyncset.done $0x0  }
0x18f: {  	[sflag:s14] =	ssyncadd.s32 $0xFFFFB1E0  }
0x190: {  	_ =	swait.ge [sflag:s15], $0x4E20  }
0x191: {  	[sflag:s15] =	ssyncset.done $0x0  }
0x192: {  	s7 =	simm.s32 @p1 $0x5;
	[sflag:s15] =	ssyncadd.s32 $0xFFFFB1E0  }
0x193: {  	_ =	swait.ge @p1 [sflag:s7], $0x500  }
0x194: {  	[sflag:s7] =	ssyncset.done @p1 $0x0  }
0x195: {  	[sflag:s7] =	ssyncadd.s32 @p1 $0xFFFFFB00;
	s7 =	simm.s32 @!p1 $0x5  }
0x196: {  	_ =	swait.ge @!p1 [sflag:s7], $0x4E0  }
0x197: {  	[sflag:s7] =	ssyncset.done @!p1 $0x0  }
0x198: {  	[sflag:s7] =	ssyncadd.s32 @!p1 $0xFFFFFB20  }
0x199: {  	[bflag:$0x0] =	sbarrier.arrive $0xFFFF  }
0x19a: {  	[tilespmem:s17], [sflag:$0x1] =	stream.indirect.gather [spmem:s1], $0x10, s28, s16, $0xb8;
	[tilespmem:$0x1F128] =	vst v63  }
0x19b: {  	_ =	swait.ge [sflag:s22], $0x7D00  }
0x19c: {  	[sflag:s22] =	ssyncset.done $0x0  }
0x19d: {  	[sflag:s22] =	ssyncadd.s32 $0xFFFF8300  }
0x19e: {  	[spmem:s2] =	stream.indirect.scatter.add.f32 [tilespmem:s17], [sflag:$0x3], $0x10, s0, s16, $0xb8;
	[tilespmem:$0x1F128] =	vst v63  }
0x19f: {  	_ = 	snop  }
0x1a0: {  	[spmem:s4] =	stream.indirect.scatter.add.f32 [tilespmem:s23], [sflag:$0x5], $0x1, s0, s16, $0xb8;
	[tilespmem:$0x1F128] =	vst v63  }
0x1a1: {  	s24 =	simm.s32 $0x5868  }
0x1a2: {  	[tilespmem:s25], [sflag:$0x2] =	stream.indirect.gather [spmem:s1], $0x10, s24, s16, $0xb8;
	[tilespmem:$0x1F128] =	vst v63  }
0x1a3: {  	_ =	swait.ge [sflag:s6], $0x7D00  }
0x1a4: {  	[sflag:s6] =	ssyncset.done $0x0  }
0x1a5: {  	s26 =	simm.s32 $0xA688;
	[sflag:s6] =	ssyncadd.s32 $0xFFFF8300  }
0x1a6: {  	[spmem:s2] =	stream.indirect.scatter.add.f32 [tilespmem:s25], [sflag:$0x4], $0x10, s26, s16, $0xb8;
	[tilespmem:$0x1F128] =	vst v63  }
0x1a7: {  	_ = 	snop  }
0x1a8: {  	[spmem:s4] =	stream.indirect.scatter.add.f32 [tilespmem:s23], [sflag:$0x6], $0x1, s26, s16, $0xb8;
	[tilespmem:$0x1F128] =	vst v63  }
0x1a9: {  	_ =	swait.ge [sflag:s14], $0x7D00  }
0x1aa: {  	[sflag:s14] =	ssyncset.done $0x0  }
0x1ab: {  	[sflag:s14] =	ssyncadd.s32 $0xFFFF8300  }
0x1ac: {  	_ =	swait.ge [sflag:s9], $0x7D0  }
0x1ad: {  	[sflag:s9] =	ssyncset.done $0x0  }
0x1ae: {  	s28 =	simm.s32 $0x6038;
	[sflag:s9] =	ssyncadd.s32 $0xFFFFF830  }
0x1af: {  	[tilespmem:s17], [sflag:$0x1] =	stream.indirect.gather [spmem:s1], $0x10, s28, s16, $0xb8;
	[tilespmem:$0x1F128] =	vst v63  }
0x1b0: {  	_ =	swait.ge [sflag:s22], $0x7D00  }
0x1b1: {  	[sflag:s22] =	ssyncset.done $0x0  }
0x1b2: {  	s18 =	simm.s32 $0xAE58;
	[sflag:s22] =	ssyncadd.s32 $0xFFFF8300  }
0x1b3: {  	[spmem:s2] =	stream.indirect.scatter.add.f32 [tilespmem:s17], [sflag:$0x3], $0x10, s18, s16, $0xb8;
	[tilespmem:$0x1F128] =	vst v63  }
0x1b4: {  	_ = 	snop  }
0x1b5: {  	[spmem:s4] =	stream.indirect.scatter.add.f32 [tilespmem:s23], [sflag:$0x5], $0x1, s18, s16, $0xb8;
	[tilespmem:$0x1F128] =	vst v63  }
0x1b6: {  	_ =	swait.ge [sflag:s15], $0x7D00  }
0x1b7: {  	[sflag:s15] =	ssyncset.done $0x0  }
0x1b8: {  	[sflag:s15] =	ssyncadd.s32 $0xFFFF8300  }
0x1b9: {  	_ =	swait.ge [sflag:s13], $0x7D0  }
0x1ba: {  	[sflag:s13] =	ssyncset.done $0x0  }
0x1bb: {  	s20 =	simm.s32 $0x6808;
	[sflag:s13] =	ssyncadd.s32 $0xFFFFF830  }
0x1bc: {  	[tilespmem:s25], [sflag:$0x2] =	stream.indirect.gather [spmem:s1], $0x10, s20, s16, $0xb8;
	[tilespmem:$0x1F128] =	vst v63  }
0x1bd: {  	_ =	swait.ge [sflag:s6], $0x7D00  }
0x1be: {  	[sflag:s6] =	ssyncset.done $0x0  }
0x1bf: {  	s24 =	simm.s32 $0xB628;
	[sflag:s6] =	ssyncadd.s32 $0xFFFF8300  }
0x1c0: {  	[spmem:s2] =	stream.indirect.scatter.add.f32 [tilespmem:s25], [sflag:$0x4], $0x10, s24, s16, $0xb8;
	[tilespmem:$0x1F128] =	vst v63  }
0x1c1: {  	_ = 	snop  }
0x1c2: {  	[spmem:s4] =	stream.indirect.scatter.add.f32 [tilespmem:s23], [sflag:$0x6], $0x1, s24, s16, $0xb8;
	[tilespmem:$0x1F128] =	vst v63  }
0x1c3: {  	_ =	swait.ge [sflag:s14], $0x7D00  }
0x1c4: {  	[sflag:s14] =	ssyncset.done $0x0  }
0x1c5: {  	[sflag:s14] =	ssyncadd.s32 $0xFFFF8300  }
0x1c6: {  	_ =	swait.ge [sflag:s9], $0x7D0  }
0x1c7: {  	[sflag:s9] =	ssyncset.done $0x0  }
0x1c8: {  	s26 =	simm.s32 $0x6FD8;
	[sflag:s9] =	ssyncadd.s32 $0xFFFFF830  }
0x1c9: {  	[tilespmem:s17], [sflag:$0x1] =	stream.indirect.gather [spmem:s1], $0x10, s26, s16, $0xb8;
	[tilespmem:$0x1F128] =	vst v63  }
0x1ca: {  	_ =	swait.ge [sflag:s22], $0x7D00  }
0x1cb: {  	[sflag:s22] =	ssyncset.done $0x0  }
0x1cc: {  	s28 =	simm.s32 $0xBDF8;
	[sflag:s22] =	ssyncadd.s32 $0xFFFF8300  }
0x1cd: {  	[spmem:s2] =	stream.indirect.scatter.add.f32 [tilespmem:s17], [sflag:$0x3], $0x10, s28, s16, $0xb8;
	[tilespmem:$0x1F128] =	vst v63  }
0x1ce: {  	_ = 	snop  }
0x1cf: {  	[spmem:s4] =	stream.indirect.scatter.add.f32 [tilespmem:s23], [sflag:$0x5], $0x1, s28, s16, $0xb8;
	[tilespmem:$0x1F128] =	vst v63  }
0x1d0: {  	_ =	swait.ge [sflag:s15], $0x7D00  }
0x1d1: {  	[sflag:s15] =	ssyncset.done $0x0  }
0x1d2: {  	[sflag:s15] =	ssyncadd.s32 $0xFFFF8300  }
0x1d3: {  	_ =	swait.ge [sflag:s13], $0x7D0  }
0x1d4: {  	[sflag:s13] =	ssyncset.done $0x0  }
0x1d5: {  	s18 =	simm.s32 $0x77A8;
	[sflag:s13] =	ssyncadd.s32 $0xFFFFF830  }
0x1d6: {  	[tilespmem:s25], [sflag:$0x2] =	stream.indirect.gather [spmem:s1], $0x10, s18, s16, $0xb8;
	[tilespmem:$0x1F128] =	vst v63  }
0x1d7: {  	_ =	swait.ge [sflag:s6], $0x7D00  }
0x1d8: {  	[sflag:s6] =	ssyncset.done $0x0  }
0x1d9: {  	[sflag:s6] =	ssyncadd.s32 $0xFFFF8300  }
0x1da: {  	[spmem:s2] =	stream.indirect.scatter.add.f32 [tilespmem:s25], [sflag:$0x4], $0x10, s21, s16, $0xb8;
	[tilespmem:$0x1F128] =	vst v63  }
0x1db: {  	_ = 	snop  }
0x1dc: {  	[spmem:s4] =	stream.indirect.scatter.add.f32 [tilespmem:s23], [sflag:$0x6], $0x1, s21, s16, $0xb8;
	[tilespmem:$0x1F128] =	vst v63  }
0x1dd: {  	_ =	swait.ge [sflag:s14], $0x7D00  }
0x1de: {  	[sflag:s14] =	ssyncset.done $0x0  }
0x1df: {  	[sflag:s14] =	ssyncadd.s32 $0xFFFF8300  }
0x1e0: {  	_ =	swait.ge [sflag:s9], $0x7D0  }
0x1e1: {  	[sflag:s9] =	ssyncset.done $0x0  }
0x1e2: {  	s20 =	simm.s32 $0x7F78;
	[sflag:s9] =	ssyncadd.s32 $0xFFFFF830  }
0x1e3: {  	[tilespmem:s17], [sflag:$0x1] =	stream.indirect.gather [spmem:s1], $0x10, s20, s16, $0xb8;
	[tilespmem:$0x1F128] =	vst v63  }
0x1e4: {  	_ =	swait.ge [sflag:s22], $0x7D00  }
0x1e5: {  	[sflag:s22] =	ssyncset.done $0x0  }
0x1e6: {  	[sflag:s22] =	ssyncadd.s32 $0xFFFF8300  }
0x1e7: {  	[spmem:s2] =	stream.indirect.scatter.add.f32 [tilespmem:s17], [sflag:$0x3], $0x10, s10, s16, $0xb8;
	[tilespmem:$0x1F128] =	vst v63  }
0x1e8: {  	_ = 	snop  }
0x1e9: {  	[spmem:s4] =	stream.indirect.scatter.add.f32 [tilespmem:s23], [sflag:$0x5], $0x1, s10, s16, $0xb8;
	[tilespmem:$0x1F128] =	vst v63  }
0x1ea: {  	_ =	swait.ge [sflag:s15], $0x7D00  }
0x1eb: {  	[sflag:s15] =	ssyncset.done $0x0  }
0x1ec: {  	[sflag:s15] =	ssyncadd.s32 $0xFFFF8300  }
0x1ed: {  	_ =	swait.ge [sflag:s13], $0x7D0  }
0x1ee: {  	[sflag:s13] =	ssyncset.done $0x0  }
0x1ef: {  	s24 =	simm.s32 $0x8748;
	[sflag:s13] =	ssyncadd.s32 $0xFFFFF830  }
0x1f0: {  	[tilespmem:s25], [sflag:$0x2] =	stream.indirect.gather [spmem:s1], $0x10, s24, s16, $0xb8;
	[tilespmem:$0x1F128] =	vst v63  }
0x1f1: {  	_ =	swait.ge [sflag:s6], $0x7D00  }
0x1f2: {  	[sflag:s6] =	ssyncset.done $0x0  }
0x1f3: {  	[sflag:s6] =	ssyncadd.s32 $0xFFFF8300  }
0x1f4: {  	[spmem:s2] =	stream.indirect.scatter.add.f32 [tilespmem:s25], [sflag:$0x4], $0x10, s19, s16, $0xb8;
	[tilespmem:$0x1F128] =	vst v63  }
0x1f5: {  	_ = 	snop  }
0x1f6: {  	[spmem:s4] =	stream.indirect.scatter.add.f32 [tilespmem:s23], [sflag:$0x6], $0x1, s19, s16, $0xb8;
	[tilespmem:$0x1F128] =	vst v63  }
0x1f7: {  	_ =	swait.ge [sflag:s14], $0x7D00  }
0x1f8: {  	[sflag:s14] =	ssyncset.done $0x0  }
0x1f9: {  	[sflag:s14] =	ssyncadd.s32 $0xFFFF8300  }
0x1fa: {  	_ =	swait.ge [sflag:s9], $0x7D0  }
0x1fb: {  	[sflag:s9] =	ssyncset.done $0x0  }
0x1fc: {  	s26 =	simm.s32 $0x8F18;
	[sflag:s9] =	ssyncadd.s32 $0xFFFFF830  }
0x1fd: {  	[tilespmem:s17], [sflag:$0x1] =	stream.indirect.gather [spmem:s1], $0x10, s26, s16, $0xb8;
	[tilespmem:$0x1F128] =	vst v63  }
0x1fe: {  	_ =	swait.ge [sflag:s22], $0x7D00  }
0x1ff: {  	[sflag:s22] =	ssyncset.done $0x0  }
0x200: {  	[sflag:s22] =	ssyncadd.s32 $0xFFFF8300  }
0x201: {  	[spmem:s2] =	stream.indirect.scatter.add.f32 [tilespmem:s17], [sflag:$0x3], $0x10, s3, s16, $0xb8;
	[tilespmem:$0x1F128] =	vst v63  }
0x202: {  	_ = 	snop  }
0x203: {  	[spmem:s4] =	stream.indirect.scatter.add.f32 [tilespmem:s23], [sflag:$0x5], $0x1, s3, s16, $0xb8;
	[tilespmem:$0x1F128] =	vst v63  }
0x204: {  	_ =	swait.ge [sflag:s15], $0x7D00  }
0x205: {  	[sflag:s15] =	ssyncset.done $0x0  }
0x206: {  	[sflag:s15] =	ssyncadd.s32 $0xFFFF8300  }
0x207: {  	_ =	swait.ge [sflag:s13], $0x7D0  }
0x208: {  	[sflag:s13] =	ssyncset.done $0x0  }
0x209: {  	s28 =	simm.s32 $0x96E8;
	[sflag:s13] =	ssyncadd.s32 $0xFFFFF830  }
0x20a: {  	[tilespmem:s25], [sflag:$0x2] =	stream.indirect.gather [spmem:s1], $0x10, s28, s16, $0xb8;
	[tilespmem:$0x1F128] =	vst v63  }
0x20b: {  	_ =	swait.ge [sflag:s6], $0x7D00  }
0x20c: {  	[sflag:s6] =	ssyncset.done $0x0  }
0x20d: {  	[sflag:s6] =	ssyncadd.s32 $0xFFFF8300  }
0x20e: {  	[spmem:s2] =	stream.indirect.scatter.add.f32 [tilespmem:s25], [sflag:$0x4], $0x10, s8, s16, $0xb8;
	[tilespmem:$0x1F128] =	vst v63  }
0x20f: {  	_ = 	snop  }
0x210: {  	[spmem:s4] =	stream.indirect.scatter.add.f32 [tilespmem:s23], [sflag:$0x6], $0x1, s8, s16, $0xb8;
	[tilespmem:$0x1F128] =	vst v63  }
0x211: {  	_ =	swait.ge [sflag:s14], $0x7D00  }
0x212: {  	[sflag:s14] =	ssyncset.done $0x0  }
0x213: {  	[sflag:s14] =	ssyncadd.s32 $0xFFFF8300  }
0x214: {  	_ =	swait.ge [sflag:s9], $0x7D0  }
0x215: {  	[sflag:s9] =	ssyncset.done $0x0  }
0x216: {  	[sflag:s9] =	ssyncadd.s32 $0xFFFFF830  }
0x217: {  	_ =	swait.ge [sflag:s15], $0x7D00  }
0x218: {  	[sflag:s15] =	ssyncset.done $0x0  }
0x219: {  	[sflag:s15] =	ssyncadd.s32 $0xFFFF8300  }
.Ltmp11:
0x21a: {  	_ =	swait.ge [sflag:s13], $0x7D0;
	(pc) =	sbr.rel @!p1 .LBB2_7-.Ltmp11, $3  }
0x21b: {  	[sflag:s13] =	ssyncset.done $0x0  }
0x21c: {  	[sflag:s13] =	ssyncadd.s32 $0xFFFFF830  }
0x21d: {  	[bflag:$0x0] =	sbarrier.arrive $0xFFFF;
	_ =	sdelay $0x1  }
0x21e: {  	[tilespmem:s17], [sflag:$0x7] =	stream.linear.gather [spmem:s29], $0x2800, $0x38;
	[tilespmem:$0x1F128] =	vst v63  }
0x21f: {  	_ =	swait.ge [sflag:s11], $0x2800  }
0x220: {  	[sflag:s11] =	ssyncset.done $0x0  }
0x221: {  	s7 =	simm.s32 $0x1EEA8;
	[sflag:s11] =	ssyncadd.s32 $0xFFFFD800  }
0x222: {  	[tilespmem:s7], [sflag:$0x7] =	stream.linear.gather [spmem:s30], $0x280, $0x38;
	[tilespmem:$0x1F128] =	vst v63  }
0x223: {  	_ =	swait.ge [sflag:s11], $0x280  }
0x224: {  	[sflag:s11] =	ssyncset.done $0x0  }
0x225: {  	s26 =	simm.s32 $0x0;
	s18 =	rddreg [dreg:$0x10];
	[sflag:s11] =	ssyncadd.s32 $0xFFFFFD80  }
0x226: {  	[tilespmem:s25], [sflag:$0x7] =	stream.linear.gather [hbm4b:s18+s26], $0x2800, $0x38;
	[tilespmem:$0x1F128] =	vst v63  }
0x227: {  	_ =	swait.ge [sflag:s11], $0x2800  }
0x228: {  	[sflag:s11] =	ssyncset.done $0x0  }
0x229: {  	s26 =	simm.s32 $0x0;
	[sflag:s11] =	ssyncadd.s32 $0xFFFFD800  }
0x22a: {  	v2 =	vld [tilespmem:s26+$0x1EEA8];
	_ =	sdelay $0x4  }
0x22b: {  	s7 =	simm.s32 $0x10;
	v3 =	vmax.f32 v2, $1.000000000e+00  }
0x22c: {  	v2 =	vld [tilespmem:s7+$0x1EEA8];
	(erf) = vrcp.f32 v3;
	_ =	sdelay $0x3  }
0x22d: {  	s28 =	simm.s32 $0x40;
	s24 =	simm.s32 $0x0;
	s18 =	simm.s32 $0x80  }
.LBB2_13:
0x22e: {  	s20 =	sshra.s32 s18, $0x2;
	p2 =	sne.s32 s18, $0x9C0;
	s18 =	sadd.s32 $0x40, s18;
	v3 =	vmax.f32 v2, $1.000000000e+00  }
.Ltmp12:
0x22f: {  	v2 =	vld [tilespmem:s20+$0x1EEA8];
	(erf) = vrcp.f32 v3;
	(pc) =	sbr.rel @p2 .LBB2_13-.Ltmp12, $3  }
0x230: {  	_ =	sdelay $0x1  }
0x231: {  	v3 =	vpop (erf)  }
0x232: {  	[tilespmem:s24+$0x1E6D8] =	vst v3;
	s24 =	smov.u32 s7;
	s7 =	smov.u32 s20  }
0x233: {  	v2 =	vmax.f32 v2, $1.000000000e+00  }
0x234: {  	(erf) = vrcp.f32 v2;
	_ =	sdelay $0x7  }
0x235: {  	v2 =	vpop (erf)  }
0x236: {  	[tilespmem:s24+$0x1E6D8] =	vst v2;
	v2 =	vpop (erf)  }
0x237: {  	[tilespmem:s7+$0x1E6D8] =	vst v2;
	s7 =	simm.s32 $0x1E6D8  }
0x238: {  	v2 =	vld.msk [tilespmem:s7+$0x0 ss:$0x0], $0xffff  }
.LBB2_15:
0x239: {  	p2 =	sne.s32 s28, $0x9FC0;
	v3 =	vld [tilespmem:s26+$0xECD8];
	_ =	sdelay $0x1  }
0x23a: {  	v4 =	vld [tilespmem:s26+$0x169D8];
	_ =	sdelay $0x2  }
0x23b: {  	v2 =	vmul.f32 v2, v3  }
.Ltmp13:
0x23c: {  	(pc) =	sbr.rel @p2 .LBB2_15-.Ltmp13, $3  }
0x23d: {  	v2 =	vadd.f32 v4, v2;
	_ =	sdelay $0x1  }
0x23e: {  	s7 =	sadd.s32 $0x1, s7;
	[tilespmem:s26+$0xECD8] =	vst v2  }
0x23f: {  	s26 =	sshra.s32 s28, $0x2;
	s28 =	sadd.s32 $0x40, s28;
	v2 =	vld.msk [tilespmem:s7+$0x0 ss:$0x0], $0xffff  }
0x240: {  	v3 =	vld [tilespmem:s26+$0xECD8];
	_ =	sdelay $0x1  }
0x241: {  	v4 =	vld [tilespmem:s26+$0x169D8];
	_ =	sdelay $0x2  }
0x242: {  	v2 =	vmul.f32 v2, v3;
	_ =	sdelay $0x1  }
0x243: {  	v2 =	vadd.f32 v4, v2;
	_ =	sdelay $0x1  }
.Ltmp14:
0x244: {  	s7 =	rddreg [dreg:$0x11];
	[tilespmem:s26+$0xECD8] =	vst v2;
	(pc) =	sbr.rel .LBB2_32-.Ltmp14, $4  }
0x245: {  	[hbm4b:s7+s5] =	stream.linear.scatter [tilespmem:s17], [sflag:$0x7], $0x2800, $0x38;
	[tilespmem:$0x1F128] =	vst v63  }
0x246: {  	_ =	swait.ge [sflag:s11], $0x2800  }
0x247: {  	[sflag:s11] =	ssyncset.done $0x0  }
0x248: {  	[sflag:s11] =	ssyncadd.s32 $0xFFFFD800  }
.LBB2_22:
0x249: {  	s7 =	rddreg [dreg:$0xd]  }
0x24a: {  	[tilespmem:s17], [sflag:$0x7] =	stream.linear.gather [spmem:s7], $0x2700, $0x38;
	[tilespmem:$0x1F128] =	vst v63  }
0x24b: {  	_ =	swait.ge [sflag:s11], $0x2700  }
0x24c: {  	[sflag:s11] =	ssyncset.done $0x0  }
0x24d: {  	s24 =	simm.s32 $0x1EEA8;
	[sflag:s11] =	ssyncadd.s32 $0xFFFFD900  }
0x24e: {  	[tilespmem:s24], [sflag:$0x7] =	stream.linear.gather [spmem:s12], $0x270, $0x38;
	[tilespmem:$0x1F128] =	vst v63  }
0x24f: {  	_ =	swait.ge [sflag:s11], $0x270  }
0x250: {  	[sflag:s11] =	ssyncset.done $0x0  }
0x251: {  	s26 =	simm.s32 $0x0;
	s18 =	rddreg [dreg:$0x16];
	[sflag:s11] =	ssyncadd.s32 $0xFFFFFD90  }
0x252: {  	[tilespmem:s25], [sflag:$0x7] =	stream.linear.gather [hbm4b:s18+s26], $0x2700, $0x38;
	[tilespmem:$0x1F128] =	vst v63  }
0x253: {  	_ =	swait.ge [sflag:s11], $0x2700  }
0x254: {  	[sflag:s11] =	ssyncset.done $0x0  }
0x255: {  	s26 =	simm.s32 $0x0;
	[sflag:s11] =	ssyncadd.s32 $0xFFFFD900  }
0x256: {  	v2 =	vld [tilespmem:s26+$0x1EEA8];
	_ =	sdelay $0x4  }
0x257: {  	s7 =	simm.s32 $0x10;
	v3 =	vmax.f32 v2, $1.000000000e+00  }
0x258: {  	v2 =	vld [tilespmem:s7+$0x1EEA8];
	(erf) = vrcp.f32 v3;
	_ =	sdelay $0x3  }
0x259: {  	s28 =	simm.s32 $0x40;
	s24 =	simm.s32 $0x0;
	s18 =	simm.s32 $0x80  }
.LBB2_23:
0x25a: {  	s20 =	sshra.s32 s18, $0x2;
	p2 =	sne.s32 s18, $0x980;
	s18 =	sadd.s32 $0x40, s18;
	v3 =	vmax.f32 v2, $1.000000000e+00  }
.Ltmp15:
0x25b: {  	v2 =	vld [tilespmem:s20+$0x1EEA8];
	(erf) = vrcp.f32 v3;
	(pc) =	sbr.rel @p2 .LBB2_23-.Ltmp15, $3  }
0x25c: {  	_ =	sdelay $0x1  }
0x25d: {  	v3 =	vpop (erf)  }
0x25e: {  	[tilespmem:s24+$0x1E6D8] =	vst v3;
	s24 =	smov.u32 s7;
	s7 =	smov.u32 s20  }
0x25f: {  	v2 =	vmax.f32 v2, $1.000000000e+00  }
0x260: {  	(erf) = vrcp.f32 v2;
	_ =	sdelay $0x7  }
0x261: {  	v2 =	vpop (erf)  }
0x262: {  	[tilespmem:s24+$0x1E6D8] =	vst v2;
	v2 =	vpop (erf)  }
0x263: {  	[tilespmem:s7+$0x1E6D8] =	vst v2;
	s7 =	simm.s32 $0x1E6D8  }
0x264: {  	v2 =	vld.msk [tilespmem:s7+$0x0 ss:$0x0], $0xffff  }
.LBB2_25:
0x265: {  	p2 =	sne.s32 s28, $0x9BC0;
	v3 =	vld [tilespmem:s26+$0xECD8];
	_ =	sdelay $0x1  }
0x266: {  	v4 =	vld [tilespmem:s26+$0x169D8];
	_ =	sdelay $0x2  }
0x267: {  	v2 =	vmul.f32 v2, v3  }
.Ltmp16:
0x268: {  	(pc) =	sbr.rel @p2 .LBB2_25-.Ltmp16, $3  }
0x269: {  	v2 =	vadd.f32 v4, v2;
	_ =	sdelay $0x1  }
0x26a: {  	s7 =	sadd.s32 $0x1, s7;
	[tilespmem:s26+$0xECD8] =	vst v2  }
0x26b: {  	s26 =	sshra.s32 s28, $0x2;
	s28 =	sadd.s32 $0x40, s28;
	v2 =	vld.msk [tilespmem:s7+$0x0 ss:$0x0], $0xffff  }
0x26c: {  	v3 =	vld [tilespmem:s26+$0xECD8];
	_ =	sdelay $0x1  }
0x26d: {  	v4 =	vld [tilespmem:s26+$0x169D8];
	_ =	sdelay $0x2  }
0x26e: {  	v2 =	vmul.f32 v2, v3;
	_ =	sdelay $0x1  }
0x26f: {  	v2 =	vadd.f32 v4, v2;
	_ =	sdelay $0x1  }
.Ltmp17:
0x270: {  	s7 =	rddreg [dreg:$0x17];
	[tilespmem:s26+$0xECD8] =	vst v2;
	(pc) =	sbr.rel .LBB2_32-.Ltmp17, $4  }
0x271: {  	[hbm4b:s7+s5] =	stream.linear.scatter [tilespmem:s17], [sflag:$0x7], $0x2700, $0x38;
	[tilespmem:$0x1F128] =	vst v63  }
0x272: {  	_ =	swait.ge [sflag:s11], $0x2700  }
0x273: {  	[sflag:s11] =	ssyncset.done $0x0  }
0x274: {  	[sflag:s11] =	ssyncadd.s32 $0xFFFFD900  }
.LBB2_7:
0x275: {  	s7 =	rddreg [dreg:$0xd]  }
0x276: {  	[tilespmem:s17], [sflag:$0x7] =	stream.linear.gather [spmem:s7], $0x2700, $0x38;
	[tilespmem:$0x1F128] =	vst v63  }
0x277: {  	_ =	swait.ge [sflag:s11], $0x2700  }
0x278: {  	[sflag:s11] =	ssyncset.done $0x0  }
0x279: {  	s24 =	simm.s32 $0x1EEA8;
	[sflag:s11] =	ssyncadd.s32 $0xFFFFD900  }
0x27a: {  	[tilespmem:s24], [sflag:$0x7] =	stream.linear.gather [spmem:s12], $0x270, $0x38;
	[tilespmem:$0x1F128] =	vst v63  }
0x27b: {  	_ =	swait.ge [sflag:s11], $0x270  }
0x27c: {  	[sflag:s11] =	ssyncset.done $0x0  }
0x27d: {  	s26 =	simm.s32 $0x0;
	s18 =	rddreg [dreg:$0xe];
	[sflag:s11] =	ssyncadd.s32 $0xFFFFFD90  }
0x27e: {  	[tilespmem:s25], [sflag:$0x7] =	stream.linear.gather [hbm4b:s18+s26], $0x2700, $0x38;
	[tilespmem:$0x1F128] =	vst v63  }
0x27f: {  	_ =	swait.ge [sflag:s11], $0x2700  }
0x280: {  	[sflag:s11] =	ssyncset.done $0x0  }
0x281: {  	s26 =	simm.s32 $0x0;
	[sflag:s11] =	ssyncadd.s32 $0xFFFFD900  }
0x282: {  	v2 =	vld [tilespmem:s26+$0x1EEA8];
	_ =	sdelay $0x4  }
0x283: {  	s7 =	simm.s32 $0x10;
	v3 =	vmax.f32 v2, $1.000000000e+00  }
0x284: {  	v2 =	vld [tilespmem:s7+$0x1EEA8];
	(erf) = vrcp.f32 v3;
	_ =	sdelay $0x3  }
0x285: {  	s28 =	simm.s32 $0x40;
	s24 =	simm.s32 $0x0;
	s18 =	simm.s32 $0x80  }
.LBB2_8:
0x286: {  	s20 =	sshra.s32 s18, $0x2;
	p2 =	sne.s32 s18, $0x980;
	s18 =	sadd.s32 $0x40, s18;
	v3 =	vmax.f32 v2, $1.000000000e+00  }
.Ltmp18:
0x287: {  	v2 =	vld [tilespmem:s20+$0x1EEA8];
	(erf) = vrcp.f32 v3;
	(pc) =	sbr.rel @p2 .LBB2_8-.Ltmp18, $3  }
0x288: {  	_ =	sdelay $0x1  }
0x289: {  	v3 =	vpop (erf)  }
0x28a: {  	[tilespmem:s24+$0x1E6D8] =	vst v3;
	s24 =	smov.u32 s7;
	s7 =	smov.u32 s20  }
0x28b: {  	v2 =	vmax.f32 v2, $1.000000000e+00  }
0x28c: {  	(erf) = vrcp.f32 v2;
	_ =	sdelay $0x7  }
0x28d: {  	v2 =	vpop (erf)  }
0x28e: {  	[tilespmem:s24+$0x1E6D8] =	vst v2;
	v2 =	vpop (erf)  }
0x28f: {  	[tilespmem:s7+$0x1E6D8] =	vst v2;
	s7 =	simm.s32 $0x1E6D8  }
0x290: {  	v2 =	vld.msk [tilespmem:s7+$0x0 ss:$0x0], $0xffff  }
.LBB2_10:
0x291: {  	p2 =	sne.s32 s28, $0x9BC0;
	v3 =	vld [tilespmem:s26+$0xECD8];
	_ =	sdelay $0x1  }
0x292: {  	v4 =	vld [tilespmem:s26+$0x169D8];
	_ =	sdelay $0x2  }
0x293: {  	v2 =	vmul.f32 v2, v3  }
.Ltmp19:
0x294: {  	(pc) =	sbr.rel @p2 .LBB2_10-.Ltmp19, $3  }
0x295: {  	v2 =	vadd.f32 v4, v2;
	_ =	sdelay $0x1  }
0x296: {  	s7 =	sadd.s32 $0x1, s7;
	[tilespmem:s26+$0xECD8] =	vst v2  }
0x297: {  	s26 =	sshra.s32 s28, $0x2;
	s28 =	sadd.s32 $0x40, s28;
	v2 =	vld.msk [tilespmem:s7+$0x0 ss:$0x0], $0xffff  }
.Ltmp20:
0x298: {  	_ = 	snop;
	(pc) =	sbr.rel .LBB2_11-.Ltmp20, $1  }
0x299: {  	_ =	sdelay $0x3  }
.LBB2_33:
0x29a: {  	_ =	sfence.sel $0x180000  }
0x29b: {  	[bflag:$0x0] =	sbarrier.arrive $0xFFFF  }
0x29c: {  	_ =	strace $0x90000047  }
0x29d: {  	s0 =	stileid.u32;
	[bflag:$0x2] =	sbarrier.arrive $0xFFFF  }
0x29e: {  	p0 =	sne.s32 s0, $0x0;
	s0 =	rddreg [dreg:$0x6]  }
0x29f: {  	s0 =	sadd.s32 @!p0 $0x100000, s0  }
0x2a0: {  	[sflag:s0] =	ssyncadd.tile.s32 @!p0 $0x1;
	_ =	shalt  }
.Lfunc_end2:
_tile_overlayer_lowered:
.L_overlay_start_2:
0x2a1: {  	(tag) =	ssettag $0x2  }
0x2a2: {  	s0 =	rddreg [dreg:$0x0];
	s2 =	stileid.u32  }
0x2a3: {  	s1 =	rddreg [dreg:$0x1];
	p0 =	sne.s32 s2, $0x0  }
0x2a4: {  	s3 =	rddreg [dreg:$0x2];
	[bflag:$0x3] =	sbarrier.arrive $0xFFFF;
	s2 =	simm.s32 @!p0 $0x1C07  }
0x2a5: {  	[timem:s3], [sflag:s2] =	dma.local @!p0 [hbm:s0], s1  }
0x2a6: {  	s0 =	simm.s32 @!p0 $0x7  }
0x2a7: {  	_ =	swait.ge @!p0 [sflag:s0], s1  }
0x2a8: {  	s1 =	ssub.s32 @!p0 $0x0, s1;
	[sflag:s0] =	ssyncset.done @!p0 $0x0  }
0x2a9: {  	[sflag:s0] =	ssyncadd.s32 @!p0 s1  }
0x2aa: {  	[bflag:$0x3] =	sbarrier.arrive $0xFFFF  }
0x2ab: {  	_ =	shalt  }

</sc_bundles>
